<compile_context>
chip_gen: v7x
topology: tpu7x:2x2x1
jax: 0.10.2.dev20260603
libtpu: 0.0.44.dev20260713+nightly
codegen_flags: <defaults>
</compile_context>

<pallas_src>
import functools

import jax
import jax.numpy as jnp
from jax import lax
from jax.experimental import pallas as pl
from jax.experimental.pallas import tpu as pltpu
from jax.experimental.pallas import tpu_sc as plsc

R = 128
C = 32768
L = 16
NC = 2
NS = 16
NW = NC * NS
ROWS_PER_W = R // NW
CHUNKS = C // L
GRP = 16
GROUPS = CHUNKS // GRP


def _permute(v, perm):
    dnums = lax.GatherDimensionNumbers(
        offset_dims=(), collapsed_slice_dims=(0,), start_index_map=(0,))
    return lax.gather(v, perm[:, None], dnums, (1,),
                      mode=lax.GatherScatterMode.PROMISE_IN_BOUNDS)


def _body(x_hbm, out_hbm, in0, in1, zero_v, hot4, sem_in, sem_z, sem_p):
    cid = lax.axis_index("c")
    sid = lax.axis_index("s")
    wid = sid * NC + cid
    row0 = wid * ROWS_PER_W

    lanes = lax.iota(jnp.int32, 16)
    zero = jnp.zeros((L,), jnp.float32)
    one = jnp.ones((L,), jnp.float32)
    neg_inf = jnp.full((L,), -jnp.inf, jnp.float32)
    izero = jnp.zeros((L,), jnp.int32)

    in_bufs = [in0, in1]
    first = pltpu.async_copy(x_hbm.at[row0], in0, sem_in)
    pending = {0: first}

    def zbody(i, carry):
        zero_v[pl.ds(i * L, L)] = zero
        return carry

    lax.fori_loop(0, CHUNKS, zbody, 0, unroll=8)

    zcopies = [pltpu.async_copy(zero_v, out_hbm.at[row0 + r], sem_z)
               for r in range(ROWS_PER_W)]

    blks = []
    for r in range(ROWS_PER_W):
        buf = in_bufs[r % 2]
        pending.pop(r).wait()
        if r + 1 < ROWS_PER_W:
            pending[r + 1] = pltpu.async_copy(
                x_hbm.at[row0 + r + 1], in_bufs[(r + 1) % 2], sem_in)

        def g1(g, carry):
            m, gi = carry
            base = g * (GRP * L)
            accs = [buf[pl.ds(base + k * L, L)] for k in range(4)]
            for j in range(4, GRP):
                accs[j % 4] = jnp.maximum(accs[j % 4],
                                          buf[pl.ds(base + j * L, L)])
            gm = jnp.maximum(jnp.maximum(accs[0], accs[1]),
                             jnp.maximum(accs[2], accs[3]))
            upd = gm > m
            return jnp.where(upd, gm, m), jnp.where(upd, g, gi)

        mvec, gvec = lax.fori_loop(
            0, GROUPS, g1, (neg_inf, izero), unroll=2)

        for s in (8, 4, 2, 1):
            perm = lanes ^ s
            om = _permute(mvec, perm)
            og = _permute(gvec, perm)
            take = (om > mvec) | ((om == mvec) & (og < gvec))
            mvec = jnp.where(take, om, mvec)
            gvec = jnp.where(take, og, gvec)

        gbase = gvec[0] * (GRP * L)
        big = jnp.full((L,), jnp.int32(2**30), jnp.int32)
        imin = big
        for j in range(GRP):
            v = buf[pl.ds(gbase + j * L, L)]
            idx = lanes + (gbase + j * L)
            imin = jnp.minimum(imin, jnp.where(v == mvec, idx, big))
        for s in (8, 4, 2, 1):
            imin = jnp.minimum(imin, _permute(imin, lanes ^ s))

        best = imin[0]
        blk = best // L
        lane = best - blk * L
        hot4[pl.ds(r * L, L)] = jnp.where(lanes == lane, one, zero)
        blks.append(blk)

    for zc in zcopies:
        zc.wait()
    pcopies = [pltpu.async_copy(
        hot4.at[pl.ds(r * L, L)],
        out_hbm.at[row0 + r, pl.ds(blks[r] * L, L)], sem_p)
        for r in range(ROWS_PER_W)]
    for pc in pcopies:
        pc.wait()


@jax.jit
def kernel(x):
    mesh = plsc.VectorSubcoreMesh(core_axis_name="c", subcore_axis_name="s")
    f = pl.kernel(
        _body,
        mesh=mesh,
        out_type=jax.ShapeDtypeStruct((R, C), jnp.float32),
        scratch_types=[
            pltpu.VMEM((C,), jnp.float32),
            pltpu.VMEM((C,), jnp.float32),
            pltpu.VMEM((C,), jnp.float32),
            pltpu.VMEM((ROWS_PER_W * L,), jnp.float32),
            pltpu.SemaphoreType.DMA,
            pltpu.SemaphoreType.DMA,
            pltpu.SemaphoreType.DMA,
        ],
    )
    return f(x)

# --- scband reference (transcript-rebuilt; emitter-appended) ---
"""Pipeline reference for scband-differentiable-argmax-47665547051865 (READ-ONLY COPY).

The authoritative reference and input builder live on the scoring server;
editing this copy changes nothing except your own understanding.
"""

import jax, jax.numpy as jnp
import numpy as np


def setup_inputs(seed: int = 0) -> dict:
    key = jax.random.key(seed)
    x = jax.random.normal(key, (128, 32768), dtype=jnp.float32)
    return {"x": x}


def reference(x):
    # differentiable_argmax: softmax -> hard one-hot of argmax -> straight-through estimator
    y_soft = jax.nn.softmax(x, axis=-1)
    index = jnp.argmax(y_soft, axis=-1)
    y_hard = jax.nn.one_hot(index, x.shape[-1], dtype=x.dtype)
    # y_hard.detach() + y_soft - y_soft.detach()
    out = jax.lax.stop_gradient(y_hard) + y_soft - jax.lax.stop_gradient(y_soft)
    return out

if __name__ == "__main__":
    import jax
    _d = setup_inputs()
    print(jax.jit(kernel)(*tuple(_d.values())))

</pallas_src>

<mosaic_0001>
#map = affine_map<(d0, d1) -> (0, 0)>
module attributes {stable_mosaic.version = 14 : i64} {
  func.func @_body(%arg0: i32, %arg1: i32, %arg2: memref<128x32768xf32, #tpu.memory_space<hbm>>, %arg3: memref<128x32768xf32, #tpu.memory_space<hbm>>, %arg4: memref<32768xf32, #tpu.memory_space<vmem>>, %arg5: memref<32768xf32, #tpu.memory_space<vmem>>, %arg6: memref<32768xf32, #tpu.memory_space<vmem>>, %arg7: memref<64xf32, #tpu.memory_space<vmem>>, %arg8: memref<!tpu.dma_semaphore, #tpu.memory_space<semaphore_mem>>, %arg9: memref<!tpu.dma_semaphore, #tpu.memory_space<semaphore_mem>>, %arg10: memref<!tpu.dma_semaphore, #tpu.memory_space<semaphore_mem>>) attributes {dimension_semantics = [#tpu.dimension_semantics<core_parallel>, #tpu.dimension_semantics<subcore_parallel>], iteration_bounds = array<i64: 2, 16>, scalar_prefetch = 0 : i64, scratch_operands = 7 : i64, tpu.core_type = #tpu.core_type<sc_vector_subcore>, window_params = [{transform_indices = #map}, {transform_indices = #map}]} {
    %mul3A = arith.constant 2 : i32
    %mul3A_0 = arith.muli %arg1, %mul3A : i32
    %add3A = arith.addi %mul3A_0, %arg0 : i32
    %mul3A_1 = arith.constant 4 : i32
    %mul3A_2 = arith.muli %add3A, %mul3A_1 : i32
    %iota3A = tpu.iota {dimensions = array<i32: 0>} : vector<16xi32>
    %broadcast_in_dim3A = arith.constant 0.000000e+00 : f32
    %broadcast_in_dim3A_3 = vector.broadcast %broadcast_in_dim3A : f32 to vector<16xf32>
    %broadcast_in_dim3A_4 = arith.constant 1.000000e+00 : f32
    %broadcast_in_dim3A_5 = vector.broadcast %broadcast_in_dim3A_4 : f32 to vector<16xf32>
    %broadcast_in_dim3A_6 = arith.constant 0xFF800000 : f32
    %broadcast_in_dim3A_7 = vector.broadcast %broadcast_in_dim3A_6 : f32 to vector<16xf32>
    %broadcast_in_dim3A_8 = arith.constant 0 : i32
    %broadcast_in_dim3A_9 = vector.broadcast %broadcast_in_dim3A_8 : i32 to vector<16xi32>
    %dma_start3A = arith.constant 0 : i32
    %dma_start3A_10 = tpu.memref_slice %arg2[%mul3A_2, %dma_start3A] : memref<128x32768xf32, #tpu.memory_space<hbm>> -> memref<1x32768xf32, #tpu.memory_space<hbm>>
    %dma_start3A_11 = tpu.memref_squeeze %dma_start3A_10 : memref<1x32768xf32, #tpu.memory_space<hbm>> -> memref<32768xf32, #tpu.memory_space<hbm>>
    %dma_start3A_12 = arith.constant 0 : i32
    %dma_start3A_13 = tpu.memref_slice %arg2[%mul3A_2, %dma_start3A_12] : memref<128x32768xf32, #tpu.memory_space<hbm>> -> memref<1x32768xf32, #tpu.memory_space<hbm>>
    %dma_start3A_14 = tpu.memref_squeeze %dma_start3A_13 : memref<1x32768xf32, #tpu.memory_space<hbm>> -> memref<32768xf32, #tpu.memory_space<hbm>>
    tpu.enqueue_dma source(%dma_start3A_14 : memref<32768xf32, #tpu.memory_space<hbm>>) target(%arg4 : memref<32768xf32, #tpu.memory_space<vmem>>) target_semaphore(%arg8 : memref<!tpu.dma_semaphore, #tpu.memory_space<semaphore_mem>>)
    %scan3A = arith.constant 0 : i32
    %scan3A_15 = arith.constant 0 : i32
    %scan3A_16 = arith.constant 2048 : i32
    %scan3A_17 = arith.addi %scan3A_15, %scan3A_16 : i32
    %scan3A_18 = arith.constant 8 : i32
    scf.for %scan3A_1518 = %scan3A_15 to %scan3A_17 step %scan3A_18  : i32 {
      %mul3A_1519 = arith.constant 16 : i32
      %mul3A_1520 = arith.muli %scan3A_1518, %mul3A_1519 : i32
      %swap3A_1521 = arith.index_cast %mul3A_1520 : i32 to index
      %swap3A_1522 = tpu.vector_load %arg6[%swap3A_1521] {strides = array<i32>} : memref<32768xf32, #tpu.memory_space<vmem>>, vector<16xf32>,
      %swap3A_1523 = vector.shape_cast %swap3A_1522 : vector<16xf32> to vector<16xf32>
      %swap3A_1524 = vector.shape_cast %broadcast_in_dim3A_3 : vector<16xf32> to vector<16xf32>
      tpu.vector_store %arg6[%swap3A_1521], %swap3A_1524 {strides = array<i32>} : memref<32768xf32, #tpu.memory_space<vmem>>, vector<16xf32>,
      %scan3A_1525 = arith.constant 1 : i32
      %scan3A_1526 = arith.addi %scan3A_1518, %scan3A_1525 : i32
      %mul3A_1527 = arith.constant 16 : i32
      %mul3A_1528 = arith.muli %scan3A_1526, %mul3A_1527 : i32
      %swap3A_1529 = arith.index_cast %mul3A_1528 : i32 to index
      %swap3A_1530 = tpu.vector_load %arg6[%swap3A_1529] {strides = array<i32>} : memref<32768xf32, #tpu.memory_space<vmem>>, vector<16xf32>,
      %swap3A_1531 = vector.shape_cast %swap3A_1530 : vector<16xf32> to vector<16xf32>
      %swap3A_1532 = vector.shape_cast %broadcast_in_dim3A_3 : vector<16xf32> to vector<16xf32>
      tpu.vector_store %arg6[%swap3A_1529], %swap3A_1532 {strides = array<i32>} : memref<32768xf32, #tpu.memory_space<vmem>>, vector<16xf32>,
      %scan3A_1533 = arith.constant 2 : i32
      %scan3A_1534 = arith.addi %scan3A_1518, %scan3A_1533 : i32
      %mul3A_1535 = arith.constant 16 : i32
      %mul3A_1536 = arith.muli %scan3A_1534, %mul3A_1535 : i32
      %swap3A_1537 = arith.index_cast %mul3A_1536 : i32 to index
      %swap3A_1538 = tpu.vector_load %arg6[%swap3A_1537] {strides = array<i32>} : memref<32768xf32, #tpu.memory_space<vmem>>, vector<16xf32>,
      %swap3A_1539 = vector.shape_cast %swap3A_1538 : vector<16xf32> to vector<16xf32>
      %swap3A_1540 = vector.shape_cast %broadcast_in_dim3A_3 : vector<16xf32> to vector<16xf32>
      tpu.vector_store %arg6[%swap3A_1537], %swap3A_1540 {strides = array<i32>} : memref<32768xf32, #tpu.memory_space<vmem>>, vector<16xf32>,
      %scan3A_1541 = arith.constant 3 : i32
      %scan3A_1542 = arith.addi %scan3A_1518, %scan3A_1541 : i32
      %mul3A_1543 = arith.constant 16 : i32
      %mul3A_1544 = arith.muli %scan3A_1542, %mul3A_1543 : i32
      %swap3A_1545 = arith.index_cast %mul3A_1544 : i32 to index
      %swap3A_1546 = tpu.vector_load %arg6[%swap3A_1545] {strides = array<i32>} : memref<32768xf32, #tpu.memory_space<vmem>>, vector<16xf32>,
      %swap3A_1547 = vector.shape_cast %swap3A_1546 : vector<16xf32> to vector<16xf32>
      %swap3A_1548 = vector.shape_cast %broadcast_in_dim3A_3 : vector<16xf32> to vector<16xf32>
      tpu.vector_store %arg6[%swap3A_1545], %swap3A_1548 {strides = array<i32>} : memref<32768xf32, #tpu.memory_space<vmem>>, vector<16xf32>,
      %scan3A_1549 = arith.constant 4 : i32
      %scan3A_1550 = arith.addi %scan3A_1518, %scan3A_1549 : i32
      %mul3A_1551 = arith.constant 16 : i32
      %mul3A_1552 = arith.muli %scan3A_1550, %mul3A_1551 : i32
      %swap3A_1553 = arith.index_cast %mul3A_1552 : i32 to index
      %swap3A_1554 = tpu.vector_load %arg6[%swap3A_1553] {strides = array<i32>} : memref<32768xf32, #tpu.memory_space<vmem>>, vector<16xf32>,
      %swap3A_1555 = vector.shape_cast %swap3A_1554 : vector<16xf32> to vector<16xf32>
      %swap3A_1556 = vector.shape_cast %broadcast_in_dim3A_3 : vector<16xf32> to vector<16xf32>
      tpu.vector_store %arg6[%swap3A_1553], %swap3A_1556 {strides = array<i32>} : memref<32768xf32, #tpu.memory_space<vmem>>, vector<16xf32>,
      %scan3A_1557 = arith.constant 5 : i32
      %scan3A_1558 = arith.addi %scan3A_1518, %scan3A_1557 : i32
      %mul3A_1559 = arith.constant 16 : i32
      %mul3A_1560 = arith.muli %scan3A_1558, %mul3A_1559 : i32
      %swap3A_1561 = arith.index_cast %mul3A_1560 : i32 to index
      %swap3A_1562 = tpu.vector_load %arg6[%swap3A_1561] {strides = array<i32>} : memref<32768xf32, #tpu.memory_space<vmem>>, vector<16xf32>,
      %swap3A_1563 = vector.shape_cast %swap3A_1562 : vector<16xf32> to vector<16xf32>
      %swap3A_1564 = vector.shape_cast %broadcast_in_dim3A_3 : vector<16xf32> to vector<16xf32>
      tpu.vector_store %arg6[%swap3A_1561], %swap3A_1564 {strides = array<i32>} : memref<32768xf32, #tpu.memory_space<vmem>>, vector<16xf32>,
      %scan3A_1565 = arith.constant 6 : i32
      %scan3A_1566 = arith.addi %scan3A_1518, %scan3A_1565 : i32
      %mul3A_1567 = arith.constant 16 : i32
      %mul3A_1568 = arith.muli %scan3A_1566, %mul3A_1567 : i32
      %swap3A_1569 = arith.index_cast %mul3A_1568 : i32 to index
      %swap3A_1570 = tpu.vector_load %arg6[%swap3A_1569] {strides = array<i32>} : memref<32768xf32, #tpu.memory_space<vmem>>, vector<16xf32>,
      %swap3A_1571 = vector.shape_cast %swap3A_1570 : vector<16xf32> to vector<16xf32>
      %swap3A_1572 = vector.shape_cast %broadcast_in_dim3A_3 : vector<16xf32> to vector<16xf32>
      tpu.vector_store %arg6[%swap3A_1569], %swap3A_1572 {strides = array<i32>} : memref<32768xf32, #tpu.memory_space<vmem>>, vector<16xf32>,
      %scan3A_1573 = arith.constant 7 : i32
      %scan3A_1574 = arith.addi %scan3A_1518, %scan3A_1573 : i32
      %mul3A_1575 = arith.constant 16 : i32
      %mul3A_1576 = arith.muli %scan3A_1574, %mul3A_1575 : i32
      %swap3A_1577 = arith.index_cast %mul3A_1576 : i32 to index
      %swap3A_1578 = tpu.vector_load %arg6[%swap3A_1577] {strides = array<i32>} : memref<32768xf32, #tpu.memory_space<vmem>>, vector<16xf32>,
      %swap3A_1579 = vector.shape_cast %swap3A_1578 : vector<16xf32> to vector<16xf32>
      %swap3A_1580 = vector.shape_cast %broadcast_in_dim3A_3 : vector<16xf32> to vector<16xf32>
      tpu.vector_store %arg6[%swap3A_1577], %swap3A_1580 {strides = array<i32>} : memref<32768xf32, #tpu.memory_space<vmem>>, vector<16xf32>,
    }
    %scan3A_19 = arith.constant 2048 : i32
    %add3A_20 = arith.constant 0 : i32
    %add3A_21 = arith.addi %mul3A_2, %add3A_20 : i32
    %dma_start3A_22 = arith.constant 0 : i32
    %dma_start3A_23 = tpu.memref_slice %arg3[%add3A_21, %dma_start3A_22] : memref<128x32768xf32, #tpu.memory_space<hbm>> -> memref<1x32768xf32, #tpu.memory_space<hbm>>
    %dma_start3A_24 = tpu.memref_squeeze %dma_start3A_23 : memref<1x32768xf32, #tpu.memory_space<hbm>> -> memref<32768xf32, #tpu.memory_space<hbm>>
    %dma_start3A_25 = arith.constant 0 : i32
    %dma_start3A_26 = tpu.memref_slice %arg3[%add3A_21, %dma_start3A_25] : memref<128x32768xf32, #tpu.memory_space<hbm>> -> memref<1x32768xf32, #tpu.memory_space<hbm>>
    %dma_start3A_27 = tpu.memref_squeeze %dma_start3A_26 : memref<1x32768xf32, #tpu.memory_space<hbm>> -> memref<32768xf32, #tpu.memory_space<hbm>>
    tpu.enqueue_dma source(%arg6 : memref<32768xf32, #tpu.memory_space<vmem>>) target(%dma_start3A_27 : memref<32768xf32, #tpu.memory_space<hbm>>) target_semaphore(%arg9 : memref<!tpu.dma_semaphore, #tpu.memory_space<semaphore_mem>>)
    %add3A_28 = arith.constant 1 : i32
    %add3A_29 = arith.addi %mul3A_2, %add3A_28 : i32
    %dma_start3A_30 = arith.constant 0 : i32
    %dma_start3A_31 = tpu.memref_slice %arg3[%add3A_29, %dma_start3A_30] : memref<128x32768xf32, #tpu.memory_space<hbm>> -> memref<1x32768xf32, #tpu.memory_space<hbm>>
    %dma_start3A_32 = tpu.memref_squeeze %dma_start3A_31 : memref<1x32768xf32, #tpu.memory_space<hbm>> -> memref<32768xf32, #tpu.memory_space<hbm>>
    %dma_start3A_33 = arith.constant 0 : i32
    %dma_start3A_34 = tpu.memref_slice %arg3[%add3A_29, %dma_start3A_33] : memref<128x32768xf32, #tpu.memory_space<hbm>> -> memref<1x32768xf32, #tpu.memory_space<hbm>>
    %dma_start3A_35 = tpu.memref_squeeze %dma_start3A_34 : memref<1x32768xf32, #tpu.memory_space<hbm>> -> memref<32768xf32, #tpu.memory_space<hbm>>
    tpu.enqueue_dma source(%arg6 : memref<32768xf32, #tpu.memory_space<vmem>>) target(%dma_start3A_35 : memref<32768xf32, #tpu.memory_space<hbm>>) target_semaphore(%arg9 : memref<!tpu.dma_semaphore, #tpu.memory_space<semaphore_mem>>)
    %add3A_36 = arith.constant 2 : i32
    %add3A_37 = arith.addi %mul3A_2, %add3A_36 : i32
    %dma_start3A_38 = arith.constant 0 : i32
    %dma_start3A_39 = tpu.memref_slice %arg3[%add3A_37, %dma_start3A_38] : memref<128x32768xf32, #tpu.memory_space<hbm>> -> memref<1x32768xf32, #tpu.memory_space<hbm>>
    %dma_start3A_40 = tpu.memref_squeeze %dma_start3A_39 : memref<1x32768xf32, #tpu.memory_space<hbm>> -> memref<32768xf32, #tpu.memory_space<hbm>>
    %dma_start3A_41 = arith.constant 0 : i32
    %dma_start3A_42 = tpu.memref_slice %arg3[%add3A_37, %dma_start3A_41] : memref<128x32768xf32, #tpu.memory_space<hbm>> -> memref<1x32768xf32, #tpu.memory_space<hbm>>
    %dma_start3A_43 = tpu.memref_squeeze %dma_start3A_42 : memref<1x32768xf32, #tpu.memory_space<hbm>> -> memref<32768xf32, #tpu.memory_space<hbm>>
    tpu.enqueue_dma source(%arg6 : memref<32768xf32, #tpu.memory_space<vmem>>) target(%dma_start3A_43 : memref<32768xf32, #tpu.memory_space<hbm>>) target_semaphore(%arg9 : memref<!tpu.dma_semaphore, #tpu.memory_space<semaphore_mem>>)
    %add3A_44 = arith.constant 3 : i32
    %add3A_45 = arith.addi %mul3A_2, %add3A_44 : i32
    %dma_start3A_46 = arith.constant 0 : i32
    %dma_start3A_47 = tpu.memref_slice %arg3[%add3A_45, %dma_start3A_46] : memref<128x32768xf32, #tpu.memory_space<hbm>> -> memref<1x32768xf32, #tpu.memory_space<hbm>>
    %dma_start3A_48 = tpu.memref_squeeze %dma_start3A_47 : memref<1x32768xf32, #tpu.memory_space<hbm>> -> memref<32768xf32, #tpu.memory_space<hbm>>
    %dma_start3A_49 = arith.constant 0 : i32
    %dma_start3A_50 = tpu.memref_slice %arg3[%add3A_45, %dma_start3A_49] : memref<128x32768xf32, #tpu.memory_space<hbm>> -> memref<1x32768xf32, #tpu.memory_space<hbm>>
    %dma_start3A_51 = tpu.memref_squeeze %dma_start3A_50 : memref<1x32768xf32, #tpu.memory_space<hbm>> -> memref<32768xf32, #tpu.memory_space<hbm>>
    tpu.enqueue_dma source(%arg6 : memref<32768xf32, #tpu.memory_space<vmem>>) target(%dma_start3A_51 : memref<32768xf32, #tpu.memory_space<hbm>>) target_semaphore(%arg9 : memref<!tpu.dma_semaphore, #tpu.memory_space<semaphore_mem>>)
    %dma_wait3A = arith.constant 0 : i32
    %dma_wait3A_52 = tpu.memref_slice %arg2[%mul3A_2, %dma_wait3A] : memref<128x32768xf32, #tpu.memory_space<hbm>> -> memref<1x32768xf32, #tpu.memory_space<hbm>>
    %dma_wait3A_53 = tpu.memref_squeeze %dma_wait3A_52 : memref<1x32768xf32, #tpu.memory_space<hbm>> -> memref<32768xf32, #tpu.memory_space<hbm>>
    %dma_wait3A_54 = arith.constant 0 : i32
    %dma_wait3A_55 = tpu.memref_slice %arg2[%mul3A_2, %dma_wait3A_54] : memref<128x32768xf32, #tpu.memory_space<hbm>> -> memref<1x32768xf32, #tpu.memory_space<hbm>>
    %dma_wait3A_56 = tpu.memref_squeeze %dma_wait3A_55 : memref<1x32768xf32, #tpu.memory_space<hbm>> -> memref<32768xf32, #tpu.memory_space<hbm>>
    tpu.wait_dma2 semaphore(%arg8 : memref<!tpu.dma_semaphore, #tpu.memory_space<semaphore_mem>>) src(%dma_wait3A_56 : memref<32768xf32, #tpu.memory_space<hbm>>) dst(%arg4 : memref<32768xf32, #tpu.memory_space<vmem>>)
    %add3A_57 = arith.constant 0 : i32
    %add3A_58 = arith.addi %mul3A_2, %add3A_57 : i32
    %add3A_59 = arith.constant 1 : i32
    %add3A_60 = arith.addi %add3A_58, %add3A_59 : i32
    %dma_start3A_61 = arith.constant 0 : i32
    %dma_start3A_62 = tpu.memref_slice %arg2[%add3A_60, %dma_start3A_61] : memref<128x32768xf32, #tpu.memory_space<hbm>> -> memref<1x32768xf32, #tpu.memory_space<hbm>>
    %dma_start3A_63 = tpu.memref_squeeze %dma_start3A_62 : memref<1x32768xf32, #tpu.memory_space<hbm>> -> memref<32768xf32, #tpu.memory_space<hbm>>
    %dma_start3A_64 = arith.constant 0 : i32
    %dma_start3A_65 = tpu.memref_slice %arg2[%add3A_60, %dma_start3A_64] : memref<128x32768xf32, #tpu.memory_space<hbm>> -> memref<1x32768xf32, #tpu.memory_space<hbm>>
    %dma_start3A_66 = tpu.memref_squeeze %dma_start3A_65 : memref<1x32768xf32, #tpu.memory_space<hbm>> -> memref<32768xf32, #tpu.memory_space<hbm>>
    tpu.enqueue_dma source(%dma_start3A_66 : memref<32768xf32, #tpu.memory_space<hbm>>) target(%arg5 : memref<32768xf32, #tpu.memory_space<vmem>>) target_semaphore(%arg8 : memref<!tpu.dma_semaphore, #tpu.memory_space<semaphore_mem>>)
    %scan3A_67 = arith.constant 0 : i32
    %scan3A_68 = arith.constant 128 : i32
    %scan3A_69 = arith.addi %scan3A_67, %scan3A_68 : i32
    %scan3A_70 = arith.constant 2 : i32
    %scan3A_71:2 = scf.for %scan3A_1518 = %scan3A_67 to %scan3A_69 step %scan3A_70 iter_args(%scan3A_1519 = %broadcast_in_dim3A_7, %scan3A_1520 = %broadcast_in_dim3A_9) -> (vector<16xf32>, vector<16xi32>)  : i32 {
      %mul3A_1521 = arith.constant 256 : i32
      %mul3A_1522 = arith.muli %scan3A_1518, %mul3A_1521 : i32
      %add3A_1523 = arith.constant 0 : i32
      %add3A_1524 = arith.addi %mul3A_1522, %add3A_1523 : i32
      %get3A_1525 = arith.index_cast %add3A_1524 : i32 to index
      %get3A_1526 = tpu.vector_load %arg4[%get3A_1525] {strides = array<i32>} : memref<32768xf32, #tpu.memory_space<vmem>>, vector<16xf32>,
      %get3A_1527 = vector.shape_cast %get3A_1526 : vector<16xf32> to vector<16xf32>
      %add3A_1528 = arith.constant 16 : i32
      %add3A_1529 = arith.addi %mul3A_1522, %add3A_1528 : i32
      %get3A_1530 = arith.index_cast %add3A_1529 : i32 to index
      %get3A_1531 = tpu.vector_load %arg4[%get3A_1530] {strides = array<i32>} : memref<32768xf32, #tpu.memory_space<vmem>>, vector<16xf32>,
      %get3A_1532 = vector.shape_cast %get3A_1531 : vector<16xf32> to vector<16xf32>
      %add3A_1533 = arith.constant 32 : i32
      %add3A_1534 = arith.addi %mul3A_1522, %add3A_1533 : i32
      %get3A_1535 = arith.index_cast %add3A_1534 : i32 to index
      %get3A_1536 = tpu.vector_load %arg4[%get3A_1535] {strides = array<i32>} : memref<32768xf32, #tpu.memory_space<vmem>>, vector<16xf32>,
      %get3A_1537 = vector.shape_cast %get3A_1536 : vector<16xf32> to vector<16xf32>
      %add3A_1538 = arith.constant 48 : i32
      %add3A_1539 = arith.addi %mul3A_1522, %add3A_1538 : i32
      %get3A_1540 = arith.index_cast %add3A_1539 : i32 to index
      %get3A_1541 = tpu.vector_load %arg4[%get3A_1540] {strides = array<i32>} : memref<32768xf32, #tpu.memory_space<vmem>>, vector<16xf32>,
      %get3A_1542 = vector.shape_cast %get3A_1541 : vector<16xf32> to vector<16xf32>
      %add3A_1543 = arith.constant 64 : i32
      %add3A_1544 = arith.addi %mul3A_1522, %add3A_1543 : i32
      %get3A_1545 = arith.index_cast %add3A_1544 : i32 to index
      %get3A_1546 = tpu.vector_load %arg4[%get3A_1545] {strides = array<i32>} : memref<32768xf32, #tpu.memory_space<vmem>>, vector<16xf32>,
      %get3A_1547 = vector.shape_cast %get3A_1546 : vector<16xf32> to vector<16xf32>
      %max3A = arith.maximumf %get3A_1527, %get3A_1547 : vector<16xf32>
      %add3A_1548 = arith.constant 80 : i32
      %add3A_1549 = arith.addi %mul3A_1522, %add3A_1548 : i32
      %get3A_1550 = arith.index_cast %add3A_1549 : i32 to index
      %get3A_1551 = tpu.vector_load %arg4[%get3A_1550] {strides = array<i32>} : memref<32768xf32, #tpu.memory_space<vmem>>, vector<16xf32>,
      %get3A_1552 = vector.shape_cast %get3A_1551 : vector<16xf32> to vector<16xf32>
      %max3A_1553 = arith.maximumf %get3A_1532, %get3A_1552 : vector<16xf32>
      %add3A_1554 = arith.constant 96 : i32
      %add3A_1555 = arith.addi %mul3A_1522, %add3A_1554 : i32
      %get3A_1556 = arith.index_cast %add3A_1555 : i32 to index
      %get3A_1557 = tpu.vector_load %arg4[%get3A_1556] {strides = array<i32>} : memref<32768xf32, #tpu.memory_space<vmem>>, vector<16xf32>,
      %get3A_1558 = vector.shape_cast %get3A_1557 : vector<16xf32> to vector<16xf32>
      %max3A_1559 = arith.maximumf %get3A_1537, %get3A_1558 : vector<16xf32>
      %add3A_1560 = arith.constant 112 : i32
      %add3A_1561 = arith.addi %mul3A_1522, %add3A_1560 : i32
      %get3A_1562 = arith.index_cast %add3A_1561 : i32 to index
      %get3A_1563 = tpu.vector_load %arg4[%get3A_1562] {strides = array<i32>} : memref<32768xf32, #tpu.memory_space<vmem>>, vector<16xf32>,
      %get3A_1564 = vector.shape_cast %get3A_1563 : vector<16xf32> to vector<16xf32>
      %max3A_1565 = arith.maximumf %get3A_1542, %get3A_1564 : vector<16xf32>
      %add3A_1566 = arith.constant 128 : i32
      %add3A_1567 = arith.addi %mul3A_1522, %add3A_1566 : i32
      %get3A_1568 = arith.index_cast %add3A_1567 : i32 to index
      %get3A_1569 = tpu.vector_load %arg4[%get3A_1568] {strides = array<i32>} : memref<32768xf32, #tpu.memory_space<vmem>>, vector<16xf32>,
      %get3A_1570 = vector.shape_cast %get3A_1569 : vector<16xf32> to vector<16xf32>
      %max3A_1571 = arith.maximumf %max3A, %get3A_1570 : vector<16xf32>
      %add3A_1572 = arith.constant 144 : i32
      %add3A_1573 = arith.addi %mul3A_1522, %add3A_1572 : i32
      %get3A_1574 = arith.index_cast %add3A_1573 : i32 to index
      %get3A_1575 = tpu.vector_load %arg4[%get3A_1574] {strides = array<i32>} : memref<32768xf32, #tpu.memory_space<vmem>>, vector<16xf32>,
      %get3A_1576 = vector.shape_cast %get3A_1575 : vector<16xf32> to vector<16xf32>
      %max3A_1577 = arith.maximumf %max3A_1553, %get3A_1576 : vector<16xf32>
      %add3A_1578 = arith.constant 160 : i32
      %add3A_1579 = arith.addi %mul3A_1522, %add3A_1578 : i32
      %get3A_1580 = arith.index_cast %add3A_1579 : i32 to index
      %get3A_1581 = tpu.vector_load %arg4[%get3A_1580] {strides = array<i32>} : memref<32768xf32, #tpu.memory_space<vmem>>, vector<16xf32>,
      %get3A_1582 = vector.shape_cast %get3A_1581 : vector<16xf32> to vector<16xf32>
      %max3A_1583 = arith.maximumf %max3A_1559, %get3A_1582 : vector<16xf32>
      %add3A_1584 = arith.constant 176 : i32
      %add3A_1585 = arith.addi %mul3A_1522, %add3A_1584 : i32
      %get3A_1586 = arith.index_cast %add3A_1585 : i32 to index
      %get3A_1587 = tpu.vector_load %arg4[%get3A_1586] {strides = array<i32>} : memref<32768xf32, #tpu.memory_space<vmem>>, vector<16xf32>,
      %get3A_1588 = vector.shape_cast %get3A_1587 : vector<16xf32> to vector<16xf32>
      %max3A_1589 = arith.maximumf %max3A_1565, %get3A_1588 : vector<16xf32>
      %add3A_1590 = arith.constant 192 : i32
      %add3A_1591 = arith.addi %mul3A_1522, %add3A_1590 : i32
      %get3A_1592 = arith.index_cast %add3A_1591 : i32 to index
      %get3A_1593 = tpu.vector_load %arg4[%get3A_1592] {strides = array<i32>} : memref<32768xf32, #tpu.memory_space<vmem>>, vector<16xf32>,
      %get3A_1594 = vector.shape_cast %get3A_1593 : vector<16xf32> to vector<16xf32>
      %max3A_1595 = arith.maximumf %max3A_1571, %get3A_1594 : vector<16xf32>
      %add3A_1596 = arith.constant 208 : i32
      %add3A_1597 = arith.addi %mul3A_1522, %add3A_1596 : i32
      %get3A_1598 = arith.index_cast %add3A_1597 : i32 to index
      %get3A_1599 = tpu.vector_load %arg4[%get3A_1598] {strides = array<i32>} : memref<32768xf32, #tpu.memory_space<vmem>>, vector<16xf32>,
      %get3A_1600 = vector.shape_cast %get3A_1599 : vector<16xf32> to vector<16xf32>
      %max3A_1601 = arith.maximumf %max3A_1577, %get3A_1600 : vector<16xf32>
      %add3A_1602 = arith.constant 224 : i32
      %add3A_1603 = arith.addi %mul3A_1522, %add3A_1602 : i32
      %get3A_1604 = arith.index_cast %add3A_1603 : i32 to index
      %get3A_1605 = tpu.vector_load %arg4[%get3A_1604] {strides = array<i32>} : memref<32768xf32, #tpu.memory_space<vmem>>, vector<16xf32>,
      %get3A_1606 = vector.shape_cast %get3A_1605 : vector<16xf32> to vector<16xf32>
      %max3A_1607 = arith.maximumf %max3A_1583, %get3A_1606 : vector<16xf32>
      %add3A_1608 = arith.constant 240 : i32
      %add3A_1609 = arith.addi %mul3A_1522, %add3A_1608 : i32
      %get3A_1610 = arith.index_cast %add3A_1609 : i32 to index
      %get3A_1611 = tpu.vector_load %arg4[%get3A_1610] {strides = array<i32>} : memref<32768xf32, #tpu.memory_space<vmem>>, vector<16xf32>,
      %get3A_1612 = vector.shape_cast %get3A_1611 : vector<16xf32> to vector<16xf32>
      %max3A_1613 = arith.maximumf %max3A_1589, %get3A_1612 : vector<16xf32>
      %max3A_1614 = arith.maximumf %max3A_1595, %max3A_1601 : vector<16xf32>
      %max3A_1615 = arith.maximumf %max3A_1607, %max3A_1613 : vector<16xf32>
      %max3A_1616 = arith.maximumf %max3A_1614, %max3A_1615 : vector<16xf32>
      %gt3A_1617 = arith.cmpf ogt, %max3A_1616, %scan3A_1519 : vector<16xf32>
      %select_n3A_1618 = arith.select %gt3A_1617, %max3A_1616, %scan3A_1519 : vector<16xi1>, vector<16xf32>
      %broadcast_in_dim3A_1619 = vector.broadcast %scan3A_1518 : i32 to vector<16xi32>
      %select_n3A_1620 = arith.select %gt3A_1617, %broadcast_in_dim3A_1619, %scan3A_1520 : vector<16xi1>, vector<16xi32>
      %scan3A_1621 = arith.constant 1 : i32
      %scan3A_1622 = arith.addi %scan3A_1518, %scan3A_1621 : i32
      %mul3A_1623 = arith.constant 256 : i32
      %mul3A_1624 = arith.muli %scan3A_1622, %mul3A_1623 : i32
      %add3A_1625 = arith.constant 0 : i32
      %add3A_1626 = arith.addi %mul3A_1624, %add3A_1625 : i32
      %get3A_1627 = arith.index_cast %add3A_1626 : i32 to index
      %get3A_1628 = tpu.vector_load %arg4[%get3A_1627] {strides = array<i32>} : memref<32768xf32, #tpu.memory_space<vmem>>, vector<16xf32>,
      %get3A_1629 = vector.shape_cast %get3A_1628 : vector<16xf32> to vector<16xf32>
      %add3A_1630 = arith.constant 16 : i32
      %add3A_1631 = arith.addi %mul3A_1624, %add3A_1630 : i32
      %get3A_1632 = arith.index_cast %add3A_1631 : i32 to index
      %get3A_1633 = tpu.vector_load %arg4[%get3A_1632] {strides = array<i32>} : memref<32768xf32, #tpu.memory_space<vmem>>, vector<16xf32>,
      %get3A_1634 = vector.shape_cast %get3A_1633 : vector<16xf32> to vector<16xf32>
      %add3A_1635 = arith.constant 32 : i32
      %add3A_1636 = arith.addi %mul3A_1624, %add3A_1635 : i32
      %get3A_1637 = arith.index_cast %add3A_1636 : i32 to index
      %get3A_1638 = tpu.vector_load %arg4[%get3A_1637] {strides = array<i32>} : memref<32768xf32, #tpu.memory_space<vmem>>, vector<16xf32>,
      %get3A_1639 = vector.shape_cast %get3A_1638 : vector<16xf32> to vector<16xf32>
      %add3A_1640 = arith.constant 48 : i32
      %add3A_1641 = arith.addi %mul3A_1624, %add3A_1640 : i32
      %get3A_1642 = arith.index_cast %add3A_1641 : i32 to index
      %get3A_1643 = tpu.vector_load %arg4[%get3A_1642] {strides = array<i32>} : memref<32768xf32, #tpu.memory_space<vmem>>, vector<16xf32>,
      %get3A_1644 = vector.shape_cast %get3A_1643 : vector<16xf32> to vector<16xf32>
      %add3A_1645 = arith.constant 64 : i32
      %add3A_1646 = arith.addi %mul3A_1624, %add3A_1645 : i32
      %get3A_1647 = arith.index_cast %add3A_1646 : i32 to index
      %get3A_1648 = tpu.vector_load %arg4[%get3A_1647] {strides = array<i32>} : memref<32768xf32, #tpu.memory_space<vmem>>, vector<16xf32>,
      %get3A_1649 = vector.shape_cast %get3A_1648 : vector<16xf32> to vector<16xf32>
      %max3A_1650 = arith.maximumf %get3A_1629, %get3A_1649 : vector<16xf32>
      %add3A_1651 = arith.constant 80 : i32
      %add3A_1652 = arith.addi %mul3A_1624, %add3A_1651 : i32
      %get3A_1653 = arith.index_cast %add3A_1652 : i32 to index
      %get3A_1654 = tpu.vector_load %arg4[%get3A_1653] {strides = array<i32>} : memref<32768xf32, #tpu.memory_space<vmem>>, vector<16xf32>,
      %get3A_1655 = vector.shape_cast %get3A_1654 : vector<16xf32> to vector<16xf32>
      %max3A_1656 = arith.maximumf %get3A_1634, %get3A_1655 : vector<16xf32>
      %add3A_1657 = arith.constant 96 : i32
      %add3A_1658 = arith.addi %mul3A_1624, %add3A_1657 : i32
      %get3A_1659 = arith.index_cast %add3A_1658 : i32 to index
      %get3A_1660 = tpu.vector_load %arg4[%get3A_1659] {strides = array<i32>} : memref<32768xf32, #tpu.memory_space<vmem>>, vector<16xf32>,
      %get3A_1661 = vector.shape_cast %get3A_1660 : vector<16xf32> to vector<16xf32>
      %max3A_1662 = arith.maximumf %get3A_1639, %get3A_1661 : vector<16xf32>
      %add3A_1663 = arith.constant 112 : i32
      %add3A_1664 = arith.addi %mul3A_1624, %add3A_1663 : i32
      %get3A_1665 = arith.index_cast %add3A_1664 : i32 to index
      %get3A_1666 = tpu.vector_load %arg4[%get3A_1665] {strides = array<i32>} : memref<32768xf32, #tpu.memory_space<vmem>>, vector<16xf32>,
      %get3A_1667 = vector.shape_cast %get3A_1666 : vector<16xf32> to vector<16xf32>
      %max3A_1668 = arith.maximumf %get3A_1644, %get3A_1667 : vector<16xf32>
      %add3A_1669 = arith.constant 128 : i32
      %add3A_1670 = arith.addi %mul3A_1624, %add3A_1669 : i32
      %get3A_1671 = arith.index_cast %add3A_1670 : i32 to index
      %get3A_1672 = tpu.vector_load %arg4[%get3A_1671] {strides = array<i32>} : memref<32768xf32, #tpu.memory_space<vmem>>, vector<16xf32>,
      %get3A_1673 = vector.shape_cast %get3A_1672 : vector<16xf32> to vector<16xf32>
      %max3A_1674 = arith.maximumf %max3A_1650, %get3A_1673 : vector<16xf32>
      %add3A_1675 = arith.constant 144 : i32
      %add3A_1676 = arith.addi %mul3A_1624, %add3A_1675 : i32
      %get3A_1677 = arith.index_cast %add3A_1676 : i32 to index
      %get3A_1678 = tpu.vector_load %arg4[%get3A_1677] {strides = array<i32>} : memref<32768xf32, #tpu.memory_space<vmem>>, vector<16xf32>,
      %get3A_1679 = vector.shape_cast %get3A_1678 : vector<16xf32> to vector<16xf32>
      %max3A_1680 = arith.maximumf %max3A_1656, %get3A_1679 : vector<16xf32>
      %add3A_1681 = arith.constant 160 : i32
      %add3A_1682 = arith.addi %mul3A_1624, %add3A_1681 : i32
      %get3A_1683 = arith.index_cast %add3A_1682 : i32 to index
      %get3A_1684 = tpu.vector_load %arg4[%get3A_1683] {strides = array<i32>} : memref<32768xf32, #tpu.memory_space<vmem>>, vector<16xf32>,
      %get3A_1685 = vector.shape_cast %get3A_1684 : vector<16xf32> to vector<16xf32>
      %max3A_1686 = arith.maximumf %max3A_1662, %get3A_1685 : vector<16xf32>
      %add3A_1687 = arith.constant 176 : i32
      %add3A_1688 = arith.addi %mul3A_1624, %add3A_1687 : i32
      %get3A_1689 = arith.index_cast %add3A_1688 : i32 to index
      %get3A_1690 = tpu.vector_load %arg4[%get3A_1689] {strides = array<i32>} : memref<32768xf32, #tpu.memory_space<vmem>>, vector<16xf32>,
      %get3A_1691 = vector.shape_cast %get3A_1690 : vector<16xf32> to vector<16xf32>
      %max3A_1692 = arith.maximumf %max3A_1668, %get3A_1691 : vector<16xf32>
      %add3A_1693 = arith.constant 192 : i32
      %add3A_1694 = arith.addi %mul3A_1624, %add3A_1693 : i32
      %get3A_1695 = arith.index_cast %add3A_1694 : i32 to index
      %get3A_1696 = tpu.vector_load %arg4[%get3A_1695] {strides = array<i32>} : memref<32768xf32, #tpu.memory_space<vmem>>, vector<16xf32>,
      %get3A_1697 = vector.shape_cast %get3A_1696 : vector<16xf32> to vector<16xf32>
      %max3A_1698 = arith.maximumf %max3A_1674, %get3A_1697 : vector<16xf32>
      %add3A_1699 = arith.constant 208 : i32
      %add3A_1700 = arith.addi %mul3A_1624, %add3A_1699 : i32
      %get3A_1701 = arith.index_cast %add3A_1700 : i32 to index
      %get3A_1702 = tpu.vector_load %arg4[%get3A_1701] {strides = array<i32>} : memref<32768xf32, #tpu.memory_space<vmem>>, vector<16xf32>,
      %get3A_1703 = vector.shape_cast %get3A_1702 : vector<16xf32> to vector<16xf32>
      %max3A_1704 = arith.maximumf %max3A_1680, %get3A_1703 : vector<16xf32>
      %add3A_1705 = arith.constant 224 : i32
      %add3A_1706 = arith.addi %mul3A_1624, %add3A_1705 : i32
      %get3A_1707 = arith.index_cast %add3A_1706 : i32 to index
      %get3A_1708 = tpu.vector_load %arg4[%get3A_1707] {strides = array<i32>} : memref<32768xf32, #tpu.memory_space<vmem>>, vector<16xf32>,
      %get3A_1709 = vector.shape_cast %get3A_1708 : vector<16xf32> to vector<16xf32>
      %max3A_1710 = arith.maximumf %max3A_1686, %get3A_1709 : vector<16xf32>
      %add3A_1711 = arith.constant 240 : i32
      %add3A_1712 = arith.addi %mul3A_1624, %add3A_1711 : i32
      %get3A_1713 = arith.index_cast %add3A_1712 : i32 to index
      %get3A_1714 = tpu.vector_load %arg4[%get3A_1713] {strides = array<i32>} : memref<32768xf32, #tpu.memory_space<vmem>>, vector<16xf32>,
      %get3A_1715 = vector.shape_cast %get3A_1714 : vector<16xf32> to vector<16xf32>
      %max3A_1716 = arith.maximumf %max3A_1692, %get3A_1715 : vector<16xf32>
      %max3A_1717 = arith.maximumf %max3A_1698, %max3A_1704 : vector<16xf32>
      %max3A_1718 = arith.maximumf %max3A_1710, %max3A_1716 : vector<16xf32>
      %max3A_1719 = arith.maximumf %max3A_1717, %max3A_1718 : vector<16xf32>
      %gt3A_1720 = arith.cmpf ogt, %max3A_1719, %select_n3A_1618 : vector<16xf32>
      %select_n3A_1721 = arith.select %gt3A_1720, %max3A_1719, %select_n3A_1618 : vector<16xi1>, vector<16xf32>
      %broadcast_in_dim3A_1722 = vector.broadcast %scan3A_1622 : i32 to vector<16xi32>
      %select_n3A_1723 = arith.select %gt3A_1720, %broadcast_in_dim3A_1722, %select_n3A_1620 : vector<16xi1>, vector<16xi32>
      scf.yield %select_n3A_1721, %select_n3A_1723 : vector<16xf32>, vector<16xi32>
    }
    %scan3A_72 = arith.constant 128 : i32
    %xor3A = arith.constant 8 : i32
    %xor3A_73 = vector.broadcast %xor3A : i32 to vector<16xi32>
    %xor3A_74 = arith.xori %iota3A, %xor3A_73 : vector<16xi32>
    %broadcast_in_dim3A_75 = vector.shape_cast %xor3A_74 : vector<16xi32> to vector<16x1xi32>
    %gather3A = vector.shape_cast %broadcast_in_dim3A_75 : vector<16x1xi32> to vector<16xi32>
    %gather3A_76 = tpu.dynamic_gather %scan3A_71#0[%gather3A] in [0] : vector<16xf32>, vector<16xi32> -> vector<16xf32>
    %broadcast_in_dim3A_77 = vector.shape_cast %xor3A_74 : vector<16xi32> to vector<16x1xi32>
    %gather3A_78 = vector.shape_cast %broadcast_in_dim3A_77 : vector<16x1xi32> to vector<16xi32>
    %gather3A_79 = tpu.dynamic_gather %scan3A_71#1[%gather3A_78] in [0] : vector<16xi32>, vector<16xi32> -> vector<16xi32>
    %gt3A = arith.cmpf ogt, %gather3A_76, %scan3A_71#0 : vector<16xf32>
    %eq3A = arith.cmpf oeq, %gather3A_76, %scan3A_71#0 : vector<16xf32>
    %lt3A = arith.cmpi slt, %gather3A_79, %scan3A_71#1 : vector<16xi32>
    %and3A = arith.andi %eq3A, %lt3A : vector<16xi1>
    %or3A = arith.ori %gt3A, %and3A : vector<16xi1>
    %select_n3A = arith.select %or3A, %gather3A_76, %scan3A_71#0 : vector<16xi1>, vector<16xf32>
    %select_n3A_80 = arith.select %or3A, %gather3A_79, %scan3A_71#1 : vector<16xi1>, vector<16xi32>
    %xor3A_81 = arith.constant 4 : i32
    %xor3A_82 = vector.broadcast %xor3A_81 : i32 to vector<16xi32>
    %xor3A_83 = arith.xori %iota3A, %xor3A_82 : vector<16xi32>
    %broadcast_in_dim3A_84 = vector.shape_cast %xor3A_83 : vector<16xi32> to vector<16x1xi32>
    %gather3A_85 = vector.shape_cast %broadcast_in_dim3A_84 : vector<16x1xi32> to vector<16xi32>
    %gather3A_86 = tpu.dynamic_gather %select_n3A[%gather3A_85] in [0] : vector<16xf32>, vector<16xi32> -> vector<16xf32>
    %broadcast_in_dim3A_87 = vector.shape_cast %xor3A_83 : vector<16xi32> to vector<16x1xi32>
    %gather3A_88 = vector.shape_cast %broadcast_in_dim3A_87 : vector<16x1xi32> to vector<16xi32>
    %gather3A_89 = tpu.dynamic_gather %select_n3A_80[%gather3A_88] in [0] : vector<16xi32>, vector<16xi32> -> vector<16xi32>
    %gt3A_90 = arith.cmpf ogt, %gather3A_86, %select_n3A : vector<16xf32>
    %eq3A_91 = arith.cmpf oeq, %gather3A_86, %select_n3A : vector<16xf32>
    %lt3A_92 = arith.cmpi slt, %gather3A_89, %select_n3A_80 : vector<16xi32>
    %and3A_93 = arith.andi %eq3A_91, %lt3A_92 : vector<16xi1>
    %or3A_94 = arith.ori %gt3A_90, %and3A_93 : vector<16xi1>
    %select_n3A_95 = arith.select %or3A_94, %gather3A_86, %select_n3A : vector<16xi1>, vector<16xf32>
    %select_n3A_96 = arith.select %or3A_94, %gather3A_89, %select_n3A_80 : vector<16xi1>, vector<16xi32>
    %xor3A_97 = arith.constant 2 : i32
    %xor3A_98 = vector.broadcast %xor3A_97 : i32 to vector<16xi32>
    %xor3A_99 = arith.xori %iota3A, %xor3A_98 : vector<16xi32>
    %broadcast_in_dim3A_100 = vector.shape_cast %xor3A_99 : vector<16xi32> to vector<16x1xi32>
    %gather3A_101 = vector.shape_cast %broadcast_in_dim3A_100 : vector<16x1xi32> to vector<16xi32>
    %gather3A_102 = tpu.dynamic_gather %select_n3A_95[%gather3A_101] in [0] : vector<16xf32>, vector<16xi32> -> vector<16xf32>
    %broadcast_in_dim3A_103 = vector.shape_cast %xor3A_99 : vector<16xi32> to vector<16x1xi32>
    %gather3A_104 = vector.shape_cast %broadcast_in_dim3A_103 : vector<16x1xi32> to vector<16xi32>
    %gather3A_105 = tpu.dynamic_gather %select_n3A_96[%gather3A_104] in [0] : vector<16xi32>, vector<16xi32> -> vector<16xi32>
    %gt3A_106 = arith.cmpf ogt, %gather3A_102, %select_n3A_95 : vector<16xf32>
    %eq3A_107 = arith.cmpf oeq, %gather3A_102, %select_n3A_95 : vector<16xf32>
    %lt3A_108 = arith.cmpi slt, %gather3A_105, %select_n3A_96 : vector<16xi32>
    %and3A_109 = arith.andi %eq3A_107, %lt3A_108 : vector<16xi1>
    %or3A_110 = arith.ori %gt3A_106, %and3A_109 : vector<16xi1>
    %select_n3A_111 = arith.select %or3A_110, %gather3A_102, %select_n3A_95 : vector<16xi1>, vector<16xf32>
    %select_n3A_112 = arith.select %or3A_110, %gather3A_105, %select_n3A_96 : vector<16xi1>, vector<16xi32>
    %xor3A_113 = arith.constant 1 : i32
    %xor3A_114 = vector.broadcast %xor3A_113 : i32 to vector<16xi32>
    %xor3A_115 = arith.xori %iota3A, %xor3A_114 : vector<16xi32>
    %broadcast_in_dim3A_116 = vector.shape_cast %xor3A_115 : vector<16xi32> to vector<16x1xi32>
    %gather3A_117 = vector.shape_cast %broadcast_in_dim3A_116 : vector<16x1xi32> to vector<16xi32>
    %gather3A_118 = tpu.dynamic_gather %select_n3A_111[%gather3A_117] in [0] : vector<16xf32>, vector<16xi32> -> vector<16xf32>
    %broadcast_in_dim3A_119 = vector.shape_cast %xor3A_115 : vector<16xi32> to vector<16x1xi32>
    %gather3A_120 = vector.shape_cast %broadcast_in_dim3A_119 : vector<16x1xi32> to vector<16xi32>
    %gather3A_121 = tpu.dynamic_gather %select_n3A_112[%gather3A_120] in [0] : vector<16xi32>, vector<16xi32> -> vector<16xi32>
    %gt3A_122 = arith.cmpf ogt, %gather3A_118, %select_n3A_111 : vector<16xf32>
    %eq3A_123 = arith.cmpf oeq, %gather3A_118, %select_n3A_111 : vector<16xf32>
    %lt3A_124 = arith.cmpi slt, %gather3A_121, %select_n3A_112 : vector<16xi32>
    %and3A_125 = arith.andi %eq3A_123, %lt3A_124 : vector<16xi1>
    %or3A_126 = arith.ori %gt3A_122, %and3A_125 : vector<16xi1>
    %select_n3A_127 = arith.select %or3A_126, %gather3A_118, %select_n3A_111 : vector<16xi1>, vector<16xf32>
    %select_n3A_128 = arith.select %or3A_126, %gather3A_121, %select_n3A_112 : vector<16xi1>, vector<16xi32>
    %slice3A = vector.extract_strided_slice %select_n3A_128 {offsets = [0], sizes = [1], strides = [1]} : vector<16xi32> to vector<1xi32>
    %squeeze3A = vector.extract %slice3A[0] : i32 from vector<1xi32>
    %mul3A_129 = arith.constant 256 : i32
    %mul3A_130 = arith.muli %squeeze3A, %mul3A_129 : i32
    %broadcast_in_dim3A_131 = arith.constant 1073741824 : i32
    %broadcast_in_dim3A_132 = vector.broadcast %broadcast_in_dim3A_131 : i32 to vector<16xi32>
    %add3A_133 = arith.constant 0 : i32
    %add3A_134 = arith.addi %mul3A_130, %add3A_133 : i32
    %get3A = arith.index_cast %add3A_134 : i32 to index
    %get3A_135 = tpu.vector_load %arg4[%get3A] {strides = array<i32>} : memref<32768xf32, #tpu.memory_space<vmem>>, vector<16xf32>,
    %get3A_136 = vector.shape_cast %get3A_135 : vector<16xf32> to vector<16xf32>
    %add3A_137 = arith.constant 0 : i32
    %add3A_138 = arith.addi %mul3A_130, %add3A_137 : i32
    %add3A_139 = vector.broadcast %add3A_138 : i32 to vector<16xi32>
    %add3A_140 = arith.addi %iota3A, %add3A_139 : vector<16xi32>
    %eq3A_141 = arith.cmpf oeq, %get3A_136, %select_n3A_127 : vector<16xf32>
    %select_n3A_142 = arith.select %eq3A_141, %add3A_140, %broadcast_in_dim3A_132 : vector<16xi1>, vector<16xi32>
    %min3A = arith.minsi %broadcast_in_dim3A_132, %select_n3A_142 : vector<16xi32>
    %add3A_143 = arith.constant 16 : i32
    %add3A_144 = arith.addi %mul3A_130, %add3A_143 : i32
    %get3A_145 = arith.index_cast %add3A_144 : i32 to index
    %get3A_146 = tpu.vector_load %arg4[%get3A_145] {strides = array<i32>} : memref<32768xf32, #tpu.memory_space<vmem>>, vector<16xf32>,
    %get3A_147 = vector.shape_cast %get3A_146 : vector<16xf32> to vector<16xf32>
    %add3A_148 = arith.constant 16 : i32
    %add3A_149 = arith.addi %mul3A_130, %add3A_148 : i32
    %add3A_150 = vector.broadcast %add3A_149 : i32 to vector<16xi32>
    %add3A_151 = arith.addi %iota3A, %add3A_150 : vector<16xi32>
    %eq3A_152 = arith.cmpf oeq, %get3A_147, %select_n3A_127 : vector<16xf32>
    %select_n3A_153 = arith.select %eq3A_152, %add3A_151, %broadcast_in_dim3A_132 : vector<16xi1>, vector<16xi32>
    %min3A_154 = arith.minsi %min3A, %select_n3A_153 : vector<16xi32>
    %add3A_155 = arith.constant 32 : i32
    %add3A_156 = arith.addi %mul3A_130, %add3A_155 : i32
    %get3A_157 = arith.index_cast %add3A_156 : i32 to index
    %get3A_158 = tpu.vector_load %arg4[%get3A_157] {strides = array<i32>} : memref<32768xf32, #tpu.memory_space<vmem>>, vector<16xf32>,
    %get3A_159 = vector.shape_cast %get3A_158 : vector<16xf32> to vector<16xf32>
    %add3A_160 = arith.constant 32 : i32
    %add3A_161 = arith.addi %mul3A_130, %add3A_160 : i32
    %add3A_162 = vector.broadcast %add3A_161 : i32 to vector<16xi32>
    %add3A_163 = arith.addi %iota3A, %add3A_162 : vector<16xi32>
    %eq3A_164 = arith.cmpf oeq, %get3A_159, %select_n3A_127 : vector<16xf32>
    %select_n3A_165 = arith.select %eq3A_164, %add3A_163, %broadcast_in_dim3A_132 : vector<16xi1>, vector<16xi32>
    %min3A_166 = arith.minsi %min3A_154, %select_n3A_165 : vector<16xi32>
    %add3A_167 = arith.constant 48 : i32
    %add3A_168 = arith.addi %mul3A_130, %add3A_167 : i32
    %get3A_169 = arith.index_cast %add3A_168 : i32 to index
    %get3A_170 = tpu.vector_load %arg4[%get3A_169] {strides = array<i32>} : memref<32768xf32, #tpu.memory_space<vmem>>, vector<16xf32>,
    %get3A_171 = vector.shape_cast %get3A_170 : vector<16xf32> to vector<16xf32>
    %add3A_172 = arith.constant 48 : i32
    %add3A_173 = arith.addi %mul3A_130, %add3A_172 : i32
    %add3A_174 = vector.broadcast %add3A_173 : i32 to vector<16xi32>
    %add3A_175 = arith.addi %iota3A, %add3A_174 : vector<16xi32>
    %eq3A_176 = arith.cmpf oeq, %get3A_171, %select_n3A_127 : vector<16xf32>
    %select_n3A_177 = arith.select %eq3A_176, %add3A_175, %broadcast_in_dim3A_132 : vector<16xi1>, vector<16xi32>
    %min3A_178 = arith.minsi %min3A_166, %select_n3A_177 : vector<16xi32>
    %add3A_179 = arith.constant 64 : i32
    %add3A_180 = arith.addi %mul3A_130, %add3A_179 : i32
    %get3A_181 = arith.index_cast %add3A_180 : i32 to index
    %get3A_182 = tpu.vector_load %arg4[%get3A_181] {strides = array<i32>} : memref<32768xf32, #tpu.memory_space<vmem>>, vector<16xf32>,
    %get3A_183 = vector.shape_cast %get3A_182 : vector<16xf32> to vector<16xf32>
    %add3A_184 = arith.constant 64 : i32
    %add3A_185 = arith.addi %mul3A_130, %add3A_184 : i32
    %add3A_186 = vector.broadcast %add3A_185 : i32 to vector<16xi32>
    %add3A_187 = arith.addi %iota3A, %add3A_186 : vector<16xi32>
    %eq3A_188 = arith.cmpf oeq, %get3A_183, %select_n3A_127 : vector<16xf32>
    %select_n3A_189 = arith.select %eq3A_188, %add3A_187, %broadcast_in_dim3A_132 : vector<16xi1>, vector<16xi32>
    %min3A_190 = arith.minsi %min3A_178, %select_n3A_189 : vector<16xi32>
    %add3A_191 = arith.constant 80 : i32
    %add3A_192 = arith.addi %mul3A_130, %add3A_191 : i32
    %get3A_193 = arith.index_cast %add3A_192 : i32 to index
    %get3A_194 = tpu.vector_load %arg4[%get3A_193] {strides = array<i32>} : memref<32768xf32, #tpu.memory_space<vmem>>, vector<16xf32>,
    %get3A_195 = vector.shape_cast %get3A_194 : vector<16xf32> to vector<16xf32>
    %add3A_196 = arith.constant 80 : i32
    %add3A_197 = arith.addi %mul3A_130, %add3A_196 : i32
    %add3A_198 = vector.broadcast %add3A_197 : i32 to vector<16xi32>
    %add3A_199 = arith.addi %iota3A, %add3A_198 : vector<16xi32>
    %eq3A_200 = arith.cmpf oeq, %get3A_195, %select_n3A_127 : vector<16xf32>
    %select_n3A_201 = arith.select %eq3A_200, %add3A_199, %broadcast_in_dim3A_132 : vector<16xi1>, vector<16xi32>
    %min3A_202 = arith.minsi %min3A_190, %select_n3A_201 : vector<16xi32>
    %add3A_203 = arith.constant 96 : i32
    %add3A_204 = arith.addi %mul3A_130, %add3A_203 : i32
    %get3A_205 = arith.index_cast %add3A_204 : i32 to index
    %get3A_206 = tpu.vector_load %arg4[%get3A_205] {strides = array<i32>} : memref<32768xf32, #tpu.memory_space<vmem>>, vector<16xf32>,
    %get3A_207 = vector.shape_cast %get3A_206 : vector<16xf32> to vector<16xf32>
    %add3A_208 = arith.constant 96 : i32
    %add3A_209 = arith.addi %mul3A_130, %add3A_208 : i32
    %add3A_210 = vector.broadcast %add3A_209 : i32 to vector<16xi32>
    %add3A_211 = arith.addi %iota3A, %add3A_210 : vector<16xi32>
    %eq3A_212 = arith.cmpf oeq, %get3A_207, %select_n3A_127 : vector<16xf32>
    %select_n3A_213 = arith.select %eq3A_212, %add3A_211, %broadcast_in_dim3A_132 : vector<16xi1>, vector<16xi32>
    %min3A_214 = arith.minsi %min3A_202, %select_n3A_213 : vector<16xi32>
    %add3A_215 = arith.constant 112 : i32
    %add3A_216 = arith.addi %mul3A_130, %add3A_215 : i32
    %get3A_217 = arith.index_cast %add3A_216 : i32 to index
    %get3A_218 = tpu.vector_load %arg4[%get3A_217] {strides = array<i32>} : memref<32768xf32, #tpu.memory_space<vmem>>, vector<16xf32>,
    %get3A_219 = vector.shape_cast %get3A_218 : vector<16xf32> to vector<16xf32>
    %add3A_220 = arith.constant 112 : i32
    %add3A_221 = arith.addi %mul3A_130, %add3A_220 : i32
    %add3A_222 = vector.broadcast %add3A_221 : i32 to vector<16xi32>
    %add3A_223 = arith.addi %iota3A, %add3A_222 : vector<16xi32>
    %eq3A_224 = arith.cmpf oeq, %get3A_219, %select_n3A_127 : vector<16xf32>
    %select_n3A_225 = arith.select %eq3A_224, %add3A_223, %broadcast_in_dim3A_132 : vector<16xi1>, vector<16xi32>
    %min3A_226 = arith.minsi %min3A_214, %select_n3A_225 : vector<16xi32>
    %add3A_227 = arith.constant 128 : i32
    %add3A_228 = arith.addi %mul3A_130, %add3A_227 : i32
    %get3A_229 = arith.index_cast %add3A_228 : i32 to index
    %get3A_230 = tpu.vector_load %arg4[%get3A_229] {strides = array<i32>} : memref<32768xf32, #tpu.memory_space<vmem>>, vector<16xf32>,
    %get3A_231 = vector.shape_cast %get3A_230 : vector<16xf32> to vector<16xf32>
    %add3A_232 = arith.constant 128 : i32
    %add3A_233 = arith.addi %mul3A_130, %add3A_232 : i32
    %add3A_234 = vector.broadcast %add3A_233 : i32 to vector<16xi32>
    %add3A_235 = arith.addi %iota3A, %add3A_234 : vector<16xi32>
    %eq3A_236 = arith.cmpf oeq, %get3A_231, %select_n3A_127 : vector<16xf32>
    %select_n3A_237 = arith.select %eq3A_236, %add3A_235, %broadcast_in_dim3A_132 : vector<16xi1>, vector<16xi32>
    %min3A_238 = arith.minsi %min3A_226, %select_n3A_237 : vector<16xi32>
    %add3A_239 = arith.constant 144 : i32
    %add3A_240 = arith.addi %mul3A_130, %add3A_239 : i32
    %get3A_241 = arith.index_cast %add3A_240 : i32 to index
    %get3A_242 = tpu.vector_load %arg4[%get3A_241] {strides = array<i32>} : memref<32768xf32, #tpu.memory_space<vmem>>, vector<16xf32>,
    %get3A_243 = vector.shape_cast %get3A_242 : vector<16xf32> to vector<16xf32>
    %add3A_244 = arith.constant 144 : i32
    %add3A_245 = arith.addi %mul3A_130, %add3A_244 : i32
    %add3A_246 = vector.broadcast %add3A_245 : i32 to vector<16xi32>
    %add3A_247 = arith.addi %iota3A, %add3A_246 : vector<16xi32>
    %eq3A_248 = arith.cmpf oeq, %get3A_243, %select_n3A_127 : vector<16xf32>
    %select_n3A_249 = arith.select %eq3A_248, %add3A_247, %broadcast_in_dim3A_132 : vector<16xi1>, vector<16xi32>
    %min3A_250 = arith.minsi %min3A_238, %select_n3A_249 : vector<16xi32>
    %add3A_251 = arith.constant 160 : i32
    %add3A_252 = arith.addi %mul3A_130, %add3A_251 : i32
    %get3A_253 = arith.index_cast %add3A_252 : i32 to index
    %get3A_254 = tpu.vector_load %arg4[%get3A_253] {strides = array<i32>} : memref<32768xf32, #tpu.memory_space<vmem>>, vector<16xf32>,
    %get3A_255 = vector.shape_cast %get3A_254 : vector<16xf32> to vector<16xf32>
    %add3A_256 = arith.constant 160 : i32
    %add3A_257 = arith.addi %mul3A_130, %add3A_256 : i32
    %add3A_258 = vector.broadcast %add3A_257 : i32 to vector<16xi32>
    %add3A_259 = arith.addi %iota3A, %add3A_258 : vector<16xi32>
    %eq3A_260 = arith.cmpf oeq, %get3A_255, %select_n3A_127 : vector<16xf32>
    %select_n3A_261 = arith.select %eq3A_260, %add3A_259, %broadcast_in_dim3A_132 : vector<16xi1>, vector<16xi32>
    %min3A_262 = arith.minsi %min3A_250, %select_n3A_261 : vector<16xi32>
    %add3A_263 = arith.constant 176 : i32
    %add3A_264 = arith.addi %mul3A_130, %add3A_263 : i32
    %get3A_265 = arith.index_cast %add3A_264 : i32 to index
    %get3A_266 = tpu.vector_load %arg4[%get3A_265] {strides = array<i32>} : memref<32768xf32, #tpu.memory_space<vmem>>, vector<16xf32>,
    %get3A_267 = vector.shape_cast %get3A_266 : vector<16xf32> to vector<16xf32>
    %add3A_268 = arith.constant 176 : i32
    %add3A_269 = arith.addi %mul3A_130, %add3A_268 : i32
    %add3A_270 = vector.broadcast %add3A_269 : i32 to vector<16xi32>
    %add3A_271 = arith.addi %iota3A, %add3A_270 : vector<16xi32>
    %eq3A_272 = arith.cmpf oeq, %get3A_267, %select_n3A_127 : vector<16xf32>
    %select_n3A_273 = arith.select %eq3A_272, %add3A_271, %broadcast_in_dim3A_132 : vector<16xi1>, vector<16xi32>
    %min3A_274 = arith.minsi %min3A_262, %select_n3A_273 : vector<16xi32>
    %add3A_275 = arith.constant 192 : i32
    %add3A_276 = arith.addi %mul3A_130, %add3A_275 : i32
    %get3A_277 = arith.index_cast %add3A_276 : i32 to index
    %get3A_278 = tpu.vector_load %arg4[%get3A_277] {strides = array<i32>} : memref<32768xf32, #tpu.memory_space<vmem>>, vector<16xf32>,
    %get3A_279 = vector.shape_cast %get3A_278 : vector<16xf32> to vector<16xf32>
    %add3A_280 = arith.constant 192 : i32
    %add3A_281 = arith.addi %mul3A_130, %add3A_280 : i32
    %add3A_282 = vector.broadcast %add3A_281 : i32 to vector<16xi32>
    %add3A_283 = arith.addi %iota3A, %add3A_282 : vector<16xi32>
    %eq3A_284 = arith.cmpf oeq, %get3A_279, %select_n3A_127 : vector<16xf32>
    %select_n3A_285 = arith.select %eq3A_284, %add3A_283, %broadcast_in_dim3A_132 : vector<16xi1>, vector<16xi32>
    %min3A_286 = arith.minsi %min3A_274, %select_n3A_285 : vector<16xi32>
    %add3A_287 = arith.constant 208 : i32
    %add3A_288 = arith.addi %mul3A_130, %add3A_287 : i32
    %get3A_289 = arith.index_cast %add3A_288 : i32 to index
    %get3A_290 = tpu.vector_load %arg4[%get3A_289] {strides = array<i32>} : memref<32768xf32, #tpu.memory_space<vmem>>, vector<16xf32>,
    %get3A_291 = vector.shape_cast %get3A_290 : vector<16xf32> to vector<16xf32>
    %add3A_292 = arith.constant 208 : i32
    %add3A_293 = arith.addi %mul3A_130, %add3A_292 : i32
    %add3A_294 = vector.broadcast %add3A_293 : i32 to vector<16xi32>
    %add3A_295 = arith.addi %iota3A, %add3A_294 : vector<16xi32>
    %eq3A_296 = arith.cmpf oeq, %get3A_291, %select_n3A_127 : vector<16xf32>
    %select_n3A_297 = arith.select %eq3A_296, %add3A_295, %broadcast_in_dim3A_132 : vector<16xi1>, vector<16xi32>
    %min3A_298 = arith.minsi %min3A_286, %select_n3A_297 : vector<16xi32>
    %add3A_299 = arith.constant 224 : i32
    %add3A_300 = arith.addi %mul3A_130, %add3A_299 : i32
    %get3A_301 = arith.index_cast %add3A_300 : i32 to index
    %get3A_302 = tpu.vector_load %arg4[%get3A_301] {strides = array<i32>} : memref<32768xf32, #tpu.memory_space<vmem>>, vector<16xf32>,
    %get3A_303 = vector.shape_cast %get3A_302 : vector<16xf32> to vector<16xf32>
    %add3A_304 = arith.constant 224 : i32
    %add3A_305 = arith.addi %mul3A_130, %add3A_304 : i32
    %add3A_306 = vector.broadcast %add3A_305 : i32 to vector<16xi32>
    %add3A_307 = arith.addi %iota3A, %add3A_306 : vector<16xi32>
    %eq3A_308 = arith.cmpf oeq, %get3A_303, %select_n3A_127 : vector<16xf32>
    %select_n3A_309 = arith.select %eq3A_308, %add3A_307, %broadcast_in_dim3A_132 : vector<16xi1>, vector<16xi32>
    %min3A_310 = arith.minsi %min3A_298, %select_n3A_309 : vector<16xi32>
    %add3A_311 = arith.constant 240 : i32
    %add3A_312 = arith.addi %mul3A_130, %add3A_311 : i32
    %get3A_313 = arith.index_cast %add3A_312 : i32 to index
    %get3A_314 = tpu.vector_load %arg4[%get3A_313] {strides = array<i32>} : memref<32768xf32, #tpu.memory_space<vmem>>, vector<16xf32>,
    %get3A_315 = vector.shape_cast %get3A_314 : vector<16xf32> to vector<16xf32>
    %add3A_316 = arith.constant 240 : i32
    %add3A_317 = arith.addi %mul3A_130, %add3A_316 : i32
    %add3A_318 = vector.broadcast %add3A_317 : i32 to vector<16xi32>
    %add3A_319 = arith.addi %iota3A, %add3A_318 : vector<16xi32>
    %eq3A_320 = arith.cmpf oeq, %get3A_315, %select_n3A_127 : vector<16xf32>
    %select_n3A_321 = arith.select %eq3A_320, %add3A_319, %broadcast_in_dim3A_132 : vector<16xi1>, vector<16xi32>
    %min3A_322 = arith.minsi %min3A_310, %select_n3A_321 : vector<16xi32>
    %xor3A_323 = arith.constant 8 : i32
    %xor3A_324 = vector.broadcast %xor3A_323 : i32 to vector<16xi32>
    %xor3A_325 = arith.xori %iota3A, %xor3A_324 : vector<16xi32>
    %broadcast_in_dim3A_326 = vector.shape_cast %xor3A_325 : vector<16xi32> to vector<16x1xi32>
    %gather3A_327 = vector.shape_cast %broadcast_in_dim3A_326 : vector<16x1xi32> to vector<16xi32>
    %gather3A_328 = tpu.dynamic_gather %min3A_322[%gather3A_327] in [0] : vector<16xi32>, vector<16xi32> -> vector<16xi32>
    %min3A_329 = arith.minsi %min3A_322, %gather3A_328 : vector<16xi32>
    %xor3A_330 = arith.constant 4 : i32
    %xor3A_331 = vector.broadcast %xor3A_330 : i32 to vector<16xi32>
    %xor3A_332 = arith.xori %iota3A, %xor3A_331 : vector<16xi32>
    %broadcast_in_dim3A_333 = vector.shape_cast %xor3A_332 : vector<16xi32> to vector<16x1xi32>
    %gather3A_334 = vector.shape_cast %broadcast_in_dim3A_333 : vector<16x1xi32> to vector<16xi32>
    %gather3A_335 = tpu.dynamic_gather %min3A_329[%gather3A_334] in [0] : vector<16xi32>, vector<16xi32> -> vector<16xi32>
    %min3A_336 = arith.minsi %min3A_329, %gather3A_335 : vector<16xi32>
    %xor3A_337 = arith.constant 2 : i32
    %xor3A_338 = vector.broadcast %xor3A_337 : i32 to vector<16xi32>
    %xor3A_339 = arith.xori %iota3A, %xor3A_338 : vector<16xi32>
    %broadcast_in_dim3A_340 = vector.shape_cast %xor3A_339 : vector<16xi32> to vector<16x1xi32>
    %gather3A_341 = vector.shape_cast %broadcast_in_dim3A_340 : vector<16x1xi32> to vector<16xi32>
    %gather3A_342 = tpu.dynamic_gather %min3A_336[%gather3A_341] in [0] : vector<16xi32>, vector<16xi32> -> vector<16xi32>
    %min3A_343 = arith.minsi %min3A_336, %gather3A_342 : vector<16xi32>
    %xor3A_344 = arith.constant 1 : i32
    %xor3A_345 = vector.broadcast %xor3A_344 : i32 to vector<16xi32>
    %xor3A_346 = arith.xori %iota3A, %xor3A_345 : vector<16xi32>
    %broadcast_in_dim3A_347 = vector.shape_cast %xor3A_346 : vector<16xi32> to vector<16x1xi32>
    %gather3A_348 = vector.shape_cast %broadcast_in_dim3A_347 : vector<16x1xi32> to vector<16xi32>
    %gather3A_349 = tpu.dynamic_gather %min3A_343[%gather3A_348] in [0] : vector<16xi32>, vector<16xi32> -> vector<16xi32>
    %min3A_350 = arith.minsi %min3A_343, %gather3A_349 : vector<16xi32>
    %slice3A_351 = vector.extract_strided_slice %min3A_350 {offsets = [0], sizes = [1], strides = [1]} : vector<16xi32> to vector<1xi32>
    %squeeze3A_352 = vector.extract %slice3A_351[0] : i32 from vector<1xi32>
    %jit3A = arith.constant 16 : i32
    %div3A = arith.divsi %squeeze3A_352, %jit3A : i32
    %sign3A = arith.constant 0 : i32
    %sign3A_353 = arith.cmpi sgt, %squeeze3A_352, %sign3A : i32
    %sign3A_354 = arith.extui %sign3A_353 : i1 to i32
    %sign3A_355 = arith.constant 0 : i32
    %sign3A_356 = arith.cmpi slt, %squeeze3A_352, %sign3A_355 : i32
    %sign3A_357 = arith.extui %sign3A_356 : i1 to i32
    %sign3A_358 = arith.subi %sign3A_354, %sign3A_357 : i32
    %sign3A_359 = arith.constant 0 : i32
    %sign3A_360 = arith.cmpi sgt, %jit3A, %sign3A_359 : i32
    %sign3A_361 = arith.extui %sign3A_360 : i1 to i32
    %sign3A_362 = arith.constant 0 : i32
    %sign3A_363 = arith.cmpi slt, %jit3A, %sign3A_362 : i32
    %sign3A_364 = arith.extui %sign3A_363 : i1 to i32
    %sign3A_365 = arith.subi %sign3A_361, %sign3A_364 : i32
    %ne3A = arith.cmpi ne, %sign3A_358, %sign3A_365 : i32
    %rem3A = arith.remsi %squeeze3A_352, %jit3A : i32
    %ne3A_366 = arith.constant 0 : i32
    %ne3A_367 = arith.cmpi ne, %rem3A, %ne3A_366 : i32
    %and3A_368 = arith.andi %ne3A, %ne3A_367 : i1
    %sub3A = arith.constant 1 : i32
    %sub3A_369 = arith.subi %div3A, %sub3A : i32
    %select_n3A_370 = arith.select %and3A_368, %sub3A_369, %div3A : i32
    %mul3A_371 = arith.constant 16 : i32
    %mul3A_372 = arith.muli %select_n3A_370, %mul3A_371 : i32
    %sub3A_373 = arith.subi %squeeze3A_352, %mul3A_372 : i32
    %eq3A_374 = vector.broadcast %sub3A_373 : i32 to vector<16xi32>
    %eq3A_375 = arith.cmpi eq, %iota3A, %eq3A_374 : vector<16xi32>
    %select_n3A_376 = arith.select %eq3A_375, %broadcast_in_dim3A_5, %broadcast_in_dim3A_3 : vector<16xi1>, vector<16xf32>
    %swap3A = arith.constant 0 : index
    %swap3A_377 = tpu.vector_load %arg7[%swap3A] {strides = array<i32>} : memref<64xf32, #tpu.memory_space<vmem>>, vector<16xf32>,
    %swap3A_378 = vector.shape_cast %swap3A_377 : vector<16xf32> to vector<16xf32>
    %swap3A_379 = vector.shape_cast %select_n3A_376 : vector<16xf32> to vector<16xf32>
    tpu.vector_store %arg7[%swap3A], %swap3A_379 {strides = array<i32>} : memref<64xf32, #tpu.memory_space<vmem>>, vector<16xf32>,
    %dma_wait3A_380 = arith.constant 0 : i32
    %dma_wait3A_381 = tpu.memref_slice %arg2[%add3A_60, %dma_wait3A_380] : memref<128x32768xf32, #tpu.memory_space<hbm>> -> memref<1x32768xf32, #tpu.memory_space<hbm>>
    %dma_wait3A_382 = tpu.memref_squeeze %dma_wait3A_381 : memref<1x32768xf32, #tpu.memory_space<hbm>> -> memref<32768xf32, #tpu.memory_space<hbm>>
    %dma_wait3A_383 = arith.constant 0 : i32
    %dma_wait3A_384 = tpu.memref_slice %arg2[%add3A_60, %dma_wait3A_383] : memref<128x32768xf32, #tpu.memory_space<hbm>> -> memref<1x32768xf32, #tpu.memory_space<hbm>>
    %dma_wait3A_385 = tpu.memref_squeeze %dma_wait3A_384 : memref<1x32768xf32, #tpu.memory_space<hbm>> -> memref<32768xf32, #tpu.memory_space<hbm>>
    tpu.wait_dma2 semaphore(%arg8 : memref<!tpu.dma_semaphore, #tpu.memory_space<semaphore_mem>>) src(%dma_wait3A_385 : memref<32768xf32, #tpu.memory_space<hbm>>) dst(%arg5 : memref<32768xf32, #tpu.memory_space<vmem>>)
    %add3A_386 = arith.constant 1 : i32
    %add3A_387 = arith.addi %mul3A_2, %add3A_386 : i32
    %add3A_388 = arith.constant 1 : i32
    %add3A_389 = arith.addi %add3A_387, %add3A_388 : i32
    %dma_start3A_390 = arith.constant 0 : i32
    %dma_start3A_391 = tpu.memref_slice %arg2[%add3A_389, %dma_start3A_390] : memref<128x32768xf32, #tpu.memory_space<hbm>> -> memref<1x32768xf32, #tpu.memory_space<hbm>>
    %dma_start3A_392 = tpu.memref_squeeze %dma_start3A_391 : memref<1x32768xf32, #tpu.memory_space<hbm>> -> memref<32768xf32, #tpu.memory_space<hbm>>
    %dma_start3A_393 = arith.constant 0 : i32
    %dma_start3A_394 = tpu.memref_slice %arg2[%add3A_389, %dma_start3A_393] : memref<128x32768xf32, #tpu.memory_space<hbm>> -> memref<1x32768xf32, #tpu.memory_space<hbm>>
    %dma_start3A_395 = tpu.memref_squeeze %dma_start3A_394 : memref<1x32768xf32, #tpu.memory_space<hbm>> -> memref<32768xf32, #tpu.memory_space<hbm>>
    tpu.enqueue_dma source(%dma_start3A_395 : memref<32768xf32, #tpu.memory_space<hbm>>) target(%arg4 : memref<32768xf32, #tpu.memory_space<vmem>>) target_semaphore(%arg8 : memref<!tpu.dma_semaphore, #tpu.memory_space<semaphore_mem>>)
    %scan3A_396 = arith.constant 0 : i32
    %scan3A_397 = arith.constant 128 : i32
    %scan3A_398 = arith.addi %scan3A_396, %scan3A_397 : i32
    %scan3A_399 = arith.constant 2 : i32
    %scan3A_400:2 = scf.for %scan3A_1518 = %scan3A_396 to %scan3A_398 step %scan3A_399 iter_args(%scan3A_1519 = %broadcast_in_dim3A_7, %scan3A_1520 = %broadcast_in_dim3A_9) -> (vector<16xf32>, vector<16xi32>)  : i32 {
      %mul3A_1521 = arith.constant 256 : i32
      %mul3A_1522 = arith.muli %scan3A_1518, %mul3A_1521 : i32
      %add3A_1523 = arith.constant 0 : i32
      %add3A_1524 = arith.addi %mul3A_1522, %add3A_1523 : i32
      %get3A_1525 = arith.index_cast %add3A_1524 : i32 to index
      %get3A_1526 = tpu.vector_load %arg5[%get3A_1525] {strides = array<i32>} : memref<32768xf32, #tpu.memory_space<vmem>>, vector<16xf32>,
      %get3A_1527 = vector.shape_cast %get3A_1526 : vector<16xf32> to vector<16xf32>
      %add3A_1528 = arith.constant 16 : i32
      %add3A_1529 = arith.addi %mul3A_1522, %add3A_1528 : i32
      %get3A_1530 = arith.index_cast %add3A_1529 : i32 to index
      %get3A_1531 = tpu.vector_load %arg5[%get3A_1530] {strides = array<i32>} : memref<32768xf32, #tpu.memory_space<vmem>>, vector<16xf32>,
      %get3A_1532 = vector.shape_cast %get3A_1531 : vector<16xf32> to vector<16xf32>
      %add3A_1533 = arith.constant 32 : i32
      %add3A_1534 = arith.addi %mul3A_1522, %add3A_1533 : i32
      %get3A_1535 = arith.index_cast %add3A_1534 : i32 to index
      %get3A_1536 = tpu.vector_load %arg5[%get3A_1535] {strides = array<i32>} : memref<32768xf32, #tpu.memory_space<vmem>>, vector<16xf32>,
      %get3A_1537 = vector.shape_cast %get3A_1536 : vector<16xf32> to vector<16xf32>
      %add3A_1538 = arith.constant 48 : i32
      %add3A_1539 = arith.addi %mul3A_1522, %add3A_1538 : i32
      %get3A_1540 = arith.index_cast %add3A_1539 : i32 to index
      %get3A_1541 = tpu.vector_load %arg5[%get3A_1540] {strides = array<i32>} : memref<32768xf32, #tpu.memory_space<vmem>>, vector<16xf32>,
      %get3A_1542 = vector.shape_cast %get3A_1541 : vector<16xf32> to vector<16xf32>
      %add3A_1543 = arith.constant 64 : i32
      %add3A_1544 = arith.addi %mul3A_1522, %add3A_1543 : i32
      %get3A_1545 = arith.index_cast %add3A_1544 : i32 to index
      %get3A_1546 = tpu.vector_load %arg5[%get3A_1545] {strides = array<i32>} : memref<32768xf32, #tpu.memory_space<vmem>>, vector<16xf32>,
      %get3A_1547 = vector.shape_cast %get3A_1546 : vector<16xf32> to vector<16xf32>
      %max3A = arith.maximumf %get3A_1527, %get3A_1547 : vector<16xf32>
      %add3A_1548 = arith.constant 80 : i32
      %add3A_1549 = arith.addi %mul3A_1522, %add3A_1548 : i32
      %get3A_1550 = arith.index_cast %add3A_1549 : i32 to index
      %get3A_1551 = tpu.vector_load %arg5[%get3A_1550] {strides = array<i32>} : memref<32768xf32, #tpu.memory_space<vmem>>, vector<16xf32>,
      %get3A_1552 = vector.shape_cast %get3A_1551 : vector<16xf32> to vector<16xf32>
      %max3A_1553 = arith.maximumf %get3A_1532, %get3A_1552 : vector<16xf32>
      %add3A_1554 = arith.constant 96 : i32
      %add3A_1555 = arith.addi %mul3A_1522, %add3A_1554 : i32
      %get3A_1556 = arith.index_cast %add3A_1555 : i32 to index
      %get3A_1557 = tpu.vector_load %arg5[%get3A_1556] {strides = array<i32>} : memref<32768xf32, #tpu.memory_space<vmem>>, vector<16xf32>,
      %get3A_1558 = vector.shape_cast %get3A_1557 : vector<16xf32> to vector<16xf32>
      %max3A_1559 = arith.maximumf %get3A_1537, %get3A_1558 : vector<16xf32>
      %add3A_1560 = arith.constant 112 : i32
      %add3A_1561 = arith.addi %mul3A_1522, %add3A_1560 : i32
      %get3A_1562 = arith.index_cast %add3A_1561 : i32 to index
      %get3A_1563 = tpu.vector_load %arg5[%get3A_1562] {strides = array<i32>} : memref<32768xf32, #tpu.memory_space<vmem>>, vector<16xf32>,
      %get3A_1564 = vector.shape_cast %get3A_1563 : vector<16xf32> to vector<16xf32>
      %max3A_1565 = arith.maximumf %get3A_1542, %get3A_1564 : vector<16xf32>
      %add3A_1566 = arith.constant 128 : i32
      %add3A_1567 = arith.addi %mul3A_1522, %add3A_1566 : i32
      %get3A_1568 = arith.index_cast %add3A_1567 : i32 to index
      %get3A_1569 = tpu.vector_load %arg5[%get3A_1568] {strides = array<i32>} : memref<32768xf32, #tpu.memory_space<vmem>>, vector<16xf32>,
      %get3A_1570 = vector.shape_cast %get3A_1569 : vector<16xf32> to vector<16xf32>
      %max3A_1571 = arith.maximumf %max3A, %get3A_1570 : vector<16xf32>
      %add3A_1572 = arith.constant 144 : i32
      %add3A_1573 = arith.addi %mul3A_1522, %add3A_1572 : i32
      %get3A_1574 = arith.index_cast %add3A_1573 : i32 to index
      %get3A_1575 = tpu.vector_load %arg5[%get3A_1574] {strides = array<i32>} : memref<32768xf32, #tpu.memory_space<vmem>>, vector<16xf32>,
      %get3A_1576 = vector.shape_cast %get3A_1575 : vector<16xf32> to vector<16xf32>
      %max3A_1577 = arith.maximumf %max3A_1553, %get3A_1576 : vector<16xf32>
      %add3A_1578 = arith.constant 160 : i32
      %add3A_1579 = arith.addi %mul3A_1522, %add3A_1578 : i32
      %get3A_1580 = arith.index_cast %add3A_1579 : i32 to index
      %get3A_1581 = tpu.vector_load %arg5[%get3A_1580] {strides = array<i32>} : memref<32768xf32, #tpu.memory_space<vmem>>, vector<16xf32>,
      %get3A_1582 = vector.shape_cast %get3A_1581 : vector<16xf32> to vector<16xf32>
      %max3A_1583 = arith.maximumf %max3A_1559, %get3A_1582 : vector<16xf32>
      %add3A_1584 = arith.constant 176 : i32
      %add3A_1585 = arith.addi %mul3A_1522, %add3A_1584 : i32
      %get3A_1586 = arith.index_cast %add3A_1585 : i32 to index
      %get3A_1587 = tpu.vector_load %arg5[%get3A_1586] {strides = array<i32>} : memref<32768xf32, #tpu.memory_space<vmem>>, vector<16xf32>,
      %get3A_1588 = vector.shape_cast %get3A_1587 : vector<16xf32> to vector<16xf32>
      %max3A_1589 = arith.maximumf %max3A_1565, %get3A_1588 : vector<16xf32>
      %add3A_1590 = arith.constant 192 : i32
      %add3A_1591 = arith.addi %mul3A_1522, %add3A_1590 : i32
      %get3A_1592 = arith.index_cast %add3A_1591 : i32 to index
      %get3A_1593 = tpu.vector_load %arg5[%get3A_1592] {strides = array<i32>} : memref<32768xf32, #tpu.memory_space<vmem>>, vector<16xf32>,
      %get3A_1594 = vector.shape_cast %get3A_1593 : vector<16xf32> to vector<16xf32>
      %max3A_1595 = arith.maximumf %max3A_1571, %get3A_1594 : vector<16xf32>
      %add3A_1596 = arith.constant 208 : i32
      %add3A_1597 = arith.addi %mul3A_1522, %add3A_1596 : i32
      %get3A_1598 = arith.index_cast %add3A_1597 : i32 to index
      %get3A_1599 = tpu.vector_load %arg5[%get3A_1598] {strides = array<i32>} : memref<32768xf32, #tpu.memory_space<vmem>>, vector<16xf32>,
      %get3A_1600 = vector.shape_cast %get3A_1599 : vector<16xf32> to vector<16xf32>
      %max3A_1601 = arith.maximumf %max3A_1577, %get3A_1600 : vector<16xf32>
      %add3A_1602 = arith.constant 224 : i32
      %add3A_1603 = arith.addi %mul3A_1522, %add3A_1602 : i32
      %get3A_1604 = arith.index_cast %add3A_1603 : i32 to index
      %get3A_1605 = tpu.vector_load %arg5[%get3A_1604] {strides = array<i32>} : memref<32768xf32, #tpu.memory_space<vmem>>, vector<16xf32>,
      %get3A_1606 = vector.shape_cast %get3A_1605 : vector<16xf32> to vector<16xf32>
      %max3A_1607 = arith.maximumf %max3A_1583, %get3A_1606 : vector<16xf32>
      %add3A_1608 = arith.constant 240 : i32
      %add3A_1609 = arith.addi %mul3A_1522, %add3A_1608 : i32
      %get3A_1610 = arith.index_cast %add3A_1609 : i32 to index
      %get3A_1611 = tpu.vector_load %arg5[%get3A_1610] {strides = array<i32>} : memref<32768xf32, #tpu.memory_space<vmem>>, vector<16xf32>,
      %get3A_1612 = vector.shape_cast %get3A_1611 : vector<16xf32> to vector<16xf32>
      %max3A_1613 = arith.maximumf %max3A_1589, %get3A_1612 : vector<16xf32>
      %max3A_1614 = arith.maximumf %max3A_1595, %max3A_1601 : vector<16xf32>
      %max3A_1615 = arith.maximumf %max3A_1607, %max3A_1613 : vector<16xf32>
      %max3A_1616 = arith.maximumf %max3A_1614, %max3A_1615 : vector<16xf32>
      %gt3A_1617 = arith.cmpf ogt, %max3A_1616, %scan3A_1519 : vector<16xf32>
      %select_n3A_1618 = arith.select %gt3A_1617, %max3A_1616, %scan3A_1519 : vector<16xi1>, vector<16xf32>
      %broadcast_in_dim3A_1619 = vector.broadcast %scan3A_1518 : i32 to vector<16xi32>
      %select_n3A_1620 = arith.select %gt3A_1617, %broadcast_in_dim3A_1619, %scan3A_1520 : vector<16xi1>, vector<16xi32>
      %scan3A_1621 = arith.constant 1 : i32
      %scan3A_1622 = arith.addi %scan3A_1518, %scan3A_1621 : i32
      %mul3A_1623 = arith.constant 256 : i32
      %mul3A_1624 = arith.muli %scan3A_1622, %mul3A_1623 : i32
      %add3A_1625 = arith.constant 0 : i32
      %add3A_1626 = arith.addi %mul3A_1624, %add3A_1625 : i32
      %get3A_1627 = arith.index_cast %add3A_1626 : i32 to index
      %get3A_1628 = tpu.vector_load %arg5[%get3A_1627] {strides = array<i32>} : memref<32768xf32, #tpu.memory_space<vmem>>, vector<16xf32>,
      %get3A_1629 = vector.shape_cast %get3A_1628 : vector<16xf32> to vector<16xf32>
      %add3A_1630 = arith.constant 16 : i32
      %add3A_1631 = arith.addi %mul3A_1624, %add3A_1630 : i32
      %get3A_1632 = arith.index_cast %add3A_1631 : i32 to index
      %get3A_1633 = tpu.vector_load %arg5[%get3A_1632] {strides = array<i32>} : memref<32768xf32, #tpu.memory_space<vmem>>, vector<16xf32>,
      %get3A_1634 = vector.shape_cast %get3A_1633 : vector<16xf32> to vector<16xf32>
      %add3A_1635 = arith.constant 32 : i32
      %add3A_1636 = arith.addi %mul3A_1624, %add3A_1635 : i32
      %get3A_1637 = arith.index_cast %add3A_1636 : i32 to index
      %get3A_1638 = tpu.vector_load %arg5[%get3A_1637] {strides = array<i32>} : memref<32768xf32, #tpu.memory_space<vmem>>, vector<16xf32>,
      %get3A_1639 = vector.shape_cast %get3A_1638 : vector<16xf32> to vector<16xf32>
      %add3A_1640 = arith.constant 48 : i32
      %add3A_1641 = arith.addi %mul3A_1624, %add3A_1640 : i32
      %get3A_1642 = arith.index_cast %add3A_1641 : i32 to index
      %get3A_1643 = tpu.vector_load %arg5[%get3A_1642] {strides = array<i32>} : memref<32768xf32, #tpu.memory_space<vmem>>, vector<16xf32>,
      %get3A_1644 = vector.shape_cast %get3A_1643 : vector<16xf32> to vector<16xf32>
      %add3A_1645 = arith.constant 64 : i32
      %add3A_1646 = arith.addi %mul3A_1624, %add3A_1645 : i32
      %get3A_1647 = arith.index_cast %add3A_1646 : i32 to index
      %get3A_1648 = tpu.vector_load %arg5[%get3A_1647] {strides = array<i32>} : memref<32768xf32, #tpu.memory_space<vmem>>, vector<16xf32>,
      %get3A_1649 = vector.shape_cast %get3A_1648 : vector<16xf32> to vector<16xf32>
      %max3A_1650 = arith.maximumf %get3A_1629, %get3A_1649 : vector<16xf32>
      %add3A_1651 = arith.constant 80 : i32
      %add3A_1652 = arith.addi %mul3A_1624, %add3A_1651 : i32
      %get3A_1653 = arith.index_cast %add3A_1652 : i32 to index
      %get3A_1654 = tpu.vector_load %arg5[%get3A_1653] {strides = array<i32>} : memref<32768xf32, #tpu.memory_space<vmem>>, vector<16xf32>,
      %get3A_1655 = vector.shape_cast %get3A_1654 : vector<16xf32> to vector<16xf32>
      %max3A_1656 = arith.maximumf %get3A_1634, %get3A_1655 : vector<16xf32>
      %add3A_1657 = arith.constant 96 : i32
      %add3A_1658 = arith.addi %mul3A_1624, %add3A_1657 : i32
      %get3A_1659 = arith.index_cast %add3A_1658 : i32 to index
      %get3A_1660 = tpu.vector_load %arg5[%get3A_1659] {strides = array<i32>} : memref<32768xf32, #tpu.memory_space<vmem>>, vector<16xf32>,
      %get3A_1661 = vector.shape_cast %get3A_1660 : vector<16xf32> to vector<16xf32>
      %max3A_1662 = arith.maximumf %get3A_1639, %get3A_1661 : vector<16xf32>
      %add3A_1663 = arith.constant 112 : i32
      %add3A_1664 = arith.addi %mul3A_1624, %add3A_1663 : i32
      %get3A_1665 = arith.index_cast %add3A_1664 : i32 to index
      %get3A_1666 = tpu.vector_load %arg5[%get3A_1665] {strides = array<i32>} : memref<32768xf32, #tpu.memory_space<vmem>>, vector<16xf32>,
      %get3A_1667 = vector.shape_cast %get3A_1666 : vector<16xf32> to vector<16xf32>
      %max3A_1668 = arith.maximumf %get3A_1644, %get3A_1667 : vector<16xf32>
      %add3A_1669 = arith.constant 128 : i32
      %add3A_1670 = arith.addi %mul3A_1624, %add3A_1669 : i32
      %get3A_1671 = arith.index_cast %add3A_1670 : i32 to index
      %get3A_1672 = tpu.vector_load %arg5[%get3A_1671] {strides = array<i32>} : memref<32768xf32, #tpu.memory_space<vmem>>, vector<16xf32>,
      %get3A_1673 = vector.shape_cast %get3A_1672 : vector<16xf32> to vector<16xf32>
      %max3A_1674 = arith.maximumf %max3A_1650, %get3A_1673 : vector<16xf32>
      %add3A_1675 = arith.constant 144 : i32
      %add3A_1676 = arith.addi %mul3A_1624, %add3A_1675 : i32
      %get3A_1677 = arith.index_cast %add3A_1676 : i32 to index
      %get3A_1678 = tpu.vector_load %arg5[%get3A_1677] {strides = array<i32>} : memref<32768xf32, #tpu.memory_space<vmem>>, vector<16xf32>,
      %get3A_1679 = vector.shape_cast %get3A_1678 : vector<16xf32> to vector<16xf32>
      %max3A_1680 = arith.maximumf %max3A_1656, %get3A_1679 : vector<16xf32>
      %add3A_1681 = arith.constant 160 : i32
      %add3A_1682 = arith.addi %mul3A_1624, %add3A_1681 : i32
      %get3A_1683 = arith.index_cast %add3A_1682 : i32 to index
      %get3A_1684 = tpu.vector_load %arg5[%get3A_1683] {strides = array<i32>} : memref<32768xf32, #tpu.memory_space<vmem>>, vector<16xf32>,
      %get3A_1685 = vector.shape_cast %get3A_1684 : vector<16xf32> to vector<16xf32>
      %max3A_1686 = arith.maximumf %max3A_1662, %get3A_1685 : vector<16xf32>
      %add3A_1687 = arith.constant 176 : i32
      %add3A_1688 = arith.addi %mul3A_1624, %add3A_1687 : i32
      %get3A_1689 = arith.index_cast %add3A_1688 : i32 to index
      %get3A_1690 = tpu.vector_load %arg5[%get3A_1689] {strides = array<i32>} : memref<32768xf32, #tpu.memory_space<vmem>>, vector<16xf32>,
      %get3A_1691 = vector.shape_cast %get3A_1690 : vector<16xf32> to vector<16xf32>
      %max3A_1692 = arith.maximumf %max3A_1668, %get3A_1691 : vector<16xf32>
      %add3A_1693 = arith.constant 192 : i32
      %add3A_1694 = arith.addi %mul3A_1624, %add3A_1693 : i32
      %get3A_1695 = arith.index_cast %add3A_1694 : i32 to index
      %get3A_1696 = tpu.vector_load %arg5[%get3A_1695] {strides = array<i32>} : memref<32768xf32, #tpu.memory_space<vmem>>, vector<16xf32>,
      %get3A_1697 = vector.shape_cast %get3A_1696 : vector<16xf32> to vector<16xf32>
      %max3A_1698 = arith.maximumf %max3A_1674, %get3A_1697 : vector<16xf32>
      %add3A_1699 = arith.constant 208 : i32
      %add3A_1700 = arith.addi %mul3A_1624, %add3A_1699 : i32
      %get3A_1701 = arith.index_cast %add3A_1700 : i32 to index
      %get3A_1702 = tpu.vector_load %arg5[%get3A_1701] {strides = array<i32>} : memref<32768xf32, #tpu.memory_space<vmem>>, vector<16xf32>,
      %get3A_1703 = vector.shape_cast %get3A_1702 : vector<16xf32> to vector<16xf32>
      %max3A_1704 = arith.maximumf %max3A_1680, %get3A_1703 : vector<16xf32>
      %add3A_1705 = arith.constant 224 : i32
      %add3A_1706 = arith.addi %mul3A_1624, %add3A_1705 : i32
      %get3A_1707 = arith.index_cast %add3A_1706 : i32 to index
      %get3A_1708 = tpu.vector_load %arg5[%get3A_1707] {strides = array<i32>} : memref<32768xf32, #tpu.memory_space<vmem>>, vector<16xf32>,
      %get3A_1709 = vector.shape_cast %get3A_1708 : vector<16xf32> to vector<16xf32>
      %max3A_1710 = arith.maximumf %max3A_1686, %get3A_1709 : vector<16xf32>
      %add3A_1711 = arith.constant 240 : i32
      %add3A_1712 = arith.addi %mul3A_1624, %add3A_1711 : i32
      %get3A_1713 = arith.index_cast %add3A_1712 : i32 to index
      %get3A_1714 = tpu.vector_load %arg5[%get3A_1713] {strides = array<i32>} : memref<32768xf32, #tpu.memory_space<vmem>>, vector<16xf32>,
      %get3A_1715 = vector.shape_cast %get3A_1714 : vector<16xf32> to vector<16xf32>
      %max3A_1716 = arith.maximumf %max3A_1692, %get3A_1715 : vector<16xf32>
      %max3A_1717 = arith.maximumf %max3A_1698, %max3A_1704 : vector<16xf32>
      %max3A_1718 = arith.maximumf %max3A_1710, %max3A_1716 : vector<16xf32>
      %max3A_1719 = arith.maximumf %max3A_1717, %max3A_1718 : vector<16xf32>
      %gt3A_1720 = arith.cmpf ogt, %max3A_1719, %select_n3A_1618 : vector<16xf32>
      %select_n3A_1721 = arith.select %gt3A_1720, %max3A_1719, %select_n3A_1618 : vector<16xi1>, vector<16xf32>
      %broadcast_in_dim3A_1722 = vector.broadcast %scan3A_1622 : i32 to vector<16xi32>
      %select_n3A_1723 = arith.select %gt3A_1720, %broadcast_in_dim3A_1722, %select_n3A_1620 : vector<16xi1>, vector<16xi32>
      scf.yield %select_n3A_1721, %select_n3A_1723 : vector<16xf32>, vector<16xi32>
    }
    %scan3A_401 = arith.constant 128 : i32
    %xor3A_402 = arith.constant 8 : i32
    %xor3A_403 = vector.broadcast %xor3A_402 : i32 to vector<16xi32>
    %xor3A_404 = arith.xori %iota3A, %xor3A_403 : vector<16xi32>
    %broadcast_in_dim3A_405 = vector.shape_cast %xor3A_404 : vector<16xi32> to vector<16x1xi32>
    %gather3A_406 = vector.shape_cast %broadcast_in_dim3A_405 : vector<16x1xi32> to vector<16xi32>
    %gather3A_407 = tpu.dynamic_gather %scan3A_400#0[%gather3A_406] in [0] : vector<16xf32>, vector<16xi32> -> vector<16xf32>
    %broadcast_in_dim3A_408 = vector.shape_cast %xor3A_404 : vector<16xi32> to vector<16x1xi32>
    %gather3A_409 = vector.shape_cast %broadcast_in_dim3A_408 : vector<16x1xi32> to vector<16xi32>
    %gather3A_410 = tpu.dynamic_gather %scan3A_400#1[%gather3A_409] in [0] : vector<16xi32>, vector<16xi32> -> vector<16xi32>
    %gt3A_411 = arith.cmpf ogt, %gather3A_407, %scan3A_400#0 : vector<16xf32>
    %eq3A_412 = arith.cmpf oeq, %gather3A_407, %scan3A_400#0 : vector<16xf32>
    %lt3A_413 = arith.cmpi slt, %gather3A_410, %scan3A_400#1 : vector<16xi32>
    %and3A_414 = arith.andi %eq3A_412, %lt3A_413 : vector<16xi1>
    %or3A_415 = arith.ori %gt3A_411, %and3A_414 : vector<16xi1>
    %select_n3A_416 = arith.select %or3A_415, %gather3A_407, %scan3A_400#0 : vector<16xi1>, vector<16xf32>
    %select_n3A_417 = arith.select %or3A_415, %gather3A_410, %scan3A_400#1 : vector<16xi1>, vector<16xi32>
    %xor3A_418 = arith.constant 4 : i32
    %xor3A_419 = vector.broadcast %xor3A_418 : i32 to vector<16xi32>
    %xor3A_420 = arith.xori %iota3A, %xor3A_419 : vector<16xi32>
    %broadcast_in_dim3A_421 = vector.shape_cast %xor3A_420 : vector<16xi32> to vector<16x1xi32>
    %gather3A_422 = vector.shape_cast %broadcast_in_dim3A_421 : vector<16x1xi32> to vector<16xi32>
    %gather3A_423 = tpu.dynamic_gather %select_n3A_416[%gather3A_422] in [0] : vector<16xf32>, vector<16xi32> -> vector<16xf32>
    %broadcast_in_dim3A_424 = vector.shape_cast %xor3A_420 : vector<16xi32> to vector<16x1xi32>
    %gather3A_425 = vector.shape_cast %broadcast_in_dim3A_424 : vector<16x1xi32> to vector<16xi32>
    %gather3A_426 = tpu.dynamic_gather %select_n3A_417[%gather3A_425] in [0] : vector<16xi32>, vector<16xi32> -> vector<16xi32>
    %gt3A_427 = arith.cmpf ogt, %gather3A_423, %select_n3A_416 : vector<16xf32>
    %eq3A_428 = arith.cmpf oeq, %gather3A_423, %select_n3A_416 : vector<16xf32>
    %lt3A_429 = arith.cmpi slt, %gather3A_426, %select_n3A_417 : vector<16xi32>
    %and3A_430 = arith.andi %eq3A_428, %lt3A_429 : vector<16xi1>
    %or3A_431 = arith.ori %gt3A_427, %and3A_430 : vector<16xi1>
    %select_n3A_432 = arith.select %or3A_431, %gather3A_423, %select_n3A_416 : vector<16xi1>, vector<16xf32>
    %select_n3A_433 = arith.select %or3A_431, %gather3A_426, %select_n3A_417 : vector<16xi1>, vector<16xi32>
    %xor3A_434 = arith.constant 2 : i32
    %xor3A_435 = vector.broadcast %xor3A_434 : i32 to vector<16xi32>
    %xor3A_436 = arith.xori %iota3A, %xor3A_435 : vector<16xi32>
    %broadcast_in_dim3A_437 = vector.shape_cast %xor3A_436 : vector<16xi32> to vector<16x1xi32>
    %gather3A_438 = vector.shape_cast %broadcast_in_dim3A_437 : vector<16x1xi32> to vector<16xi32>
    %gather3A_439 = tpu.dynamic_gather %select_n3A_432[%gather3A_438] in [0] : vector<16xf32>, vector<16xi32> -> vector<16xf32>
    %broadcast_in_dim3A_440 = vector.shape_cast %xor3A_436 : vector<16xi32> to vector<16x1xi32>
    %gather3A_441 = vector.shape_cast %broadcast_in_dim3A_440 : vector<16x1xi32> to vector<16xi32>
    %gather3A_442 = tpu.dynamic_gather %select_n3A_433[%gather3A_441] in [0] : vector<16xi32>, vector<16xi32> -> vector<16xi32>
    %gt3A_443 = arith.cmpf ogt, %gather3A_439, %select_n3A_432 : vector<16xf32>
    %eq3A_444 = arith.cmpf oeq, %gather3A_439, %select_n3A_432 : vector<16xf32>
    %lt3A_445 = arith.cmpi slt, %gather3A_442, %select_n3A_433 : vector<16xi32>
    %and3A_446 = arith.andi %eq3A_444, %lt3A_445 : vector<16xi1>
    %or3A_447 = arith.ori %gt3A_443, %and3A_446 : vector<16xi1>
    %select_n3A_448 = arith.select %or3A_447, %gather3A_439, %select_n3A_432 : vector<16xi1>, vector<16xf32>
    %select_n3A_449 = arith.select %or3A_447, %gather3A_442, %select_n3A_433 : vector<16xi1>, vector<16xi32>
    %xor3A_450 = arith.constant 1 : i32
    %xor3A_451 = vector.broadcast %xor3A_450 : i32 to vector<16xi32>
    %xor3A_452 = arith.xori %iota3A, %xor3A_451 : vector<16xi32>
    %broadcast_in_dim3A_453 = vector.shape_cast %xor3A_452 : vector<16xi32> to vector<16x1xi32>
    %gather3A_454 = vector.shape_cast %broadcast_in_dim3A_453 : vector<16x1xi32> to vector<16xi32>
    %gather3A_455 = tpu.dynamic_gather %select_n3A_448[%gather3A_454] in [0] : vector<16xf32>, vector<16xi32> -> vector<16xf32>
    %broadcast_in_dim3A_456 = vector.shape_cast %xor3A_452 : vector<16xi32> to vector<16x1xi32>
    %gather3A_457 = vector.shape_cast %broadcast_in_dim3A_456 : vector<16x1xi32> to vector<16xi32>
    %gather3A_458 = tpu.dynamic_gather %select_n3A_449[%gather3A_457] in [0] : vector<16xi32>, vector<16xi32> -> vector<16xi32>
    %gt3A_459 = arith.cmpf ogt, %gather3A_455, %select_n3A_448 : vector<16xf32>
    %eq3A_460 = arith.cmpf oeq, %gather3A_455, %select_n3A_448 : vector<16xf32>
    %lt3A_461 = arith.cmpi slt, %gather3A_458, %select_n3A_449 : vector<16xi32>
    %and3A_462 = arith.andi %eq3A_460, %lt3A_461 : vector<16xi1>
    %or3A_463 = arith.ori %gt3A_459, %and3A_462 : vector<16xi1>
    %select_n3A_464 = arith.select %or3A_463, %gather3A_455, %select_n3A_448 : vector<16xi1>, vector<16xf32>
    %select_n3A_465 = arith.select %or3A_463, %gather3A_458, %select_n3A_449 : vector<16xi1>, vector<16xi32>
    %slice3A_466 = vector.extract_strided_slice %select_n3A_465 {offsets = [0], sizes = [1], strides = [1]} : vector<16xi32> to vector<1xi32>
    %squeeze3A_467 = vector.extract %slice3A_466[0] : i32 from vector<1xi32>
    %mul3A_468 = arith.constant 256 : i32
    %mul3A_469 = arith.muli %squeeze3A_467, %mul3A_468 : i32
    %broadcast_in_dim3A_470 = arith.constant 1073741824 : i32
    %broadcast_in_dim3A_471 = vector.broadcast %broadcast_in_dim3A_470 : i32 to vector<16xi32>
    %add3A_472 = arith.constant 0 : i32
    %add3A_473 = arith.addi %mul3A_469, %add3A_472 : i32
    %get3A_474 = arith.index_cast %add3A_473 : i32 to index
    %get3A_475 = tpu.vector_load %arg5[%get3A_474] {strides = array<i32>} : memref<32768xf32, #tpu.memory_space<vmem>>, vector<16xf32>,
    %get3A_476 = vector.shape_cast %get3A_475 : vector<16xf32> to vector<16xf32>
    %add3A_477 = arith.constant 0 : i32
    %add3A_478 = arith.addi %mul3A_469, %add3A_477 : i32
    %add3A_479 = vector.broadcast %add3A_478 : i32 to vector<16xi32>
    %add3A_480 = arith.addi %iota3A, %add3A_479 : vector<16xi32>
    %eq3A_481 = arith.cmpf oeq, %get3A_476, %select_n3A_464 : vector<16xf32>
    %select_n3A_482 = arith.select %eq3A_481, %add3A_480, %broadcast_in_dim3A_471 : vector<16xi1>, vector<16xi32>
    %min3A_483 = arith.minsi %broadcast_in_dim3A_471, %select_n3A_482 : vector<16xi32>
    %add3A_484 = arith.constant 16 : i32
    %add3A_485 = arith.addi %mul3A_469, %add3A_484 : i32
    %get3A_486 = arith.index_cast %add3A_485 : i32 to index
    %get3A_487 = tpu.vector_load %arg5[%get3A_486] {strides = array<i32>} : memref<32768xf32, #tpu.memory_space<vmem>>, vector<16xf32>,
    %get3A_488 = vector.shape_cast %get3A_487 : vector<16xf32> to vector<16xf32>
    %add3A_489 = arith.constant 16 : i32
    %add3A_490 = arith.addi %mul3A_469, %add3A_489 : i32
    %add3A_491 = vector.broadcast %add3A_490 : i32 to vector<16xi32>
    %add3A_492 = arith.addi %iota3A, %add3A_491 : vector<16xi32>
    %eq3A_493 = arith.cmpf oeq, %get3A_488, %select_n3A_464 : vector<16xf32>
    %select_n3A_494 = arith.select %eq3A_493, %add3A_492, %broadcast_in_dim3A_471 : vector<16xi1>, vector<16xi32>
    %min3A_495 = arith.minsi %min3A_483, %select_n3A_494 : vector<16xi32>
    %add3A_496 = arith.constant 32 : i32
    %add3A_497 = arith.addi %mul3A_469, %add3A_496 : i32
    %get3A_498 = arith.index_cast %add3A_497 : i32 to index
    %get3A_499 = tpu.vector_load %arg5[%get3A_498] {strides = array<i32>} : memref<32768xf32, #tpu.memory_space<vmem>>, vector<16xf32>,
    %get3A_500 = vector.shape_cast %get3A_499 : vector<16xf32> to vector<16xf32>
    %add3A_501 = arith.constant 32 : i32
    %add3A_502 = arith.addi %mul3A_469, %add3A_501 : i32
    %add3A_503 = vector.broadcast %add3A_502 : i32 to vector<16xi32>
    %add3A_504 = arith.addi %iota3A, %add3A_503 : vector<16xi32>
    %eq3A_505 = arith.cmpf oeq, %get3A_500, %select_n3A_464 : vector<16xf32>
    %select_n3A_506 = arith.select %eq3A_505, %add3A_504, %broadcast_in_dim3A_471 : vector<16xi1>, vector<16xi32>
    %min3A_507 = arith.minsi %min3A_495, %select_n3A_506 : vector<16xi32>
    %add3A_508 = arith.constant 48 : i32
    %add3A_509 = arith.addi %mul3A_469, %add3A_508 : i32
    %get3A_510 = arith.index_cast %add3A_509 : i32 to index
    %get3A_511 = tpu.vector_load %arg5[%get3A_510] {strides = array<i32>} : memref<32768xf32, #tpu.memory_space<vmem>>, vector<16xf32>,
    %get3A_512 = vector.shape_cast %get3A_511 : vector<16xf32> to vector<16xf32>
    %add3A_513 = arith.constant 48 : i32
    %add3A_514 = arith.addi %mul3A_469, %add3A_513 : i32
    %add3A_515 = vector.broadcast %add3A_514 : i32 to vector<16xi32>
    %add3A_516 = arith.addi %iota3A, %add3A_515 : vector<16xi32>
    %eq3A_517 = arith.cmpf oeq, %get3A_512, %select_n3A_464 : vector<16xf32>
    %select_n3A_518 = arith.select %eq3A_517, %add3A_516, %broadcast_in_dim3A_471 : vector<16xi1>, vector<16xi32>
    %min3A_519 = arith.minsi %min3A_507, %select_n3A_518 : vector<16xi32>
    %add3A_520 = arith.constant 64 : i32
    %add3A_521 = arith.addi %mul3A_469, %add3A_520 : i32
    %get3A_522 = arith.index_cast %add3A_521 : i32 to index
    %get3A_523 = tpu.vector_load %arg5[%get3A_522] {strides = array<i32>} : memref<32768xf32, #tpu.memory_space<vmem>>, vector<16xf32>,
    %get3A_524 = vector.shape_cast %get3A_523 : vector<16xf32> to vector<16xf32>
    %add3A_525 = arith.constant 64 : i32
    %add3A_526 = arith.addi %mul3A_469, %add3A_525 : i32
    %add3A_527 = vector.broadcast %add3A_526 : i32 to vector<16xi32>
    %add3A_528 = arith.addi %iota3A, %add3A_527 : vector<16xi32>
    %eq3A_529 = arith.cmpf oeq, %get3A_524, %select_n3A_464 : vector<16xf32>
    %select_n3A_530 = arith.select %eq3A_529, %add3A_528, %broadcast_in_dim3A_471 : vector<16xi1>, vector<16xi32>
    %min3A_531 = arith.minsi %min3A_519, %select_n3A_530 : vector<16xi32>
    %add3A_532 = arith.constant 80 : i32
    %add3A_533 = arith.addi %mul3A_469, %add3A_532 : i32
    %get3A_534 = arith.index_cast %add3A_533 : i32 to index
    %get3A_535 = tpu.vector_load %arg5[%get3A_534] {strides = array<i32>} : memref<32768xf32, #tpu.memory_space<vmem>>, vector<16xf32>,
    %get3A_536 = vector.shape_cast %get3A_535 : vector<16xf32> to vector<16xf32>
    %add3A_537 = arith.constant 80 : i32
    %add3A_538 = arith.addi %mul3A_469, %add3A_537 : i32
    %add3A_539 = vector.broadcast %add3A_538 : i32 to vector<16xi32>
    %add3A_540 = arith.addi %iota3A, %add3A_539 : vector<16xi32>
    %eq3A_541 = arith.cmpf oeq, %get3A_536, %select_n3A_464 : vector<16xf32>
    %select_n3A_542 = arith.select %eq3A_541, %add3A_540, %broadcast_in_dim3A_471 : vector<16xi1>, vector<16xi32>
    %min3A_543 = arith.minsi %min3A_531, %select_n3A_542 : vector<16xi32>
    %add3A_544 = arith.constant 96 : i32
    %add3A_545 = arith.addi %mul3A_469, %add3A_544 : i32
    %get3A_546 = arith.index_cast %add3A_545 : i32 to index
    %get3A_547 = tpu.vector_load %arg5[%get3A_546] {strides = array<i32>} : memref<32768xf32, #tpu.memory_space<vmem>>, vector<16xf32>,
    %get3A_548 = vector.shape_cast %get3A_547 : vector<16xf32> to vector<16xf32>
    %add3A_549 = arith.constant 96 : i32
    %add3A_550 = arith.addi %mul3A_469, %add3A_549 : i32
    %add3A_551 = vector.broadcast %add3A_550 : i32 to vector<16xi32>
    %add3A_552 = arith.addi %iota3A, %add3A_551 : vector<16xi32>
    %eq3A_553 = arith.cmpf oeq, %get3A_548, %select_n3A_464 : vector<16xf32>
    %select_n3A_554 = arith.select %eq3A_553, %add3A_552, %broadcast_in_dim3A_471 : vector<16xi1>, vector<16xi32>
    %min3A_555 = arith.minsi %min3A_543, %select_n3A_554 : vector<16xi32>
    %add3A_556 = arith.constant 112 : i32
    %add3A_557 = arith.addi %mul3A_469, %add3A_556 : i32
    %get3A_558 = arith.index_cast %add3A_557 : i32 to index
    %get3A_559 = tpu.vector_load %arg5[%get3A_558] {strides = array<i32>} : memref<32768xf32, #tpu.memory_space<vmem>>, vector<16xf32>,
    %get3A_560 = vector.shape_cast %get3A_559 : vector<16xf32> to vector<16xf32>
    %add3A_561 = arith.constant 112 : i32
    %add3A_562 = arith.addi %mul3A_469, %add3A_561 : i32
    %add3A_563 = vector.broadcast %add3A_562 : i32 to vector<16xi32>
    %add3A_564 = arith.addi %iota3A, %add3A_563 : vector<16xi32>
    %eq3A_565 = arith.cmpf oeq, %get3A_560, %select_n3A_464 : vector<16xf32>
    %select_n3A_566 = arith.select %eq3A_565, %add3A_564, %broadcast_in_dim3A_471 : vector<16xi1>, vector<16xi32>
    %min3A_567 = arith.minsi %min3A_555, %select_n3A_566 : vector<16xi32>
    %add3A_568 = arith.constant 128 : i32
    %add3A_569 = arith.addi %mul3A_469, %add3A_568 : i32
    %get3A_570 = arith.index_cast %add3A_569 : i32 to index
    %get3A_571 = tpu.vector_load %arg5[%get3A_570] {strides = array<i32>} : memref<32768xf32, #tpu.memory_space<vmem>>, vector<16xf32>,
    %get3A_572 = vector.shape_cast %get3A_571 : vector<16xf32> to vector<16xf32>
    %add3A_573 = arith.constant 128 : i32
    %add3A_574 = arith.addi %mul3A_469, %add3A_573 : i32
    %add3A_575 = vector.broadcast %add3A_574 : i32 to vector<16xi32>
    %add3A_576 = arith.addi %iota3A, %add3A_575 : vector<16xi32>
    %eq3A_577 = arith.cmpf oeq, %get3A_572, %select_n3A_464 : vector<16xf32>
    %select_n3A_578 = arith.select %eq3A_577, %add3A_576, %broadcast_in_dim3A_471 : vector<16xi1>, vector<16xi32>
    %min3A_579 = arith.minsi %min3A_567, %select_n3A_578 : vector<16xi32>
    %add3A_580 = arith.constant 144 : i32
    %add3A_581 = arith.addi %mul3A_469, %add3A_580 : i32
    %get3A_582 = arith.index_cast %add3A_581 : i32 to index
    %get3A_583 = tpu.vector_load %arg5[%get3A_582] {strides = array<i32>} : memref<32768xf32, #tpu.memory_space<vmem>>, vector<16xf32>,
    %get3A_584 = vector.shape_cast %get3A_583 : vector<16xf32> to vector<16xf32>
    %add3A_585 = arith.constant 144 : i32
    %add3A_586 = arith.addi %mul3A_469, %add3A_585 : i32
    %add3A_587 = vector.broadcast %add3A_586 : i32 to vector<16xi32>
    %add3A_588 = arith.addi %iota3A, %add3A_587 : vector<16xi32>
    %eq3A_589 = arith.cmpf oeq, %get3A_584, %select_n3A_464 : vector<16xf32>
    %select_n3A_590 = arith.select %eq3A_589, %add3A_588, %broadcast_in_dim3A_471 : vector<16xi1>, vector<16xi32>
    %min3A_591 = arith.minsi %min3A_579, %select_n3A_590 : vector<16xi32>
    %add3A_592 = arith.constant 160 : i32
    %add3A_593 = arith.addi %mul3A_469, %add3A_592 : i32
    %get3A_594 = arith.index_cast %add3A_593 : i32 to index
    %get3A_595 = tpu.vector_load %arg5[%get3A_594] {strides = array<i32>} : memref<32768xf32, #tpu.memory_space<vmem>>, vector<16xf32>,
    %get3A_596 = vector.shape_cast %get3A_595 : vector<16xf32> to vector<16xf32>
    %add3A_597 = arith.constant 160 : i32
    %add3A_598 = arith.addi %mul3A_469, %add3A_597 : i32
    %add3A_599 = vector.broadcast %add3A_598 : i32 to vector<16xi32>
    %add3A_600 = arith.addi %iota3A, %add3A_599 : vector<16xi32>
    %eq3A_601 = arith.cmpf oeq, %get3A_596, %select_n3A_464 : vector<16xf32>
    %select_n3A_602 = arith.select %eq3A_601, %add3A_600, %broadcast_in_dim3A_471 : vector<16xi1>, vector<16xi32>
    %min3A_603 = arith.minsi %min3A_591, %select_n3A_602 : vector<16xi32>
    %add3A_604 = arith.constant 176 : i32
    %add3A_605 = arith.addi %mul3A_469, %add3A_604 : i32
    %get3A_606 = arith.index_cast %add3A_605 : i32 to index
    %get3A_607 = tpu.vector_load %arg5[%get3A_606] {strides = array<i32>} : memref<32768xf32, #tpu.memory_space<vmem>>, vector<16xf32>,
    %get3A_608 = vector.shape_cast %get3A_607 : vector<16xf32> to vector<16xf32>
    %add3A_609 = arith.constant 176 : i32
    %add3A_610 = arith.addi %mul3A_469, %add3A_609 : i32
    %add3A_611 = vector.broadcast %add3A_610 : i32 to vector<16xi32>
    %add3A_612 = arith.addi %iota3A, %add3A_611 : vector<16xi32>
    %eq3A_613 = arith.cmpf oeq, %get3A_608, %select_n3A_464 : vector<16xf32>
    %select_n3A_614 = arith.select %eq3A_613, %add3A_612, %broadcast_in_dim3A_471 : vector<16xi1>, vector<16xi32>
    %min3A_615 = arith.minsi %min3A_603, %select_n3A_614 : vector<16xi32>
    %add3A_616 = arith.constant 192 : i32
    %add3A_617 = arith.addi %mul3A_469, %add3A_616 : i32
    %get3A_618 = arith.index_cast %add3A_617 : i32 to index
    %get3A_619 = tpu.vector_load %arg5[%get3A_618] {strides = array<i32>} : memref<32768xf32, #tpu.memory_space<vmem>>, vector<16xf32>,
    %get3A_620 = vector.shape_cast %get3A_619 : vector<16xf32> to vector<16xf32>
    %add3A_621 = arith.constant 192 : i32
    %add3A_622 = arith.addi %mul3A_469, %add3A_621 : i32
    %add3A_623 = vector.broadcast %add3A_622 : i32 to vector<16xi32>
    %add3A_624 = arith.addi %iota3A, %add3A_623 : vector<16xi32>
    %eq3A_625 = arith.cmpf oeq, %get3A_620, %select_n3A_464 : vector<16xf32>
    %select_n3A_626 = arith.select %eq3A_625, %add3A_624, %broadcast_in_dim3A_471 : vector<16xi1>, vector<16xi32>
    %min3A_627 = arith.minsi %min3A_615, %select_n3A_626 : vector<16xi32>
    %add3A_628 = arith.constant 208 : i32
    %add3A_629 = arith.addi %mul3A_469, %add3A_628 : i32
    %get3A_630 = arith.index_cast %add3A_629 : i32 to index
    %get3A_631 = tpu.vector_load %arg5[%get3A_630] {strides = array<i32>} : memref<32768xf32, #tpu.memory_space<vmem>>, vector<16xf32>,
    %get3A_632 = vector.shape_cast %get3A_631 : vector<16xf32> to vector<16xf32>
    %add3A_633 = arith.constant 208 : i32
    %add3A_634 = arith.addi %mul3A_469, %add3A_633 : i32
    %add3A_635 = vector.broadcast %add3A_634 : i32 to vector<16xi32>
    %add3A_636 = arith.addi %iota3A, %add3A_635 : vector<16xi32>
    %eq3A_637 = arith.cmpf oeq, %get3A_632, %select_n3A_464 : vector<16xf32>
    %select_n3A_638 = arith.select %eq3A_637, %add3A_636, %broadcast_in_dim3A_471 : vector<16xi1>, vector<16xi32>
    %min3A_639 = arith.minsi %min3A_627, %select_n3A_638 : vector<16xi32>
    %add3A_640 = arith.constant 224 : i32
    %add3A_641 = arith.addi %mul3A_469, %add3A_640 : i32
    %get3A_642 = arith.index_cast %add3A_641 : i32 to index
    %get3A_643 = tpu.vector_load %arg5[%get3A_642] {strides = array<i32>} : memref<32768xf32, #tpu.memory_space<vmem>>, vector<16xf32>,
    %get3A_644 = vector.shape_cast %get3A_643 : vector<16xf32> to vector<16xf32>
    %add3A_645 = arith.constant 224 : i32
    %add3A_646 = arith.addi %mul3A_469, %add3A_645 : i32
    %add3A_647 = vector.broadcast %add3A_646 : i32 to vector<16xi32>
    %add3A_648 = arith.addi %iota3A, %add3A_647 : vector<16xi32>
    %eq3A_649 = arith.cmpf oeq, %get3A_644, %select_n3A_464 : vector<16xf32>
    %select_n3A_650 = arith.select %eq3A_649, %add3A_648, %broadcast_in_dim3A_471 : vector<16xi1>, vector<16xi32>
    %min3A_651 = arith.minsi %min3A_639, %select_n3A_650 : vector<16xi32>
    %add3A_652 = arith.constant 240 : i32
    %add3A_653 = arith.addi %mul3A_469, %add3A_652 : i32
    %get3A_654 = arith.index_cast %add3A_653 : i32 to index
    %get3A_655 = tpu.vector_load %arg5[%get3A_654] {strides = array<i32>} : memref<32768xf32, #tpu.memory_space<vmem>>, vector<16xf32>,
    %get3A_656 = vector.shape_cast %get3A_655 : vector<16xf32> to vector<16xf32>
    %add3A_657 = arith.constant 240 : i32
    %add3A_658 = arith.addi %mul3A_469, %add3A_657 : i32
    %add3A_659 = vector.broadcast %add3A_658 : i32 to vector<16xi32>
    %add3A_660 = arith.addi %iota3A, %add3A_659 : vector<16xi32>
    %eq3A_661 = arith.cmpf oeq, %get3A_656, %select_n3A_464 : vector<16xf32>
    %select_n3A_662 = arith.select %eq3A_661, %add3A_660, %broadcast_in_dim3A_471 : vector<16xi1>, vector<16xi32>
    %min3A_663 = arith.minsi %min3A_651, %select_n3A_662 : vector<16xi32>
    %xor3A_664 = arith.constant 8 : i32
    %xor3A_665 = vector.broadcast %xor3A_664 : i32 to vector<16xi32>
    %xor3A_666 = arith.xori %iota3A, %xor3A_665 : vector<16xi32>
    %broadcast_in_dim3A_667 = vector.shape_cast %xor3A_666 : vector<16xi32> to vector<16x1xi32>
    %gather3A_668 = vector.shape_cast %broadcast_in_dim3A_667 : vector<16x1xi32> to vector<16xi32>
    %gather3A_669 = tpu.dynamic_gather %min3A_663[%gather3A_668] in [0] : vector<16xi32>, vector<16xi32> -> vector<16xi32>
    %min3A_670 = arith.minsi %min3A_663, %gather3A_669 : vector<16xi32>
    %xor3A_671 = arith.constant 4 : i32
    %xor3A_672 = vector.broadcast %xor3A_671 : i32 to vector<16xi32>
    %xor3A_673 = arith.xori %iota3A, %xor3A_672 : vector<16xi32>
    %broadcast_in_dim3A_674 = vector.shape_cast %xor3A_673 : vector<16xi32> to vector<16x1xi32>
    %gather3A_675 = vector.shape_cast %broadcast_in_dim3A_674 : vector<16x1xi32> to vector<16xi32>
    %gather3A_676 = tpu.dynamic_gather %min3A_670[%gather3A_675] in [0] : vector<16xi32>, vector<16xi32> -> vector<16xi32>
    %min3A_677 = arith.minsi %min3A_670, %gather3A_676 : vector<16xi32>
    %xor3A_678 = arith.constant 2 : i32
    %xor3A_679 = vector.broadcast %xor3A_678 : i32 to vector<16xi32>
    %xor3A_680 = arith.xori %iota3A, %xor3A_679 : vector<16xi32>
    %broadcast_in_dim3A_681 = vector.shape_cast %xor3A_680 : vector<16xi32> to vector<16x1xi32>
    %gather3A_682 = vector.shape_cast %broadcast_in_dim3A_681 : vector<16x1xi32> to vector<16xi32>
    %gather3A_683 = tpu.dynamic_gather %min3A_677[%gather3A_682] in [0] : vector<16xi32>, vector<16xi32> -> vector<16xi32>
    %min3A_684 = arith.minsi %min3A_677, %gather3A_683 : vector<16xi32>
    %xor3A_685 = arith.constant 1 : i32
    %xor3A_686 = vector.broadcast %xor3A_685 : i32 to vector<16xi32>
    %xor3A_687 = arith.xori %iota3A, %xor3A_686 : vector<16xi32>
    %broadcast_in_dim3A_688 = vector.shape_cast %xor3A_687 : vector<16xi32> to vector<16x1xi32>
    %gather3A_689 = vector.shape_cast %broadcast_in_dim3A_688 : vector<16x1xi32> to vector<16xi32>
    %gather3A_690 = tpu.dynamic_gather %min3A_684[%gather3A_689] in [0] : vector<16xi32>, vector<16xi32> -> vector<16xi32>
    %min3A_691 = arith.minsi %min3A_684, %gather3A_690 : vector<16xi32>
    %slice3A_692 = vector.extract_strided_slice %min3A_691 {offsets = [0], sizes = [1], strides = [1]} : vector<16xi32> to vector<1xi32>
    %squeeze3A_693 = vector.extract %slice3A_692[0] : i32 from vector<1xi32>
    %jit3A_694 = arith.constant 16 : i32
    %div3A_695 = arith.divsi %squeeze3A_693, %jit3A_694 : i32
    %sign3A_696 = arith.constant 0 : i32
    %sign3A_697 = arith.cmpi sgt, %squeeze3A_693, %sign3A_696 : i32
    %sign3A_698 = arith.extui %sign3A_697 : i1 to i32
    %sign3A_699 = arith.constant 0 : i32
    %sign3A_700 = arith.cmpi slt, %squeeze3A_693, %sign3A_699 : i32
    %sign3A_701 = arith.extui %sign3A_700 : i1 to i32
    %sign3A_702 = arith.subi %sign3A_698, %sign3A_701 : i32
    %sign3A_703 = arith.constant 0 : i32
    %sign3A_704 = arith.cmpi sgt, %jit3A_694, %sign3A_703 : i32
    %sign3A_705 = arith.extui %sign3A_704 : i1 to i32
    %sign3A_706 = arith.constant 0 : i32
    %sign3A_707 = arith.cmpi slt, %jit3A_694, %sign3A_706 : i32
    %sign3A_708 = arith.extui %sign3A_707 : i1 to i32
    %sign3A_709 = arith.subi %sign3A_705, %sign3A_708 : i32
    %ne3A_710 = arith.cmpi ne, %sign3A_702, %sign3A_709 : i32
    %rem3A_711 = arith.remsi %squeeze3A_693, %jit3A_694 : i32
    %ne3A_712 = arith.constant 0 : i32
    %ne3A_713 = arith.cmpi ne, %rem3A_711, %ne3A_712 : i32
    %and3A_714 = arith.andi %ne3A_710, %ne3A_713 : i1
    %sub3A_715 = arith.constant 1 : i32
    %sub3A_716 = arith.subi %div3A_695, %sub3A_715 : i32
    %select_n3A_717 = arith.select %and3A_714, %sub3A_716, %div3A_695 : i32
    %mul3A_718 = arith.constant 16 : i32
    %mul3A_719 = arith.muli %select_n3A_717, %mul3A_718 : i32
    %sub3A_720 = arith.subi %squeeze3A_693, %mul3A_719 : i32
    %eq3A_721 = vector.broadcast %sub3A_720 : i32 to vector<16xi32>
    %eq3A_722 = arith.cmpi eq, %iota3A, %eq3A_721 : vector<16xi32>
    %select_n3A_723 = arith.select %eq3A_722, %broadcast_in_dim3A_5, %broadcast_in_dim3A_3 : vector<16xi1>, vector<16xf32>
    %swap3A_724 = arith.constant 16 : index
    %swap3A_725 = tpu.vector_load %arg7[%swap3A_724] {strides = array<i32>} : memref<64xf32, #tpu.memory_space<vmem>>, vector<16xf32>,
    %swap3A_726 = vector.shape_cast %swap3A_725 : vector<16xf32> to vector<16xf32>
    %swap3A_727 = vector.shape_cast %select_n3A_723 : vector<16xf32> to vector<16xf32>
    tpu.vector_store %arg7[%swap3A_724], %swap3A_727 {strides = array<i32>} : memref<64xf32, #tpu.memory_space<vmem>>, vector<16xf32>,
    %dma_wait3A_728 = arith.constant 0 : i32
    %dma_wait3A_729 = tpu.memref_slice %arg2[%add3A_389, %dma_wait3A_728] : memref<128x32768xf32, #tpu.memory_space<hbm>> -> memref<1x32768xf32, #tpu.memory_space<hbm>>
    %dma_wait3A_730 = tpu.memref_squeeze %dma_wait3A_729 : memref<1x32768xf32, #tpu.memory_space<hbm>> -> memref<32768xf32, #tpu.memory_space<hbm>>
    %dma_wait3A_731 = arith.constant 0 : i32
    %dma_wait3A_732 = tpu.memref_slice %arg2[%add3A_389, %dma_wait3A_731] : memref<128x32768xf32, #tpu.memory_space<hbm>> -> memref<1x32768xf32, #tpu.memory_space<hbm>>
    %dma_wait3A_733 = tpu.memref_squeeze %dma_wait3A_732 : memref<1x32768xf32, #tpu.memory_space<hbm>> -> memref<32768xf32, #tpu.memory_space<hbm>>
    tpu.wait_dma2 semaphore(%arg8 : memref<!tpu.dma_semaphore, #tpu.memory_space<semaphore_mem>>) src(%dma_wait3A_733 : memref<32768xf32, #tpu.memory_space<hbm>>) dst(%arg4 : memref<32768xf32, #tpu.memory_space<vmem>>)
    %add3A_734 = arith.constant 2 : i32
    %add3A_735 = arith.addi %mul3A_2, %add3A_734 : i32
    %add3A_736 = arith.constant 1 : i32
    %add3A_737 = arith.addi %add3A_735, %add3A_736 : i32
    %dma_start3A_738 = arith.constant 0 : i32
    %dma_start3A_739 = tpu.memref_slice %arg2[%add3A_737, %dma_start3A_738] : memref<128x32768xf32, #tpu.memory_space<hbm>> -> memref<1x32768xf32, #tpu.memory_space<hbm>>
    %dma_start3A_740 = tpu.memref_squeeze %dma_start3A_739 : memref<1x32768xf32, #tpu.memory_space<hbm>> -> memref<32768xf32, #tpu.memory_space<hbm>>
    %dma_start3A_741 = arith.constant 0 : i32
    %dma_start3A_742 = tpu.memref_slice %arg2[%add3A_737, %dma_start3A_741] : memref<128x32768xf32, #tpu.memory_space<hbm>> -> memref<1x32768xf32, #tpu.memory_space<hbm>>
    %dma_start3A_743 = tpu.memref_squeeze %dma_start3A_742 : memref<1x32768xf32, #tpu.memory_space<hbm>> -> memref<32768xf32, #tpu.memory_space<hbm>>
    tpu.enqueue_dma source(%dma_start3A_743 : memref<32768xf32, #tpu.memory_space<hbm>>) target(%arg5 : memref<32768xf32, #tpu.memory_space<vmem>>) target_semaphore(%arg8 : memref<!tpu.dma_semaphore, #tpu.memory_space<semaphore_mem>>)
    %scan3A_744 = arith.constant 0 : i32
    %scan3A_745 = arith.constant 128 : i32
    %scan3A_746 = arith.addi %scan3A_744, %scan3A_745 : i32
    %scan3A_747 = arith.constant 2 : i32
    %scan3A_748:2 = scf.for %scan3A_1518 = %scan3A_744 to %scan3A_746 step %scan3A_747 iter_args(%scan3A_1519 = %broadcast_in_dim3A_7, %scan3A_1520 = %broadcast_in_dim3A_9) -> (vector<16xf32>, vector<16xi32>)  : i32 {
      %mul3A_1521 = arith.constant 256 : i32
      %mul3A_1522 = arith.muli %scan3A_1518, %mul3A_1521 : i32
      %add3A_1523 = arith.constant 0 : i32
      %add3A_1524 = arith.addi %mul3A_1522, %add3A_1523 : i32
      %get3A_1525 = arith.index_cast %add3A_1524 : i32 to index
      %get3A_1526 = tpu.vector_load %arg4[%get3A_1525] {strides = array<i32>} : memref<32768xf32, #tpu.memory_space<vmem>>, vector<16xf32>,
      %get3A_1527 = vector.shape_cast %get3A_1526 : vector<16xf32> to vector<16xf32>
      %add3A_1528 = arith.constant 16 : i32
      %add3A_1529 = arith.addi %mul3A_1522, %add3A_1528 : i32
      %get3A_1530 = arith.index_cast %add3A_1529 : i32 to index
      %get3A_1531 = tpu.vector_load %arg4[%get3A_1530] {strides = array<i32>} : memref<32768xf32, #tpu.memory_space<vmem>>, vector<16xf32>,
      %get3A_1532 = vector.shape_cast %get3A_1531 : vector<16xf32> to vector<16xf32>
      %add3A_1533 = arith.constant 32 : i32
      %add3A_1534 = arith.addi %mul3A_1522, %add3A_1533 : i32
      %get3A_1535 = arith.index_cast %add3A_1534 : i32 to index
      %get3A_1536 = tpu.vector_load %arg4[%get3A_1535] {strides = array<i32>} : memref<32768xf32, #tpu.memory_space<vmem>>, vector<16xf32>,
      %get3A_1537 = vector.shape_cast %get3A_1536 : vector<16xf32> to vector<16xf32>
      %add3A_1538 = arith.constant 48 : i32
      %add3A_1539 = arith.addi %mul3A_1522, %add3A_1538 : i32
      %get3A_1540 = arith.index_cast %add3A_1539 : i32 to index
      %get3A_1541 = tpu.vector_load %arg4[%get3A_1540] {strides = array<i32>} : memref<32768xf32, #tpu.memory_space<vmem>>, vector<16xf32>,
      %get3A_1542 = vector.shape_cast %get3A_1541 : vector<16xf32> to vector<16xf32>
      %add3A_1543 = arith.constant 64 : i32
      %add3A_1544 = arith.addi %mul3A_1522, %add3A_1543 : i32
      %get3A_1545 = arith.index_cast %add3A_1544 : i32 to index
      %get3A_1546 = tpu.vector_load %arg4[%get3A_1545] {strides = array<i32>} : memref<32768xf32, #tpu.memory_space<vmem>>, vector<16xf32>,
      %get3A_1547 = vector.shape_cast %get3A_1546 : vector<16xf32> to vector<16xf32>
      %max3A = arith.maximumf %get3A_1527, %get3A_1547 : vector<16xf32>
      %add3A_1548 = arith.constant 80 : i32
      %add3A_1549 = arith.addi %mul3A_1522, %add3A_1548 : i32
      %get3A_1550 = arith.index_cast %add3A_1549 : i32 to index
      %get3A_1551 = tpu.vector_load %arg4[%get3A_1550] {strides = array<i32>} : memref<32768xf32, #tpu.memory_space<vmem>>, vector<16xf32>,
      %get3A_1552 = vector.shape_cast %get3A_1551 : vector<16xf32> to vector<16xf32>
      %max3A_1553 = arith.maximumf %get3A_1532, %get3A_1552 : vector<16xf32>
      %add3A_1554 = arith.constant 96 : i32
      %add3A_1555 = arith.addi %mul3A_1522, %add3A_1554 : i32
      %get3A_1556 = arith.index_cast %add3A_1555 : i32 to index
      %get3A_1557 = tpu.vector_load %arg4[%get3A_1556] {strides = array<i32>} : memref<32768xf32, #tpu.memory_space<vmem>>, vector<16xf32>,
      %get3A_1558 = vector.shape_cast %get3A_1557 : vector<16xf32> to vector<16xf32>
      %max3A_1559 = arith.maximumf %get3A_1537, %get3A_1558 : vector<16xf32>
      %add3A_1560 = arith.constant 112 : i32
      %add3A_1561 = arith.addi %mul3A_1522, %add3A_1560 : i32
      %get3A_1562 = arith.index_cast %add3A_1561 : i32 to index
      %get3A_1563 = tpu.vector_load %arg4[%get3A_1562] {strides = array<i32>} : memref<32768xf32, #tpu.memory_space<vmem>>, vector<16xf32>,
      %get3A_1564 = vector.shape_cast %get3A_1563 : vector<16xf32> to vector<16xf32>
      %max3A_1565 = arith.maximumf %get3A_1542, %get3A_1564 : vector<16xf32>
      %add3A_1566 = arith.constant 128 : i32
      %add3A_1567 = arith.addi %mul3A_1522, %add3A_1566 : i32
      %get3A_1568 = arith.index_cast %add3A_1567 : i32 to index
      %get3A_1569 = tpu.vector_load %arg4[%get3A_1568] {strides = array<i32>} : memref<32768xf32, #tpu.memory_space<vmem>>, vector<16xf32>,
      %get3A_1570 = vector.shape_cast %get3A_1569 : vector<16xf32> to vector<16xf32>
      %max3A_1571 = arith.maximumf %max3A, %get3A_1570 : vector<16xf32>
      %add3A_1572 = arith.constant 144 : i32
      %add3A_1573 = arith.addi %mul3A_1522, %add3A_1572 : i32
      %get3A_1574 = arith.index_cast %add3A_1573 : i32 to index
      %get3A_1575 = tpu.vector_load %arg4[%get3A_1574] {strides = array<i32>} : memref<32768xf32, #tpu.memory_space<vmem>>, vector<16xf32>,
      %get3A_1576 = vector.shape_cast %get3A_1575 : vector<16xf32> to vector<16xf32>
      %max3A_1577 = arith.maximumf %max3A_1553, %get3A_1576 : vector<16xf32>
      %add3A_1578 = arith.constant 160 : i32
      %add3A_1579 = arith.addi %mul3A_1522, %add3A_1578 : i32
      %get3A_1580 = arith.index_cast %add3A_1579 : i32 to index
      %get3A_1581 = tpu.vector_load %arg4[%get3A_1580] {strides = array<i32>} : memref<32768xf32, #tpu.memory_space<vmem>>, vector<16xf32>,
      %get3A_1582 = vector.shape_cast %get3A_1581 : vector<16xf32> to vector<16xf32>
      %max3A_1583 = arith.maximumf %max3A_1559, %get3A_1582 : vector<16xf32>
      %add3A_1584 = arith.constant 176 : i32
      %add3A_1585 = arith.addi %mul3A_1522, %add3A_1584 : i32
      %get3A_1586 = arith.index_cast %add3A_1585 : i32 to index
      %get3A_1587 = tpu.vector_load %arg4[%get3A_1586] {strides = array<i32>} : memref<32768xf32, #tpu.memory_space<vmem>>, vector<16xf32>,
      %get3A_1588 = vector.shape_cast %get3A_1587 : vector<16xf32> to vector<16xf32>
      %max3A_1589 = arith.maximumf %max3A_1565, %get3A_1588 : vector<16xf32>
      %add3A_1590 = arith.constant 192 : i32
      %add3A_1591 = arith.addi %mul3A_1522, %add3A_1590 : i32
      %get3A_1592 = arith.index_cast %add3A_1591 : i32 to index
      %get3A_1593 = tpu.vector_load %arg4[%get3A_1592] {strides = array<i32>} : memref<32768xf32, #tpu.memory_space<vmem>>, vector<16xf32>,
      %get3A_1594 = vector.shape_cast %get3A_1593 : vector<16xf32> to vector<16xf32>
      %max3A_1595 = arith.maximumf %max3A_1571, %get3A_1594 : vector<16xf32>
      %add3A_1596 = arith.constant 208 : i32
      %add3A_1597 = arith.addi %mul3A_1522, %add3A_1596 : i32
      %get3A_1598 = arith.index_cast %add3A_1597 : i32 to index
      %get3A_1599 = tpu.vector_load %arg4[%get3A_1598] {strides = array<i32>} : memref<32768xf32, #tpu.memory_space<vmem>>, vector<16xf32>,
      %get3A_1600 = vector.shape_cast %get3A_1599 : vector<16xf32> to vector<16xf32>
      %max3A_1601 = arith.maximumf %max3A_1577, %get3A_1600 : vector<16xf32>
      %add3A_1602 = arith.constant 224 : i32
      %add3A_1603 = arith.addi %mul3A_1522, %add3A_1602 : i32
      %get3A_1604 = arith.index_cast %add3A_1603 : i32 to index
      %get3A_1605 = tpu.vector_load %arg4[%get3A_1604] {strides = array<i32>} : memref<32768xf32, #tpu.memory_space<vmem>>, vector<16xf32>,
      %get3A_1606 = vector.shape_cast %get3A_1605 : vector<16xf32> to vector<16xf32>
      %max3A_1607 = arith.maximumf %max3A_1583, %get3A_1606 : vector<16xf32>
      %add3A_1608 = arith.constant 240 : i32
      %add3A_1609 = arith.addi %mul3A_1522, %add3A_1608 : i32
      %get3A_1610 = arith.index_cast %add3A_1609 : i32 to index
      %get3A_1611 = tpu.vector_load %arg4[%get3A_1610] {strides = array<i32>} : memref<32768xf32, #tpu.memory_space<vmem>>, vector<16xf32>,
      %get3A_1612 = vector.shape_cast %get3A_1611 : vector<16xf32> to vector<16xf32>
      %max3A_1613 = arith.maximumf %max3A_1589, %get3A_1612 : vector<16xf32>
      %max3A_1614 = arith.maximumf %max3A_1595, %max3A_1601 : vector<16xf32>
      %max3A_1615 = arith.maximumf %max3A_1607, %max3A_1613 : vector<16xf32>
      %max3A_1616 = arith.maximumf %max3A_1614, %max3A_1615 : vector<16xf32>
      %gt3A_1617 = arith.cmpf ogt, %max3A_1616, %scan3A_1519 : vector<16xf32>
      %select_n3A_1618 = arith.select %gt3A_1617, %max3A_1616, %scan3A_1519 : vector<16xi1>, vector<16xf32>
      %broadcast_in_dim3A_1619 = vector.broadcast %scan3A_1518 : i32 to vector<16xi32>
      %select_n3A_1620 = arith.select %gt3A_1617, %broadcast_in_dim3A_1619, %scan3A_1520 : vector<16xi1>, vector<16xi32>
      %scan3A_1621 = arith.constant 1 : i32
      %scan3A_1622 = arith.addi %scan3A_1518, %scan3A_1621 : i32
      %mul3A_1623 = arith.constant 256 : i32
      %mul3A_1624 = arith.muli %scan3A_1622, %mul3A_1623 : i32
      %add3A_1625 = arith.constant 0 : i32
      %add3A_1626 = arith.addi %mul3A_1624, %add3A_1625 : i32
      %get3A_1627 = arith.index_cast %add3A_1626 : i32 to index
      %get3A_1628 = tpu.vector_load %arg4[%get3A_1627] {strides = array<i32>} : memref<32768xf32, #tpu.memory_space<vmem>>, vector<16xf32>,
      %get3A_1629 = vector.shape_cast %get3A_1628 : vector<16xf32> to vector<16xf32>
      %add3A_1630 = arith.constant 16 : i32
      %add3A_1631 = arith.addi %mul3A_1624, %add3A_1630 : i32
      %get3A_1632 = arith.index_cast %add3A_1631 : i32 to index
      %get3A_1633 = tpu.vector_load %arg4[%get3A_1632] {strides = array<i32>} : memref<32768xf32, #tpu.memory_space<vmem>>, vector<16xf32>,
      %get3A_1634 = vector.shape_cast %get3A_1633 : vector<16xf32> to vector<16xf32>
      %add3A_1635 = arith.constant 32 : i32
      %add3A_1636 = arith.addi %mul3A_1624, %add3A_1635 : i32
      %get3A_1637 = arith.index_cast %add3A_1636 : i32 to index
      %get3A_1638 = tpu.vector_load %arg4[%get3A_1637] {strides = array<i32>} : memref<32768xf32, #tpu.memory_space<vmem>>, vector<16xf32>,
      %get3A_1639 = vector.shape_cast %get3A_1638 : vector<16xf32> to vector<16xf32>
      %add3A_1640 = arith.constant 48 : i32
      %add3A_1641 = arith.addi %mul3A_1624, %add3A_1640 : i32
      %get3A_1642 = arith.index_cast %add3A_1641 : i32 to index
      %get3A_1643 = tpu.vector_load %arg4[%get3A_1642] {strides = array<i32>} : memref<32768xf32, #tpu.memory_space<vmem>>, vector<16xf32>,
      %get3A_1644 = vector.shape_cast %get3A_1643 : vector<16xf32> to vector<16xf32>
      %add3A_1645 = arith.constant 64 : i32
      %add3A_1646 = arith.addi %mul3A_1624, %add3A_1645 : i32
      %get3A_1647 = arith.index_cast %add3A_1646 : i32 to index
      %get3A_1648 = tpu.vector_load %arg4[%get3A_1647] {strides = array<i32>} : memref<32768xf32, #tpu.memory_space<vmem>>, vector<16xf32>,
      %get3A_1649 = vector.shape_cast %get3A_1648 : vector<16xf32> to vector<16xf32>
      %max3A_1650 = arith.maximumf %get3A_1629, %get3A_1649 : vector<16xf32>
      %add3A_1651 = arith.constant 80 : i32
      %add3A_1652 = arith.addi %mul3A_1624, %add3A_1651 : i32
      %get3A_1653 = arith.index_cast %add3A_1652 : i32 to index
      %get3A_1654 = tpu.vector_load %arg4[%get3A_1653] {strides = array<i32>} : memref<32768xf32, #tpu.memory_space<vmem>>, vector<16xf32>,
      %get3A_1655 = vector.shape_cast %get3A_1654 : vector<16xf32> to vector<16xf32>
      %max3A_1656 = arith.maximumf %get3A_1634, %get3A_1655 : vector<16xf32>
      %add3A_1657 = arith.constant 96 : i32
      %add3A_1658 = arith.addi %mul3A_1624, %add3A_1657 : i32
      %get3A_1659 = arith.index_cast %add3A_1658 : i32 to index
      %get3A_1660 = tpu.vector_load %arg4[%get3A_1659] {strides = array<i32>} : memref<32768xf32, #tpu.memory_space<vmem>>, vector<16xf32>,
      %get3A_1661 = vector.shape_cast %get3A_1660 : vector<16xf32> to vector<16xf32>
      %max3A_1662 = arith.maximumf %get3A_1639, %get3A_1661 : vector<16xf32>
      %add3A_1663 = arith.constant 112 : i32
      %add3A_1664 = arith.addi %mul3A_1624, %add3A_1663 : i32
      %get3A_1665 = arith.index_cast %add3A_1664 : i32 to index
      %get3A_1666 = tpu.vector_load %arg4[%get3A_1665] {strides = array<i32>} : memref<32768xf32, #tpu.memory_space<vmem>>, vector<16xf32>,
      %get3A_1667 = vector.shape_cast %get3A_1666 : vector<16xf32> to vector<16xf32>
      %max3A_1668 = arith.maximumf %get3A_1644, %get3A_1667 : vector<16xf32>
      %add3A_1669 = arith.constant 128 : i32
      %add3A_1670 = arith.addi %mul3A_1624, %add3A_1669 : i32
      %get3A_1671 = arith.index_cast %add3A_1670 : i32 to index
      %get3A_1672 = tpu.vector_load %arg4[%get3A_1671] {strides = array<i32>} : memref<32768xf32, #tpu.memory_space<vmem>>, vector<16xf32>,
      %get3A_1673 = vector.shape_cast %get3A_1672 : vector<16xf32> to vector<16xf32>
      %max3A_1674 = arith.maximumf %max3A_1650, %get3A_1673 : vector<16xf32>
      %add3A_1675 = arith.constant 144 : i32
      %add3A_1676 = arith.addi %mul3A_1624, %add3A_1675 : i32
      %get3A_1677 = arith.index_cast %add3A_1676 : i32 to index
      %get3A_1678 = tpu.vector_load %arg4[%get3A_1677] {strides = array<i32>} : memref<32768xf32, #tpu.memory_space<vmem>>, vector<16xf32>,
      %get3A_1679 = vector.shape_cast %get3A_1678 : vector<16xf32> to vector<16xf32>
      %max3A_1680 = arith.maximumf %max3A_1656, %get3A_1679 : vector<16xf32>
      %add3A_1681 = arith.constant 160 : i32
      %add3A_1682 = arith.addi %mul3A_1624, %add3A_1681 : i32
      %get3A_1683 = arith.index_cast %add3A_1682 : i32 to index
      %get3A_1684 = tpu.vector_load %arg4[%get3A_1683] {strides = array<i32>} : memref<32768xf32, #tpu.memory_space<vmem>>, vector<16xf32>,
      %get3A_1685 = vector.shape_cast %get3A_1684 : vector<16xf32> to vector<16xf32>
      %max3A_1686 = arith.maximumf %max3A_1662, %get3A_1685 : vector<16xf32>
      %add3A_1687 = arith.constant 176 : i32
      %add3A_1688 = arith.addi %mul3A_1624, %add3A_1687 : i32
      %get3A_1689 = arith.index_cast %add3A_1688 : i32 to index
      %get3A_1690 = tpu.vector_load %arg4[%get3A_1689] {strides = array<i32>} : memref<32768xf32, #tpu.memory_space<vmem>>, vector<16xf32>,
      %get3A_1691 = vector.shape_cast %get3A_1690 : vector<16xf32> to vector<16xf32>
      %max3A_1692 = arith.maximumf %max3A_1668, %get3A_1691 : vector<16xf32>
      %add3A_1693 = arith.constant 192 : i32
      %add3A_1694 = arith.addi %mul3A_1624, %add3A_1693 : i32
      %get3A_1695 = arith.index_cast %add3A_1694 : i32 to index
      %get3A_1696 = tpu.vector_load %arg4[%get3A_1695] {strides = array<i32>} : memref<32768xf32, #tpu.memory_space<vmem>>, vector<16xf32>,
      %get3A_1697 = vector.shape_cast %get3A_1696 : vector<16xf32> to vector<16xf32>
      %max3A_1698 = arith.maximumf %max3A_1674, %get3A_1697 : vector<16xf32>
      %add3A_1699 = arith.constant 208 : i32
      %add3A_1700 = arith.addi %mul3A_1624, %add3A_1699 : i32
      %get3A_1701 = arith.index_cast %add3A_1700 : i32 to index
      %get3A_1702 = tpu.vector_load %arg4[%get3A_1701] {strides = array<i32>} : memref<32768xf32, #tpu.memory_space<vmem>>, vector<16xf32>,
      %get3A_1703 = vector.shape_cast %get3A_1702 : vector<16xf32> to vector<16xf32>
      %max3A_1704 = arith.maximumf %max3A_1680, %get3A_1703 : vector<16xf32>
      %add3A_1705 = arith.constant 224 : i32
      %add3A_1706 = arith.addi %mul3A_1624, %add3A_1705 : i32
      %get3A_1707 = arith.index_cast %add3A_1706 : i32 to index
      %get3A_1708 = tpu.vector_load %arg4[%get3A_1707] {strides = array<i32>} : memref<32768xf32, #tpu.memory_space<vmem>>, vector<16xf32>,
      %get3A_1709 = vector.shape_cast %get3A_1708 : vector<16xf32> to vector<16xf32>
      %max3A_1710 = arith.maximumf %max3A_1686, %get3A_1709 : vector<16xf32>
      %add3A_1711 = arith.constant 240 : i32
      %add3A_1712 = arith.addi %mul3A_1624, %add3A_1711 : i32
      %get3A_1713 = arith.index_cast %add3A_1712 : i32 to index
      %get3A_1714 = tpu.vector_load %arg4[%get3A_1713] {strides = array<i32>} : memref<32768xf32, #tpu.memory_space<vmem>>, vector<16xf32>,
      %get3A_1715 = vector.shape_cast %get3A_1714 : vector<16xf32> to vector<16xf32>
      %max3A_1716 = arith.maximumf %max3A_1692, %get3A_1715 : vector<16xf32>
      %max3A_1717 = arith.maximumf %max3A_1698, %max3A_1704 : vector<16xf32>
      %max3A_1718 = arith.maximumf %max3A_1710, %max3A_1716 : vector<16xf32>
      %max3A_1719 = arith.maximumf %max3A_1717, %max3A_1718 : vector<16xf32>
      %gt3A_1720 = arith.cmpf ogt, %max3A_1719, %select_n3A_1618 : vector<16xf32>
      %select_n3A_1721 = arith.select %gt3A_1720, %max3A_1719, %select_n3A_1618 : vector<16xi1>, vector<16xf32>
      %broadcast_in_dim3A_1722 = vector.broadcast %scan3A_1622 : i32 to vector<16xi32>
      %select_n3A_1723 = arith.select %gt3A_1720, %broadcast_in_dim3A_1722, %select_n3A_1620 : vector<16xi1>, vector<16xi32>
      scf.yield %select_n3A_1721, %select_n3A_1723 : vector<16xf32>, vector<16xi32>
    }
    %scan3A_749 = arith.constant 128 : i32
    %xor3A_750 = arith.constant 8 : i32
    %xor3A_751 = vector.broadcast %xor3A_750 : i32 to vector<16xi32>
    %xor3A_752 = arith.xori %iota3A, %xor3A_751 : vector<16xi32>
    %broadcast_in_dim3A_753 = vector.shape_cast %xor3A_752 : vector<16xi32> to vector<16x1xi32>
    %gather3A_754 = vector.shape_cast %broadcast_in_dim3A_753 : vector<16x1xi32> to vector<16xi32>
    %gather3A_755 = tpu.dynamic_gather %scan3A_748#0[%gather3A_754] in [0] : vector<16xf32>, vector<16xi32> -> vector<16xf32>
    %broadcast_in_dim3A_756 = vector.shape_cast %xor3A_752 : vector<16xi32> to vector<16x1xi32>
    %gather3A_757 = vector.shape_cast %broadcast_in_dim3A_756 : vector<16x1xi32> to vector<16xi32>
    %gather3A_758 = tpu.dynamic_gather %scan3A_748#1[%gather3A_757] in [0] : vector<16xi32>, vector<16xi32> -> vector<16xi32>
    %gt3A_759 = arith.cmpf ogt, %gather3A_755, %scan3A_748#0 : vector<16xf32>
    %eq3A_760 = arith.cmpf oeq, %gather3A_755, %scan3A_748#0 : vector<16xf32>
    %lt3A_761 = arith.cmpi slt, %gather3A_758, %scan3A_748#1 : vector<16xi32>
    %and3A_762 = arith.andi %eq3A_760, %lt3A_761 : vector<16xi1>
    %or3A_763 = arith.ori %gt3A_759, %and3A_762 : vector<16xi1>
    %select_n3A_764 = arith.select %or3A_763, %gather3A_755, %scan3A_748#0 : vector<16xi1>, vector<16xf32>
    %select_n3A_765 = arith.select %or3A_763, %gather3A_758, %scan3A_748#1 : vector<16xi1>, vector<16xi32>
    %xor3A_766 = arith.constant 4 : i32
    %xor3A_767 = vector.broadcast %xor3A_766 : i32 to vector<16xi32>
    %xor3A_768 = arith.xori %iota3A, %xor3A_767 : vector<16xi32>
    %broadcast_in_dim3A_769 = vector.shape_cast %xor3A_768 : vector<16xi32> to vector<16x1xi32>
    %gather3A_770 = vector.shape_cast %broadcast_in_dim3A_769 : vector<16x1xi32> to vector<16xi32>
    %gather3A_771 = tpu.dynamic_gather %select_n3A_764[%gather3A_770] in [0] : vector<16xf32>, vector<16xi32> -> vector<16xf32>
    %broadcast_in_dim3A_772 = vector.shape_cast %xor3A_768 : vector<16xi32> to vector<16x1xi32>
    %gather3A_773 = vector.shape_cast %broadcast_in_dim3A_772 : vector<16x1xi32> to vector<16xi32>
    %gather3A_774 = tpu.dynamic_gather %select_n3A_765[%gather3A_773] in [0] : vector<16xi32>, vector<16xi32> -> vector<16xi32>
    %gt3A_775 = arith.cmpf ogt, %gather3A_771, %select_n3A_764 : vector<16xf32>
    %eq3A_776 = arith.cmpf oeq, %gather3A_771, %select_n3A_764 : vector<16xf32>
    %lt3A_777 = arith.cmpi slt, %gather3A_774, %select_n3A_765 : vector<16xi32>
    %and3A_778 = arith.andi %eq3A_776, %lt3A_777 : vector<16xi1>
    %or3A_779 = arith.ori %gt3A_775, %and3A_778 : vector<16xi1>
    %select_n3A_780 = arith.select %or3A_779, %gather3A_771, %select_n3A_764 : vector<16xi1>, vector<16xf32>
    %select_n3A_781 = arith.select %or3A_779, %gather3A_774, %select_n3A_765 : vector<16xi1>, vector<16xi32>
    %xor3A_782 = arith.constant 2 : i32
    %xor3A_783 = vector.broadcast %xor3A_782 : i32 to vector<16xi32>
    %xor3A_784 = arith.xori %iota3A, %xor3A_783 : vector<16xi32>
    %broadcast_in_dim3A_785 = vector.shape_cast %xor3A_784 : vector<16xi32> to vector<16x1xi32>
    %gather3A_786 = vector.shape_cast %broadcast_in_dim3A_785 : vector<16x1xi32> to vector<16xi32>
    %gather3A_787 = tpu.dynamic_gather %select_n3A_780[%gather3A_786] in [0] : vector<16xf32>, vector<16xi32> -> vector<16xf32>
    %broadcast_in_dim3A_788 = vector.shape_cast %xor3A_784 : vector<16xi32> to vector<16x1xi32>
    %gather3A_789 = vector.shape_cast %broadcast_in_dim3A_788 : vector<16x1xi32> to vector<16xi32>
    %gather3A_790 = tpu.dynamic_gather %select_n3A_781[%gather3A_789] in [0] : vector<16xi32>, vector<16xi32> -> vector<16xi32>
    %gt3A_791 = arith.cmpf ogt, %gather3A_787, %select_n3A_780 : vector<16xf32>
    %eq3A_792 = arith.cmpf oeq, %gather3A_787, %select_n3A_780 : vector<16xf32>
    %lt3A_793 = arith.cmpi slt, %gather3A_790, %select_n3A_781 : vector<16xi32>
    %and3A_794 = arith.andi %eq3A_792, %lt3A_793 : vector<16xi1>
    %or3A_795 = arith.ori %gt3A_791, %and3A_794 : vector<16xi1>
    %select_n3A_796 = arith.select %or3A_795, %gather3A_787, %select_n3A_780 : vector<16xi1>, vector<16xf32>
    %select_n3A_797 = arith.select %or3A_795, %gather3A_790, %select_n3A_781 : vector<16xi1>, vector<16xi32>
    %xor3A_798 = arith.constant 1 : i32
    %xor3A_799 = vector.broadcast %xor3A_798 : i32 to vector<16xi32>
    %xor3A_800 = arith.xori %iota3A, %xor3A_799 : vector<16xi32>
    %broadcast_in_dim3A_801 = vector.shape_cast %xor3A_800 : vector<16xi32> to vector<16x1xi32>
    %gather3A_802 = vector.shape_cast %broadcast_in_dim3A_801 : vector<16x1xi32> to vector<16xi32>
    %gather3A_803 = tpu.dynamic_gather %select_n3A_796[%gather3A_802] in [0] : vector<16xf32>, vector<16xi32> -> vector<16xf32>
    %broadcast_in_dim3A_804 = vector.shape_cast %xor3A_800 : vector<16xi32> to vector<16x1xi32>
    %gather3A_805 = vector.shape_cast %broadcast_in_dim3A_804 : vector<16x1xi32> to vector<16xi32>
    %gather3A_806 = tpu.dynamic_gather %select_n3A_797[%gather3A_805] in [0] : vector<16xi32>, vector<16xi32> -> vector<16xi32>
    %gt3A_807 = arith.cmpf ogt, %gather3A_803, %select_n3A_796 : vector<16xf32>
    %eq3A_808 = arith.cmpf oeq, %gather3A_803, %select_n3A_796 : vector<16xf32>
    %lt3A_809 = arith.cmpi slt, %gather3A_806, %select_n3A_797 : vector<16xi32>
    %and3A_810 = arith.andi %eq3A_808, %lt3A_809 : vector<16xi1>
    %or3A_811 = arith.ori %gt3A_807, %and3A_810 : vector<16xi1>
    %select_n3A_812 = arith.select %or3A_811, %gather3A_803, %select_n3A_796 : vector<16xi1>, vector<16xf32>
    %select_n3A_813 = arith.select %or3A_811, %gather3A_806, %select_n3A_797 : vector<16xi1>, vector<16xi32>
    %slice3A_814 = vector.extract_strided_slice %select_n3A_813 {offsets = [0], sizes = [1], strides = [1]} : vector<16xi32> to vector<1xi32>
    %squeeze3A_815 = vector.extract %slice3A_814[0] : i32 from vector<1xi32>
    %mul3A_816 = arith.constant 256 : i32
    %mul3A_817 = arith.muli %squeeze3A_815, %mul3A_816 : i32
    %broadcast_in_dim3A_818 = arith.constant 1073741824 : i32
    %broadcast_in_dim3A_819 = vector.broadcast %broadcast_in_dim3A_818 : i32 to vector<16xi32>
    %add3A_820 = arith.constant 0 : i32
    %add3A_821 = arith.addi %mul3A_817, %add3A_820 : i32
    %get3A_822 = arith.index_cast %add3A_821 : i32 to index
    %get3A_823 = tpu.vector_load %arg4[%get3A_822] {strides = array<i32>} : memref<32768xf32, #tpu.memory_space<vmem>>, vector<16xf32>,
    %get3A_824 = vector.shape_cast %get3A_823 : vector<16xf32> to vector<16xf32>
    %add3A_825 = arith.constant 0 : i32
    %add3A_826 = arith.addi %mul3A_817, %add3A_825 : i32
    %add3A_827 = vector.broadcast %add3A_826 : i32 to vector<16xi32>
    %add3A_828 = arith.addi %iota3A, %add3A_827 : vector<16xi32>
    %eq3A_829 = arith.cmpf oeq, %get3A_824, %select_n3A_812 : vector<16xf32>
    %select_n3A_830 = arith.select %eq3A_829, %add3A_828, %broadcast_in_dim3A_819 : vector<16xi1>, vector<16xi32>
    %min3A_831 = arith.minsi %broadcast_in_dim3A_819, %select_n3A_830 : vector<16xi32>
    %add3A_832 = arith.constant 16 : i32
    %add3A_833 = arith.addi %mul3A_817, %add3A_832 : i32
    %get3A_834 = arith.index_cast %add3A_833 : i32 to index
    %get3A_835 = tpu.vector_load %arg4[%get3A_834] {strides = array<i32>} : memref<32768xf32, #tpu.memory_space<vmem>>, vector<16xf32>,
    %get3A_836 = vector.shape_cast %get3A_835 : vector<16xf32> to vector<16xf32>
    %add3A_837 = arith.constant 16 : i32
    %add3A_838 = arith.addi %mul3A_817, %add3A_837 : i32
    %add3A_839 = vector.broadcast %add3A_838 : i32 to vector<16xi32>
    %add3A_840 = arith.addi %iota3A, %add3A_839 : vector<16xi32>
    %eq3A_841 = arith.cmpf oeq, %get3A_836, %select_n3A_812 : vector<16xf32>
    %select_n3A_842 = arith.select %eq3A_841, %add3A_840, %broadcast_in_dim3A_819 : vector<16xi1>, vector<16xi32>
    %min3A_843 = arith.minsi %min3A_831, %select_n3A_842 : vector<16xi32>
    %add3A_844 = arith.constant 32 : i32
    %add3A_845 = arith.addi %mul3A_817, %add3A_844 : i32
    %get3A_846 = arith.index_cast %add3A_845 : i32 to index
    %get3A_847 = tpu.vector_load %arg4[%get3A_846] {strides = array<i32>} : memref<32768xf32, #tpu.memory_space<vmem>>, vector<16xf32>,
    %get3A_848 = vector.shape_cast %get3A_847 : vector<16xf32> to vector<16xf32>
    %add3A_849 = arith.constant 32 : i32
    %add3A_850 = arith.addi %mul3A_817, %add3A_849 : i32
    %add3A_851 = vector.broadcast %add3A_850 : i32 to vector<16xi32>
    %add3A_852 = arith.addi %iota3A, %add3A_851 : vector<16xi32>
    %eq3A_853 = arith.cmpf oeq, %get3A_848, %select_n3A_812 : vector<16xf32>
    %select_n3A_854 = arith.select %eq3A_853, %add3A_852, %broadcast_in_dim3A_819 : vector<16xi1>, vector<16xi32>
    %min3A_855 = arith.minsi %min3A_843, %select_n3A_854 : vector<16xi32>
    %add3A_856 = arith.constant 48 : i32
    %add3A_857 = arith.addi %mul3A_817, %add3A_856 : i32
    %get3A_858 = arith.index_cast %add3A_857 : i32 to index
    %get3A_859 = tpu.vector_load %arg4[%get3A_858] {strides = array<i32>} : memref<32768xf32, #tpu.memory_space<vmem>>, vector<16xf32>,
    %get3A_860 = vector.shape_cast %get3A_859 : vector<16xf32> to vector<16xf32>
    %add3A_861 = arith.constant 48 : i32
    %add3A_862 = arith.addi %mul3A_817, %add3A_861 : i32
    %add3A_863 = vector.broadcast %add3A_862 : i32 to vector<16xi32>
    %add3A_864 = arith.addi %iota3A, %add3A_863 : vector<16xi32>
    %eq3A_865 = arith.cmpf oeq, %get3A_860, %select_n3A_812 : vector<16xf32>
    %select_n3A_866 = arith.select %eq3A_865, %add3A_864, %broadcast_in_dim3A_819 : vector<16xi1>, vector<16xi32>
    %min3A_867 = arith.minsi %min3A_855, %select_n3A_866 : vector<16xi32>
    %add3A_868 = arith.constant 64 : i32
    %add3A_869 = arith.addi %mul3A_817, %add3A_868 : i32
    %get3A_870 = arith.index_cast %add3A_869 : i32 to index
    %get3A_871 = tpu.vector_load %arg4[%get3A_870] {strides = array<i32>} : memref<32768xf32, #tpu.memory_space<vmem>>, vector<16xf32>,
    %get3A_872 = vector.shape_cast %get3A_871 : vector<16xf32> to vector<16xf32>
    %add3A_873 = arith.constant 64 : i32
    %add3A_874 = arith.addi %mul3A_817, %add3A_873 : i32
    %add3A_875 = vector.broadcast %add3A_874 : i32 to vector<16xi32>
    %add3A_876 = arith.addi %iota3A, %add3A_875 : vector<16xi32>
    %eq3A_877 = arith.cmpf oeq, %get3A_872, %select_n3A_812 : vector<16xf32>
    %select_n3A_878 = arith.select %eq3A_877, %add3A_876, %broadcast_in_dim3A_819 : vector<16xi1>, vector<16xi32>
    %min3A_879 = arith.minsi %min3A_867, %select_n3A_878 : vector<16xi32>
    %add3A_880 = arith.constant 80 : i32
    %add3A_881 = arith.addi %mul3A_817, %add3A_880 : i32
    %get3A_882 = arith.index_cast %add3A_881 : i32 to index
    %get3A_883 = tpu.vector_load %arg4[%get3A_882] {strides = array<i32>} : memref<32768xf32, #tpu.memory_space<vmem>>, vector<16xf32>,
    %get3A_884 = vector.shape_cast %get3A_883 : vector<16xf32> to vector<16xf32>
    %add3A_885 = arith.constant 80 : i32
    %add3A_886 = arith.addi %mul3A_817, %add3A_885 : i32
    %add3A_887 = vector.broadcast %add3A_886 : i32 to vector<16xi32>
    %add3A_888 = arith.addi %iota3A, %add3A_887 : vector<16xi32>
    %eq3A_889 = arith.cmpf oeq, %get3A_884, %select_n3A_812 : vector<16xf32>
    %select_n3A_890 = arith.select %eq3A_889, %add3A_888, %broadcast_in_dim3A_819 : vector<16xi1>, vector<16xi32>
    %min3A_891 = arith.minsi %min3A_879, %select_n3A_890 : vector<16xi32>
    %add3A_892 = arith.constant 96 : i32
    %add3A_893 = arith.addi %mul3A_817, %add3A_892 : i32
    %get3A_894 = arith.index_cast %add3A_893 : i32 to index
    %get3A_895 = tpu.vector_load %arg4[%get3A_894] {strides = array<i32>} : memref<32768xf32, #tpu.memory_space<vmem>>, vector<16xf32>,
    %get3A_896 = vector.shape_cast %get3A_895 : vector<16xf32> to vector<16xf32>
    %add3A_897 = arith.constant 96 : i32
    %add3A_898 = arith.addi %mul3A_817, %add3A_897 : i32
    %add3A_899 = vector.broadcast %add3A_898 : i32 to vector<16xi32>
    %add3A_900 = arith.addi %iota3A, %add3A_899 : vector<16xi32>
    %eq3A_901 = arith.cmpf oeq, %get3A_896, %select_n3A_812 : vector<16xf32>
    %select_n3A_902 = arith.select %eq3A_901, %add3A_900, %broadcast_in_dim3A_819 : vector<16xi1>, vector<16xi32>
    %min3A_903 = arith.minsi %min3A_891, %select_n3A_902 : vector<16xi32>
    %add3A_904 = arith.constant 112 : i32
    %add3A_905 = arith.addi %mul3A_817, %add3A_904 : i32
    %get3A_906 = arith.index_cast %add3A_905 : i32 to index
    %get3A_907 = tpu.vector_load %arg4[%get3A_906] {strides = array<i32>} : memref<32768xf32, #tpu.memory_space<vmem>>, vector<16xf32>,
    %get3A_908 = vector.shape_cast %get3A_907 : vector<16xf32> to vector<16xf32>
    %add3A_909 = arith.constant 112 : i32
    %add3A_910 = arith.addi %mul3A_817, %add3A_909 : i32
    %add3A_911 = vector.broadcast %add3A_910 : i32 to vector<16xi32>
    %add3A_912 = arith.addi %iota3A, %add3A_911 : vector<16xi32>
    %eq3A_913 = arith.cmpf oeq, %get3A_908, %select_n3A_812 : vector<16xf32>
    %select_n3A_914 = arith.select %eq3A_913, %add3A_912, %broadcast_in_dim3A_819 : vector<16xi1>, vector<16xi32>
    %min3A_915 = arith.minsi %min3A_903, %select_n3A_914 : vector<16xi32>
    %add3A_916 = arith.constant 128 : i32
    %add3A_917 = arith.addi %mul3A_817, %add3A_916 : i32
    %get3A_918 = arith.index_cast %add3A_917 : i32 to index
    %get3A_919 = tpu.vector_load %arg4[%get3A_918] {strides = array<i32>} : memref<32768xf32, #tpu.memory_space<vmem>>, vector<16xf32>,
    %get3A_920 = vector.shape_cast %get3A_919 : vector<16xf32> to vector<16xf32>
    %add3A_921 = arith.constant 128 : i32
    %add3A_922 = arith.addi %mul3A_817, %add3A_921 : i32
    %add3A_923 = vector.broadcast %add3A_922 : i32 to vector<16xi32>
    %add3A_924 = arith.addi %iota3A, %add3A_923 : vector<16xi32>
    %eq3A_925 = arith.cmpf oeq, %get3A_920, %select_n3A_812 : vector<16xf32>
    %select_n3A_926 = arith.select %eq3A_925, %add3A_924, %broadcast_in_dim3A_819 : vector<16xi1>, vector<16xi32>
    %min3A_927 = arith.minsi %min3A_915, %select_n3A_926 : vector<16xi32>
    %add3A_928 = arith.constant 144 : i32
    %add3A_929 = arith.addi %mul3A_817, %add3A_928 : i32
    %get3A_930 = arith.index_cast %add3A_929 : i32 to index
    %get3A_931 = tpu.vector_load %arg4[%get3A_930] {strides = array<i32>} : memref<32768xf32, #tpu.memory_space<vmem>>, vector<16xf32>,
    %get3A_932 = vector.shape_cast %get3A_931 : vector<16xf32> to vector<16xf32>
    %add3A_933 = arith.constant 144 : i32
    %add3A_934 = arith.addi %mul3A_817, %add3A_933 : i32
    %add3A_935 = vector.broadcast %add3A_934 : i32 to vector<16xi32>
    %add3A_936 = arith.addi %iota3A, %add3A_935 : vector<16xi32>
    %eq3A_937 = arith.cmpf oeq, %get3A_932, %select_n3A_812 : vector<16xf32>
    %select_n3A_938 = arith.select %eq3A_937, %add3A_936, %broadcast_in_dim3A_819 : vector<16xi1>, vector<16xi32>
    %min3A_939 = arith.minsi %min3A_927, %select_n3A_938 : vector<16xi32>
    %add3A_940 = arith.constant 160 : i32
    %add3A_941 = arith.addi %mul3A_817, %add3A_940 : i32
    %get3A_942 = arith.index_cast %add3A_941 : i32 to index
    %get3A_943 = tpu.vector_load %arg4[%get3A_942] {strides = array<i32>} : memref<32768xf32, #tpu.memory_space<vmem>>, vector<16xf32>,
    %get3A_944 = vector.shape_cast %get3A_943 : vector<16xf32> to vector<16xf32>
    %add3A_945 = arith.constant 160 : i32
    %add3A_946 = arith.addi %mul3A_817, %add3A_945 : i32
    %add3A_947 = vector.broadcast %add3A_946 : i32 to vector<16xi32>
    %add3A_948 = arith.addi %iota3A, %add3A_947 : vector<16xi32>
    %eq3A_949 = arith.cmpf oeq, %get3A_944, %select_n3A_812 : vector<16xf32>
    %select_n3A_950 = arith.select %eq3A_949, %add3A_948, %broadcast_in_dim3A_819 : vector<16xi1>, vector<16xi32>
    %min3A_951 = arith.minsi %min3A_939, %select_n3A_950 : vector<16xi32>
    %add3A_952 = arith.constant 176 : i32
    %add3A_953 = arith.addi %mul3A_817, %add3A_952 : i32
    %get3A_954 = arith.index_cast %add3A_953 : i32 to index
    %get3A_955 = tpu.vector_load %arg4[%get3A_954] {strides = array<i32>} : memref<32768xf32, #tpu.memory_space<vmem>>, vector<16xf32>,
    %get3A_956 = vector.shape_cast %get3A_955 : vector<16xf32> to vector<16xf32>
    %add3A_957 = arith.constant 176 : i32
    %add3A_958 = arith.addi %mul3A_817, %add3A_957 : i32
    %add3A_959 = vector.broadcast %add3A_958 : i32 to vector<16xi32>
    %add3A_960 = arith.addi %iota3A, %add3A_959 : vector<16xi32>
    %eq3A_961 = arith.cmpf oeq, %get3A_956, %select_n3A_812 : vector<16xf32>
    %select_n3A_962 = arith.select %eq3A_961, %add3A_960, %broadcast_in_dim3A_819 : vector<16xi1>, vector<16xi32>
    %min3A_963 = arith.minsi %min3A_951, %select_n3A_962 : vector<16xi32>
    %add3A_964 = arith.constant 192 : i32
    %add3A_965 = arith.addi %mul3A_817, %add3A_964 : i32
    %get3A_966 = arith.index_cast %add3A_965 : i32 to index
    %get3A_967 = tpu.vector_load %arg4[%get3A_966] {strides = array<i32>} : memref<32768xf32, #tpu.memory_space<vmem>>, vector<16xf32>,
    %get3A_968 = vector.shape_cast %get3A_967 : vector<16xf32> to vector<16xf32>
    %add3A_969 = arith.constant 192 : i32
    %add3A_970 = arith.addi %mul3A_817, %add3A_969 : i32
    %add3A_971 = vector.broadcast %add3A_970 : i32 to vector<16xi32>
    %add3A_972 = arith.addi %iota3A, %add3A_971 : vector<16xi32>
    %eq3A_973 = arith.cmpf oeq, %get3A_968, %select_n3A_812 : vector<16xf32>
    %select_n3A_974 = arith.select %eq3A_973, %add3A_972, %broadcast_in_dim3A_819 : vector<16xi1>, vector<16xi32>
    %min3A_975 = arith.minsi %min3A_963, %select_n3A_974 : vector<16xi32>
    %add3A_976 = arith.constant 208 : i32
    %add3A_977 = arith.addi %mul3A_817, %add3A_976 : i32
    %get3A_978 = arith.index_cast %add3A_977 : i32 to index
    %get3A_979 = tpu.vector_load %arg4[%get3A_978] {strides = array<i32>} : memref<32768xf32, #tpu.memory_space<vmem>>, vector<16xf32>,
    %get3A_980 = vector.shape_cast %get3A_979 : vector<16xf32> to vector<16xf32>
    %add3A_981 = arith.constant 208 : i32
    %add3A_982 = arith.addi %mul3A_817, %add3A_981 : i32
    %add3A_983 = vector.broadcast %add3A_982 : i32 to vector<16xi32>
    %add3A_984 = arith.addi %iota3A, %add3A_983 : vector<16xi32>
    %eq3A_985 = arith.cmpf oeq, %get3A_980, %select_n3A_812 : vector<16xf32>
    %select_n3A_986 = arith.select %eq3A_985, %add3A_984, %broadcast_in_dim3A_819 : vector<16xi1>, vector<16xi32>
    %min3A_987 = arith.minsi %min3A_975, %select_n3A_986 : vector<16xi32>
    %add3A_988 = arith.constant 224 : i32
    %add3A_989 = arith.addi %mul3A_817, %add3A_988 : i32
    %get3A_990 = arith.index_cast %add3A_989 : i32 to index
    %get3A_991 = tpu.vector_load %arg4[%get3A_990] {strides = array<i32>} : memref<32768xf32, #tpu.memory_space<vmem>>, vector<16xf32>,
    %get3A_992 = vector.shape_cast %get3A_991 : vector<16xf32> to vector<16xf32>
    %add3A_993 = arith.constant 224 : i32
    %add3A_994 = arith.addi %mul3A_817, %add3A_993 : i32
    %add3A_995 = vector.broadcast %add3A_994 : i32 to vector<16xi32>
    %add3A_996 = arith.addi %iota3A, %add3A_995 : vector<16xi32>
    %eq3A_997 = arith.cmpf oeq, %get3A_992, %select_n3A_812 : vector<16xf32>
    %select_n3A_998 = arith.select %eq3A_997, %add3A_996, %broadcast_in_dim3A_819 : vector<16xi1>, vector<16xi32>
    %min3A_999 = arith.minsi %min3A_987, %select_n3A_998 : vector<16xi32>
    %add3A_1000 = arith.constant 240 : i32
    %add3A_1001 = arith.addi %mul3A_817, %add3A_1000 : i32
    %get3A_1002 = arith.index_cast %add3A_1001 : i32 to index
    %get3A_1003 = tpu.vector_load %arg4[%get3A_1002] {strides = array<i32>} : memref<32768xf32, #tpu.memory_space<vmem>>, vector<16xf32>,
    %get3A_1004 = vector.shape_cast %get3A_1003 : vector<16xf32> to vector<16xf32>
    %add3A_1005 = arith.constant 240 : i32
    %add3A_1006 = arith.addi %mul3A_817, %add3A_1005 : i32
    %add3A_1007 = vector.broadcast %add3A_1006 : i32 to vector<16xi32>
    %add3A_1008 = arith.addi %iota3A, %add3A_1007 : vector<16xi32>
    %eq3A_1009 = arith.cmpf oeq, %get3A_1004, %select_n3A_812 : vector<16xf32>
    %select_n3A_1010 = arith.select %eq3A_1009, %add3A_1008, %broadcast_in_dim3A_819 : vector<16xi1>, vector<16xi32>
    %min3A_1011 = arith.minsi %min3A_999, %select_n3A_1010 : vector<16xi32>
    %xor3A_1012 = arith.constant 8 : i32
    %xor3A_1013 = vector.broadcast %xor3A_1012 : i32 to vector<16xi32>
    %xor3A_1014 = arith.xori %iota3A, %xor3A_1013 : vector<16xi32>
    %broadcast_in_dim3A_1015 = vector.shape_cast %xor3A_1014 : vector<16xi32> to vector<16x1xi32>
    %gather3A_1016 = vector.shape_cast %broadcast_in_dim3A_1015 : vector<16x1xi32> to vector<16xi32>
    %gather3A_1017 = tpu.dynamic_gather %min3A_1011[%gather3A_1016] in [0] : vector<16xi32>, vector<16xi32> -> vector<16xi32>
    %min3A_1018 = arith.minsi %min3A_1011, %gather3A_1017 : vector<16xi32>
    %xor3A_1019 = arith.constant 4 : i32
    %xor3A_1020 = vector.broadcast %xor3A_1019 : i32 to vector<16xi32>
    %xor3A_1021 = arith.xori %iota3A, %xor3A_1020 : vector<16xi32>
    %broadcast_in_dim3A_1022 = vector.shape_cast %xor3A_1021 : vector<16xi32> to vector<16x1xi32>
    %gather3A_1023 = vector.shape_cast %broadcast_in_dim3A_1022 : vector<16x1xi32> to vector<16xi32>
    %gather3A_1024 = tpu.dynamic_gather %min3A_1018[%gather3A_1023] in [0] : vector<16xi32>, vector<16xi32> -> vector<16xi32>
    %min3A_1025 = arith.minsi %min3A_1018, %gather3A_1024 : vector<16xi32>
    %xor3A_1026 = arith.constant 2 : i32
    %xor3A_1027 = vector.broadcast %xor3A_1026 : i32 to vector<16xi32>
    %xor3A_1028 = arith.xori %iota3A, %xor3A_1027 : vector<16xi32>
    %broadcast_in_dim3A_1029 = vector.shape_cast %xor3A_1028 : vector<16xi32> to vector<16x1xi32>
    %gather3A_1030 = vector.shape_cast %broadcast_in_dim3A_1029 : vector<16x1xi32> to vector<16xi32>
    %gather3A_1031 = tpu.dynamic_gather %min3A_1025[%gather3A_1030] in [0] : vector<16xi32>, vector<16xi32> -> vector<16xi32>
    %min3A_1032 = arith.minsi %min3A_1025, %gather3A_1031 : vector<16xi32>
    %xor3A_1033 = arith.constant 1 : i32
    %xor3A_1034 = vector.broadcast %xor3A_1033 : i32 to vector<16xi32>
    %xor3A_1035 = arith.xori %iota3A, %xor3A_1034 : vector<16xi32>
    %broadcast_in_dim3A_1036 = vector.shape_cast %xor3A_1035 : vector<16xi32> to vector<16x1xi32>
    %gather3A_1037 = vector.shape_cast %broadcast_in_dim3A_1036 : vector<16x1xi32> to vector<16xi32>
    %gather3A_1038 = tpu.dynamic_gather %min3A_1032[%gather3A_1037] in [0] : vector<16xi32>, vector<16xi32> -> vector<16xi32>
    %min3A_1039 = arith.minsi %min3A_1032, %gather3A_1038 : vector<16xi32>
    %slice3A_1040 = vector.extract_strided_slice %min3A_1039 {offsets = [0], sizes = [1], strides = [1]} : vector<16xi32> to vector<1xi32>
    %squeeze3A_1041 = vector.extract %slice3A_1040[0] : i32 from vector<1xi32>
    %jit3A_1042 = arith.constant 16 : i32
    %div3A_1043 = arith.divsi %squeeze3A_1041, %jit3A_1042 : i32
    %sign3A_1044 = arith.constant 0 : i32
    %sign3A_1045 = arith.cmpi sgt, %squeeze3A_1041, %sign3A_1044 : i32
    %sign3A_1046 = arith.extui %sign3A_1045 : i1 to i32
    %sign3A_1047 = arith.constant 0 : i32
    %sign3A_1048 = arith.cmpi slt, %squeeze3A_1041, %sign3A_1047 : i32
    %sign3A_1049 = arith.extui %sign3A_1048 : i1 to i32
    %sign3A_1050 = arith.subi %sign3A_1046, %sign3A_1049 : i32
    %sign3A_1051 = arith.constant 0 : i32
    %sign3A_1052 = arith.cmpi sgt, %jit3A_1042, %sign3A_1051 : i32
    %sign3A_1053 = arith.extui %sign3A_1052 : i1 to i32
    %sign3A_1054 = arith.constant 0 : i32
    %sign3A_1055 = arith.cmpi slt, %jit3A_1042, %sign3A_1054 : i32
    %sign3A_1056 = arith.extui %sign3A_1055 : i1 to i32
    %sign3A_1057 = arith.subi %sign3A_1053, %sign3A_1056 : i32
    %ne3A_1058 = arith.cmpi ne, %sign3A_1050, %sign3A_1057 : i32
    %rem3A_1059 = arith.remsi %squeeze3A_1041, %jit3A_1042 : i32
    %ne3A_1060 = arith.constant 0 : i32
    %ne3A_1061 = arith.cmpi ne, %rem3A_1059, %ne3A_1060 : i32
    %and3A_1062 = arith.andi %ne3A_1058, %ne3A_1061 : i1
    %sub3A_1063 = arith.constant 1 : i32
    %sub3A_1064 = arith.subi %div3A_1043, %sub3A_1063 : i32
    %select_n3A_1065 = arith.select %and3A_1062, %sub3A_1064, %div3A_1043 : i32
    %mul3A_1066 = arith.constant 16 : i32
    %mul3A_1067 = arith.muli %select_n3A_1065, %mul3A_1066 : i32
    %sub3A_1068 = arith.subi %squeeze3A_1041, %mul3A_1067 : i32
    %eq3A_1069 = vector.broadcast %sub3A_1068 : i32 to vector<16xi32>
    %eq3A_1070 = arith.cmpi eq, %iota3A, %eq3A_1069 : vector<16xi32>
    %select_n3A_1071 = arith.select %eq3A_1070, %broadcast_in_dim3A_5, %broadcast_in_dim3A_3 : vector<16xi1>, vector<16xf32>
    %swap3A_1072 = arith.constant 32 : index
    %swap3A_1073 = tpu.vector_load %arg7[%swap3A_1072] {strides = array<i32>} : memref<64xf32, #tpu.memory_space<vmem>>, vector<16xf32>,
    %swap3A_1074 = vector.shape_cast %swap3A_1073 : vector<16xf32> to vector<16xf32>
    %swap3A_1075 = vector.shape_cast %select_n3A_1071 : vector<16xf32> to vector<16xf32>
    tpu.vector_store %arg7[%swap3A_1072], %swap3A_1075 {strides = array<i32>} : memref<64xf32, #tpu.memory_space<vmem>>, vector<16xf32>,
    %dma_wait3A_1076 = arith.constant 0 : i32
    %dma_wait3A_1077 = tpu.memref_slice %arg2[%add3A_737, %dma_wait3A_1076] : memref<128x32768xf32, #tpu.memory_space<hbm>> -> memref<1x32768xf32, #tpu.memory_space<hbm>>
    %dma_wait3A_1078 = tpu.memref_squeeze %dma_wait3A_1077 : memref<1x32768xf32, #tpu.memory_space<hbm>> -> memref<32768xf32, #tpu.memory_space<hbm>>
    %dma_wait3A_1079 = arith.constant 0 : i32
    %dma_wait3A_1080 = tpu.memref_slice %arg2[%add3A_737, %dma_wait3A_1079] : memref<128x32768xf32, #tpu.memory_space<hbm>> -> memref<1x32768xf32, #tpu.memory_space<hbm>>
    %dma_wait3A_1081 = tpu.memref_squeeze %dma_wait3A_1080 : memref<1x32768xf32, #tpu.memory_space<hbm>> -> memref<32768xf32, #tpu.memory_space<hbm>>
    tpu.wait_dma2 semaphore(%arg8 : memref<!tpu.dma_semaphore, #tpu.memory_space<semaphore_mem>>) src(%dma_wait3A_1081 : memref<32768xf32, #tpu.memory_space<hbm>>) dst(%arg5 : memref<32768xf32, #tpu.memory_space<vmem>>)
    %scan3A_1082 = arith.constant 0 : i32
    %scan3A_1083 = arith.constant 128 : i32
    %scan3A_1084 = arith.addi %scan3A_1082, %scan3A_1083 : i32
    %scan3A_1085 = arith.constant 2 : i32
    %scan3A_1086:2 = scf.for %scan3A_1518 = %scan3A_1082 to %scan3A_1084 step %scan3A_1085 iter_args(%scan3A_1519 = %broadcast_in_dim3A_7, %scan3A_1520 = %broadcast_in_dim3A_9) -> (vector<16xf32>, vector<16xi32>)  : i32 {
      %mul3A_1521 = arith.constant 256 : i32
      %mul3A_1522 = arith.muli %scan3A_1518, %mul3A_1521 : i32
      %add3A_1523 = arith.constant 0 : i32
      %add3A_1524 = arith.addi %mul3A_1522, %add3A_1523 : i32
      %get3A_1525 = arith.index_cast %add3A_1524 : i32 to index
      %get3A_1526 = tpu.vector_load %arg5[%get3A_1525] {strides = array<i32>} : memref<32768xf32, #tpu.memory_space<vmem>>, vector<16xf32>,
      %get3A_1527 = vector.shape_cast %get3A_1526 : vector<16xf32> to vector<16xf32>
      %add3A_1528 = arith.constant 16 : i32
      %add3A_1529 = arith.addi %mul3A_1522, %add3A_1528 : i32
      %get3A_1530 = arith.index_cast %add3A_1529 : i32 to index
      %get3A_1531 = tpu.vector_load %arg5[%get3A_1530] {strides = array<i32>} : memref<32768xf32, #tpu.memory_space<vmem>>, vector<16xf32>,
      %get3A_1532 = vector.shape_cast %get3A_1531 : vector<16xf32> to vector<16xf32>
      %add3A_1533 = arith.constant 32 : i32
      %add3A_1534 = arith.addi %mul3A_1522, %add3A_1533 : i32
      %get3A_1535 = arith.index_cast %add3A_1534 : i32 to index
      %get3A_1536 = tpu.vector_load %arg5[%get3A_1535] {strides = array<i32>} : memref<32768xf32, #tpu.memory_space<vmem>>, vector<16xf32>,
      %get3A_1537 = vector.shape_cast %get3A_1536 : vector<16xf32> to vector<16xf32>
      %add3A_1538 = arith.constant 48 : i32
      %add3A_1539 = arith.addi %mul3A_1522, %add3A_1538 : i32
      %get3A_1540 = arith.index_cast %add3A_1539 : i32 to index
      %get3A_1541 = tpu.vector_load %arg5[%get3A_1540] {strides = array<i32>} : memref<32768xf32, #tpu.memory_space<vmem>>, vector<16xf32>,
      %get3A_1542 = vector.shape_cast %get3A_1541 : vector<16xf32> to vector<16xf32>
      %add3A_1543 = arith.constant 64 : i32
      %add3A_1544 = arith.addi %mul3A_1522, %add3A_1543 : i32
      %get3A_1545 = arith.index_cast %add3A_1544 : i32 to index
      %get3A_1546 = tpu.vector_load %arg5[%get3A_1545] {strides = array<i32>} : memref<32768xf32, #tpu.memory_space<vmem>>, vector<16xf32>,
      %get3A_1547 = vector.shape_cast %get3A_1546 : vector<16xf32> to vector<16xf32>
      %max3A = arith.maximumf %get3A_1527, %get3A_1547 : vector<16xf32>
      %add3A_1548 = arith.constant 80 : i32
      %add3A_1549 = arith.addi %mul3A_1522, %add3A_1548 : i32
      %get3A_1550 = arith.index_cast %add3A_1549 : i32 to index
      %get3A_1551 = tpu.vector_load %arg5[%get3A_1550] {strides = array<i32>} : memref<32768xf32, #tpu.memory_space<vmem>>, vector<16xf32>,
      %get3A_1552 = vector.shape_cast %get3A_1551 : vector<16xf32> to vector<16xf32>
      %max3A_1553 = arith.maximumf %get3A_1532, %get3A_1552 : vector<16xf32>
      %add3A_1554 = arith.constant 96 : i32
      %add3A_1555 = arith.addi %mul3A_1522, %add3A_1554 : i32
      %get3A_1556 = arith.index_cast %add3A_1555 : i32 to index
      %get3A_1557 = tpu.vector_load %arg5[%get3A_1556] {strides = array<i32>} : memref<32768xf32, #tpu.memory_space<vmem>>, vector<16xf32>,
      %get3A_1558 = vector.shape_cast %get3A_1557 : vector<16xf32> to vector<16xf32>
      %max3A_1559 = arith.maximumf %get3A_1537, %get3A_1558 : vector<16xf32>
      %add3A_1560 = arith.constant 112 : i32
      %add3A_1561 = arith.addi %mul3A_1522, %add3A_1560 : i32
      %get3A_1562 = arith.index_cast %add3A_1561 : i32 to index
      %get3A_1563 = tpu.vector_load %arg5[%get3A_1562] {strides = array<i32>} : memref<32768xf32, #tpu.memory_space<vmem>>, vector<16xf32>,
      %get3A_1564 = vector.shape_cast %get3A_1563 : vector<16xf32> to vector<16xf32>
      %max3A_1565 = arith.maximumf %get3A_1542, %get3A_1564 : vector<16xf32>
      %add3A_1566 = arith.constant 128 : i32
      %add3A_1567 = arith.addi %mul3A_1522, %add3A_1566 : i32
      %get3A_1568 = arith.index_cast %add3A_1567 : i32 to index
      %get3A_1569 = tpu.vector_load %arg5[%get3A_1568] {strides = array<i32>} : memref<32768xf32, #tpu.memory_space<vmem>>, vector<16xf32>,
      %get3A_1570 = vector.shape_cast %get3A_1569 : vector<16xf32> to vector<16xf32>
      %max3A_1571 = arith.maximumf %max3A, %get3A_1570 : vector<16xf32>
      %add3A_1572 = arith.constant 144 : i32
      %add3A_1573 = arith.addi %mul3A_1522, %add3A_1572 : i32
      %get3A_1574 = arith.index_cast %add3A_1573 : i32 to index
      %get3A_1575 = tpu.vector_load %arg5[%get3A_1574] {strides = array<i32>} : memref<32768xf32, #tpu.memory_space<vmem>>, vector<16xf32>,
      %get3A_1576 = vector.shape_cast %get3A_1575 : vector<16xf32> to vector<16xf32>
      %max3A_1577 = arith.maximumf %max3A_1553, %get3A_1576 : vector<16xf32>
      %add3A_1578 = arith.constant 160 : i32
      %add3A_1579 = arith.addi %mul3A_1522, %add3A_1578 : i32
      %get3A_1580 = arith.index_cast %add3A_1579 : i32 to index
      %get3A_1581 = tpu.vector_load %arg5[%get3A_1580] {strides = array<i32>} : memref<32768xf32, #tpu.memory_space<vmem>>, vector<16xf32>,
      %get3A_1582 = vector.shape_cast %get3A_1581 : vector<16xf32> to vector<16xf32>
      %max3A_1583 = arith.maximumf %max3A_1559, %get3A_1582 : vector<16xf32>
      %add3A_1584 = arith.constant 176 : i32
      %add3A_1585 = arith.addi %mul3A_1522, %add3A_1584 : i32
      %get3A_1586 = arith.index_cast %add3A_1585 : i32 to index
      %get3A_1587 = tpu.vector_load %arg5[%get3A_1586] {strides = array<i32>} : memref<32768xf32, #tpu.memory_space<vmem>>, vector<16xf32>,
      %get3A_1588 = vector.shape_cast %get3A_1587 : vector<16xf32> to vector<16xf32>
      %max3A_1589 = arith.maximumf %max3A_1565, %get3A_1588 : vector<16xf32>
      %add3A_1590 = arith.constant 192 : i32
      %add3A_1591 = arith.addi %mul3A_1522, %add3A_1590 : i32
      %get3A_1592 = arith.index_cast %add3A_1591 : i32 to index
      %get3A_1593 = tpu.vector_load %arg5[%get3A_1592] {strides = array<i32>} : memref<32768xf32, #tpu.memory_space<vmem>>, vector<16xf32>,
      %get3A_1594 = vector.shape_cast %get3A_1593 : vector<16xf32> to vector<16xf32>
      %max3A_1595 = arith.maximumf %max3A_1571, %get3A_1594 : vector<16xf32>
      %add3A_1596 = arith.constant 208 : i32
      %add3A_1597 = arith.addi %mul3A_1522, %add3A_1596 : i32
      %get3A_1598 = arith.index_cast %add3A_1597 : i32 to index
      %get3A_1599 = tpu.vector_load %arg5[%get3A_1598] {strides = array<i32>} : memref<32768xf32, #tpu.memory_space<vmem>>, vector<16xf32>,
      %get3A_1600 = vector.shape_cast %get3A_1599 : vector<16xf32> to vector<16xf32>
      %max3A_1601 = arith.maximumf %max3A_1577, %get3A_1600 : vector<16xf32>
      %add3A_1602 = arith.constant 224 : i32
      %add3A_1603 = arith.addi %mul3A_1522, %add3A_1602 : i32
      %get3A_1604 = arith.index_cast %add3A_1603 : i32 to index
      %get3A_1605 = tpu.vector_load %arg5[%get3A_1604] {strides = array<i32>} : memref<32768xf32, #tpu.memory_space<vmem>>, vector<16xf32>,
      %get3A_1606 = vector.shape_cast %get3A_1605 : vector<16xf32> to vector<16xf32>
      %max3A_1607 = arith.maximumf %max3A_1583, %get3A_1606 : vector<16xf32>
      %add3A_1608 = arith.constant 240 : i32
      %add3A_1609 = arith.addi %mul3A_1522, %add3A_1608 : i32
      %get3A_1610 = arith.index_cast %add3A_1609 : i32 to index
      %get3A_1611 = tpu.vector_load %arg5[%get3A_1610] {strides = array<i32>} : memref<32768xf32, #tpu.memory_space<vmem>>, vector<16xf32>,
      %get3A_1612 = vector.shape_cast %get3A_1611 : vector<16xf32> to vector<16xf32>
      %max3A_1613 = arith.maximumf %max3A_1589, %get3A_1612 : vector<16xf32>
      %max3A_1614 = arith.maximumf %max3A_1595, %max3A_1601 : vector<16xf32>
      %max3A_1615 = arith.maximumf %max3A_1607, %max3A_1613 : vector<16xf32>
      %max3A_1616 = arith.maximumf %max3A_1614, %max3A_1615 : vector<16xf32>
      %gt3A_1617 = arith.cmpf ogt, %max3A_1616, %scan3A_1519 : vector<16xf32>
      %select_n3A_1618 = arith.select %gt3A_1617, %max3A_1616, %scan3A_1519 : vector<16xi1>, vector<16xf32>
      %broadcast_in_dim3A_1619 = vector.broadcast %scan3A_1518 : i32 to vector<16xi32>
      %select_n3A_1620 = arith.select %gt3A_1617, %broadcast_in_dim3A_1619, %scan3A_1520 : vector<16xi1>, vector<16xi32>
      %scan3A_1621 = arith.constant 1 : i32
      %scan3A_1622 = arith.addi %scan3A_1518, %scan3A_1621 : i32
      %mul3A_1623 = arith.constant 256 : i32
      %mul3A_1624 = arith.muli %scan3A_1622, %mul3A_1623 : i32
      %add3A_1625 = arith.constant 0 : i32
      %add3A_1626 = arith.addi %mul3A_1624, %add3A_1625 : i32
      %get3A_1627 = arith.index_cast %add3A_1626 : i32 to index
      %get3A_1628 = tpu.vector_load %arg5[%get3A_1627] {strides = array<i32>} : memref<32768xf32, #tpu.memory_space<vmem>>, vector<16xf32>,
      %get3A_1629 = vector.shape_cast %get3A_1628 : vector<16xf32> to vector<16xf32>
      %add3A_1630 = arith.constant 16 : i32
      %add3A_1631 = arith.addi %mul3A_1624, %add3A_1630 : i32
      %get3A_1632 = arith.index_cast %add3A_1631 : i32 to index
      %get3A_1633 = tpu.vector_load %arg5[%get3A_1632] {strides = array<i32>} : memref<32768xf32, #tpu.memory_space<vmem>>, vector<16xf32>,
      %get3A_1634 = vector.shape_cast %get3A_1633 : vector<16xf32> to vector<16xf32>
      %add3A_1635 = arith.constant 32 : i32
      %add3A_1636 = arith.addi %mul3A_1624, %add3A_1635 : i32
      %get3A_1637 = arith.index_cast %add3A_1636 : i32 to index
      %get3A_1638 = tpu.vector_load %arg5[%get3A_1637] {strides = array<i32>} : memref<32768xf32, #tpu.memory_space<vmem>>, vector<16xf32>,
      %get3A_1639 = vector.shape_cast %get3A_1638 : vector<16xf32> to vector<16xf32>
      %add3A_1640 = arith.constant 48 : i32
      %add3A_1641 = arith.addi %mul3A_1624, %add3A_1640 : i32
      %get3A_1642 = arith.index_cast %add3A_1641 : i32 to index
      %get3A_1643 = tpu.vector_load %arg5[%get3A_1642] {strides = array<i32>} : memref<32768xf32, #tpu.memory_space<vmem>>, vector<16xf32>,
      %get3A_1644 = vector.shape_cast %get3A_1643 : vector<16xf32> to vector<16xf32>
      %add3A_1645 = arith.constant 64 : i32
      %add3A_1646 = arith.addi %mul3A_1624, %add3A_1645 : i32
      %get3A_1647 = arith.index_cast %add3A_1646 : i32 to index
      %get3A_1648 = tpu.vector_load %arg5[%get3A_1647] {strides = array<i32>} : memref<32768xf32, #tpu.memory_space<vmem>>, vector<16xf32>,
      %get3A_1649 = vector.shape_cast %get3A_1648 : vector<16xf32> to vector<16xf32>
      %max3A_1650 = arith.maximumf %get3A_1629, %get3A_1649 : vector<16xf32>
      %add3A_1651 = arith.constant 80 : i32
      %add3A_1652 = arith.addi %mul3A_1624, %add3A_1651 : i32
      %get3A_1653 = arith.index_cast %add3A_1652 : i32 to index
      %get3A_1654 = tpu.vector_load %arg5[%get3A_1653] {strides = array<i32>} : memref<32768xf32, #tpu.memory_space<vmem>>, vector<16xf32>,
      %get3A_1655 = vector.shape_cast %get3A_1654 : vector<16xf32> to vector<16xf32>
      %max3A_1656 = arith.maximumf %get3A_1634, %get3A_1655 : vector<16xf32>
      %add3A_1657 = arith.constant 96 : i32
      %add3A_1658 = arith.addi %mul3A_1624, %add3A_1657 : i32
      %get3A_1659 = arith.index_cast %add3A_1658 : i32 to index
      %get3A_1660 = tpu.vector_load %arg5[%get3A_1659] {strides = array<i32>} : memref<32768xf32, #tpu.memory_space<vmem>>, vector<16xf32>,
      %get3A_1661 = vector.shape_cast %get3A_1660 : vector<16xf32> to vector<16xf32>
      %max3A_1662 = arith.maximumf %get3A_1639, %get3A_1661 : vector<16xf32>
      %add3A_1663 = arith.constant 112 : i32
      %add3A_1664 = arith.addi %mul3A_1624, %add3A_1663 : i32
      %get3A_1665 = arith.index_cast %add3A_1664 : i32 to index
      %get3A_1666 = tpu.vector_load %arg5[%get3A_1665] {strides = array<i32>} : memref<32768xf32, #tpu.memory_space<vmem>>, vector<16xf32>,
      %get3A_1667 = vector.shape_cast %get3A_1666 : vector<16xf32> to vector<16xf32>
      %max3A_1668 = arith.maximumf %get3A_1644, %get3A_1667 : vector<16xf32>
      %add3A_1669 = arith.constant 128 : i32
      %add3A_1670 = arith.addi %mul3A_1624, %add3A_1669 : i32
      %get3A_1671 = arith.index_cast %add3A_1670 : i32 to index
      %get3A_1672 = tpu.vector_load %arg5[%get3A_1671] {strides = array<i32>} : memref<32768xf32, #tpu.memory_space<vmem>>, vector<16xf32>,
      %get3A_1673 = vector.shape_cast %get3A_1672 : vector<16xf32> to vector<16xf32>
      %max3A_1674 = arith.maximumf %max3A_1650, %get3A_1673 : vector<16xf32>
      %add3A_1675 = arith.constant 144 : i32
      %add3A_1676 = arith.addi %mul3A_1624, %add3A_1675 : i32
      %get3A_1677 = arith.index_cast %add3A_1676 : i32 to index
      %get3A_1678 = tpu.vector_load %arg5[%get3A_1677] {strides = array<i32>} : memref<32768xf32, #tpu.memory_space<vmem>>, vector<16xf32>,
      %get3A_1679 = vector.shape_cast %get3A_1678 : vector<16xf32> to vector<16xf32>
      %max3A_1680 = arith.maximumf %max3A_1656, %get3A_1679 : vector<16xf32>
      %add3A_1681 = arith.constant 160 : i32
      %add3A_1682 = arith.addi %mul3A_1624, %add3A_1681 : i32
      %get3A_1683 = arith.index_cast %add3A_1682 : i32 to index
      %get3A_1684 = tpu.vector_load %arg5[%get3A_1683] {strides = array<i32>} : memref<32768xf32, #tpu.memory_space<vmem>>, vector<16xf32>,
      %get3A_1685 = vector.shape_cast %get3A_1684 : vector<16xf32> to vector<16xf32>
      %max3A_1686 = arith.maximumf %max3A_1662, %get3A_1685 : vector<16xf32>
      %add3A_1687 = arith.constant 176 : i32
      %add3A_1688 = arith.addi %mul3A_1624, %add3A_1687 : i32
      %get3A_1689 = arith.index_cast %add3A_1688 : i32 to index
      %get3A_1690 = tpu.vector_load %arg5[%get3A_1689] {strides = array<i32>} : memref<32768xf32, #tpu.memory_space<vmem>>, vector<16xf32>,
      %get3A_1691 = vector.shape_cast %get3A_1690 : vector<16xf32> to vector<16xf32>
      %max3A_1692 = arith.maximumf %max3A_1668, %get3A_1691 : vector<16xf32>
      %add3A_1693 = arith.constant 192 : i32
      %add3A_1694 = arith.addi %mul3A_1624, %add3A_1693 : i32
      %get3A_1695 = arith.index_cast %add3A_1694 : i32 to index
      %get3A_1696 = tpu.vector_load %arg5[%get3A_1695] {strides = array<i32>} : memref<32768xf32, #tpu.memory_space<vmem>>, vector<16xf32>,
      %get3A_1697 = vector.shape_cast %get3A_1696 : vector<16xf32> to vector<16xf32>
      %max3A_1698 = arith.maximumf %max3A_1674, %get3A_1697 : vector<16xf32>
      %add3A_1699 = arith.constant 208 : i32
      %add3A_1700 = arith.addi %mul3A_1624, %add3A_1699 : i32
      %get3A_1701 = arith.index_cast %add3A_1700 : i32 to index
      %get3A_1702 = tpu.vector_load %arg5[%get3A_1701] {strides = array<i32>} : memref<32768xf32, #tpu.memory_space<vmem>>, vector<16xf32>,
      %get3A_1703 = vector.shape_cast %get3A_1702 : vector<16xf32> to vector<16xf32>
      %max3A_1704 = arith.maximumf %max3A_1680, %get3A_1703 : vector<16xf32>
      %add3A_1705 = arith.constant 224 : i32
      %add3A_1706 = arith.addi %mul3A_1624, %add3A_1705 : i32
      %get3A_1707 = arith.index_cast %add3A_1706 : i32 to index
      %get3A_1708 = tpu.vector_load %arg5[%get3A_1707] {strides = array<i32>} : memref<32768xf32, #tpu.memory_space<vmem>>, vector<16xf32>,
      %get3A_1709 = vector.shape_cast %get3A_1708 : vector<16xf32> to vector<16xf32>
      %max3A_1710 = arith.maximumf %max3A_1686, %get3A_1709 : vector<16xf32>
      %add3A_1711 = arith.constant 240 : i32
      %add3A_1712 = arith.addi %mul3A_1624, %add3A_1711 : i32
      %get3A_1713 = arith.index_cast %add3A_1712 : i32 to index
      %get3A_1714 = tpu.vector_load %arg5[%get3A_1713] {strides = array<i32>} : memref<32768xf32, #tpu.memory_space<vmem>>, vector<16xf32>,
      %get3A_1715 = vector.shape_cast %get3A_1714 : vector<16xf32> to vector<16xf32>
      %max3A_1716 = arith.maximumf %max3A_1692, %get3A_1715 : vector<16xf32>
      %max3A_1717 = arith.maximumf %max3A_1698, %max3A_1704 : vector<16xf32>
      %max3A_1718 = arith.maximumf %max3A_1710, %max3A_1716 : vector<16xf32>
      %max3A_1719 = arith.maximumf %max3A_1717, %max3A_1718 : vector<16xf32>
      %gt3A_1720 = arith.cmpf ogt, %max3A_1719, %select_n3A_1618 : vector<16xf32>
      %select_n3A_1721 = arith.select %gt3A_1720, %max3A_1719, %select_n3A_1618 : vector<16xi1>, vector<16xf32>
      %broadcast_in_dim3A_1722 = vector.broadcast %scan3A_1622 : i32 to vector<16xi32>
      %select_n3A_1723 = arith.select %gt3A_1720, %broadcast_in_dim3A_1722, %select_n3A_1620 : vector<16xi1>, vector<16xi32>
      scf.yield %select_n3A_1721, %select_n3A_1723 : vector<16xf32>, vector<16xi32>
    }
    %scan3A_1087 = arith.constant 128 : i32
    %xor3A_1088 = arith.constant 8 : i32
    %xor3A_1089 = vector.broadcast %xor3A_1088 : i32 to vector<16xi32>
    %xor3A_1090 = arith.xori %iota3A, %xor3A_1089 : vector<16xi32>
    %broadcast_in_dim3A_1091 = vector.shape_cast %xor3A_1090 : vector<16xi32> to vector<16x1xi32>
    %gather3A_1092 = vector.shape_cast %broadcast_in_dim3A_1091 : vector<16x1xi32> to vector<16xi32>
    %gather3A_1093 = tpu.dynamic_gather %scan3A_1086#0[%gather3A_1092] in [0] : vector<16xf32>, vector<16xi32> -> vector<16xf32>
    %broadcast_in_dim3A_1094 = vector.shape_cast %xor3A_1090 : vector<16xi32> to vector<16x1xi32>
    %gather3A_1095 = vector.shape_cast %broadcast_in_dim3A_1094 : vector<16x1xi32> to vector<16xi32>
    %gather3A_1096 = tpu.dynamic_gather %scan3A_1086#1[%gather3A_1095] in [0] : vector<16xi32>, vector<16xi32> -> vector<16xi32>
    %gt3A_1097 = arith.cmpf ogt, %gather3A_1093, %scan3A_1086#0 : vector<16xf32>
    %eq3A_1098 = arith.cmpf oeq, %gather3A_1093, %scan3A_1086#0 : vector<16xf32>
    %lt3A_1099 = arith.cmpi slt, %gather3A_1096, %scan3A_1086#1 : vector<16xi32>
    %and3A_1100 = arith.andi %eq3A_1098, %lt3A_1099 : vector<16xi1>
    %or3A_1101 = arith.ori %gt3A_1097, %and3A_1100 : vector<16xi1>
    %select_n3A_1102 = arith.select %or3A_1101, %gather3A_1093, %scan3A_1086#0 : vector<16xi1>, vector<16xf32>
    %select_n3A_1103 = arith.select %or3A_1101, %gather3A_1096, %scan3A_1086#1 : vector<16xi1>, vector<16xi32>
    %xor3A_1104 = arith.constant 4 : i32
    %xor3A_1105 = vector.broadcast %xor3A_1104 : i32 to vector<16xi32>
    %xor3A_1106 = arith.xori %iota3A, %xor3A_1105 : vector<16xi32>
    %broadcast_in_dim3A_1107 = vector.shape_cast %xor3A_1106 : vector<16xi32> to vector<16x1xi32>
    %gather3A_1108 = vector.shape_cast %broadcast_in_dim3A_1107 : vector<16x1xi32> to vector<16xi32>
    %gather3A_1109 = tpu.dynamic_gather %select_n3A_1102[%gather3A_1108] in [0] : vector<16xf32>, vector<16xi32> -> vector<16xf32>
    %broadcast_in_dim3A_1110 = vector.shape_cast %xor3A_1106 : vector<16xi32> to vector<16x1xi32>
    %gather3A_1111 = vector.shape_cast %broadcast_in_dim3A_1110 : vector<16x1xi32> to vector<16xi32>
    %gather3A_1112 = tpu.dynamic_gather %select_n3A_1103[%gather3A_1111] in [0] : vector<16xi32>, vector<16xi32> -> vector<16xi32>
    %gt3A_1113 = arith.cmpf ogt, %gather3A_1109, %select_n3A_1102 : vector<16xf32>
    %eq3A_1114 = arith.cmpf oeq, %gather3A_1109, %select_n3A_1102 : vector<16xf32>
    %lt3A_1115 = arith.cmpi slt, %gather3A_1112, %select_n3A_1103 : vector<16xi32>
    %and3A_1116 = arith.andi %eq3A_1114, %lt3A_1115 : vector<16xi1>
    %or3A_1117 = arith.ori %gt3A_1113, %and3A_1116 : vector<16xi1>
    %select_n3A_1118 = arith.select %or3A_1117, %gather3A_1109, %select_n3A_1102 : vector<16xi1>, vector<16xf32>
    %select_n3A_1119 = arith.select %or3A_1117, %gather3A_1112, %select_n3A_1103 : vector<16xi1>, vector<16xi32>
    %xor3A_1120 = arith.constant 2 : i32
    %xor3A_1121 = vector.broadcast %xor3A_1120 : i32 to vector<16xi32>
    %xor3A_1122 = arith.xori %iota3A, %xor3A_1121 : vector<16xi32>
    %broadcast_in_dim3A_1123 = vector.shape_cast %xor3A_1122 : vector<16xi32> to vector<16x1xi32>
    %gather3A_1124 = vector.shape_cast %broadcast_in_dim3A_1123 : vector<16x1xi32> to vector<16xi32>
    %gather3A_1125 = tpu.dynamic_gather %select_n3A_1118[%gather3A_1124] in [0] : vector<16xf32>, vector<16xi32> -> vector<16xf32>
    %broadcast_in_dim3A_1126 = vector.shape_cast %xor3A_1122 : vector<16xi32> to vector<16x1xi32>
    %gather3A_1127 = vector.shape_cast %broadcast_in_dim3A_1126 : vector<16x1xi32> to vector<16xi32>
    %gather3A_1128 = tpu.dynamic_gather %select_n3A_1119[%gather3A_1127] in [0] : vector<16xi32>, vector<16xi32> -> vector<16xi32>
    %gt3A_1129 = arith.cmpf ogt, %gather3A_1125, %select_n3A_1118 : vector<16xf32>
    %eq3A_1130 = arith.cmpf oeq, %gather3A_1125, %select_n3A_1118 : vector<16xf32>
    %lt3A_1131 = arith.cmpi slt, %gather3A_1128, %select_n3A_1119 : vector<16xi32>
    %and3A_1132 = arith.andi %eq3A_1130, %lt3A_1131 : vector<16xi1>
    %or3A_1133 = arith.ori %gt3A_1129, %and3A_1132 : vector<16xi1>
    %select_n3A_1134 = arith.select %or3A_1133, %gather3A_1125, %select_n3A_1118 : vector<16xi1>, vector<16xf32>
    %select_n3A_1135 = arith.select %or3A_1133, %gather3A_1128, %select_n3A_1119 : vector<16xi1>, vector<16xi32>
    %xor3A_1136 = arith.constant 1 : i32
    %xor3A_1137 = vector.broadcast %xor3A_1136 : i32 to vector<16xi32>
    %xor3A_1138 = arith.xori %iota3A, %xor3A_1137 : vector<16xi32>
    %broadcast_in_dim3A_1139 = vector.shape_cast %xor3A_1138 : vector<16xi32> to vector<16x1xi32>
    %gather3A_1140 = vector.shape_cast %broadcast_in_dim3A_1139 : vector<16x1xi32> to vector<16xi32>
    %gather3A_1141 = tpu.dynamic_gather %select_n3A_1134[%gather3A_1140] in [0] : vector<16xf32>, vector<16xi32> -> vector<16xf32>
    %broadcast_in_dim3A_1142 = vector.shape_cast %xor3A_1138 : vector<16xi32> to vector<16x1xi32>
    %gather3A_1143 = vector.shape_cast %broadcast_in_dim3A_1142 : vector<16x1xi32> to vector<16xi32>
    %gather3A_1144 = tpu.dynamic_gather %select_n3A_1135[%gather3A_1143] in [0] : vector<16xi32>, vector<16xi32> -> vector<16xi32>
    %gt3A_1145 = arith.cmpf ogt, %gather3A_1141, %select_n3A_1134 : vector<16xf32>
    %eq3A_1146 = arith.cmpf oeq, %gather3A_1141, %select_n3A_1134 : vector<16xf32>
    %lt3A_1147 = arith.cmpi slt, %gather3A_1144, %select_n3A_1135 : vector<16xi32>
    %and3A_1148 = arith.andi %eq3A_1146, %lt3A_1147 : vector<16xi1>
    %or3A_1149 = arith.ori %gt3A_1145, %and3A_1148 : vector<16xi1>
    %select_n3A_1150 = arith.select %or3A_1149, %gather3A_1141, %select_n3A_1134 : vector<16xi1>, vector<16xf32>
    %select_n3A_1151 = arith.select %or3A_1149, %gather3A_1144, %select_n3A_1135 : vector<16xi1>, vector<16xi32>
    %slice3A_1152 = vector.extract_strided_slice %select_n3A_1151 {offsets = [0], sizes = [1], strides = [1]} : vector<16xi32> to vector<1xi32>
    %squeeze3A_1153 = vector.extract %slice3A_1152[0] : i32 from vector<1xi32>
    %mul3A_1154 = arith.constant 256 : i32
    %mul3A_1155 = arith.muli %squeeze3A_1153, %mul3A_1154 : i32
    %broadcast_in_dim3A_1156 = arith.constant 1073741824 : i32
    %broadcast_in_dim3A_1157 = vector.broadcast %broadcast_in_dim3A_1156 : i32 to vector<16xi32>
    %add3A_1158 = arith.constant 0 : i32
    %add3A_1159 = arith.addi %mul3A_1155, %add3A_1158 : i32
    %get3A_1160 = arith.index_cast %add3A_1159 : i32 to index
    %get3A_1161 = tpu.vector_load %arg5[%get3A_1160] {strides = array<i32>} : memref<32768xf32, #tpu.memory_space<vmem>>, vector<16xf32>,
    %get3A_1162 = vector.shape_cast %get3A_1161 : vector<16xf32> to vector<16xf32>
    %add3A_1163 = arith.constant 0 : i32
    %add3A_1164 = arith.addi %mul3A_1155, %add3A_1163 : i32
    %add3A_1165 = vector.broadcast %add3A_1164 : i32 to vector<16xi32>
    %add3A_1166 = arith.addi %iota3A, %add3A_1165 : vector<16xi32>
    %eq3A_1167 = arith.cmpf oeq, %get3A_1162, %select_n3A_1150 : vector<16xf32>
    %select_n3A_1168 = arith.select %eq3A_1167, %add3A_1166, %broadcast_in_dim3A_1157 : vector<16xi1>, vector<16xi32>
    %min3A_1169 = arith.minsi %broadcast_in_dim3A_1157, %select_n3A_1168 : vector<16xi32>
    %add3A_1170 = arith.constant 16 : i32
    %add3A_1171 = arith.addi %mul3A_1155, %add3A_1170 : i32
    %get3A_1172 = arith.index_cast %add3A_1171 : i32 to index
    %get3A_1173 = tpu.vector_load %arg5[%get3A_1172] {strides = array<i32>} : memref<32768xf32, #tpu.memory_space<vmem>>, vector<16xf32>,
    %get3A_1174 = vector.shape_cast %get3A_1173 : vector<16xf32> to vector<16xf32>
    %add3A_1175 = arith.constant 16 : i32
    %add3A_1176 = arith.addi %mul3A_1155, %add3A_1175 : i32
    %add3A_1177 = vector.broadcast %add3A_1176 : i32 to vector<16xi32>
    %add3A_1178 = arith.addi %iota3A, %add3A_1177 : vector<16xi32>
    %eq3A_1179 = arith.cmpf oeq, %get3A_1174, %select_n3A_1150 : vector<16xf32>
    %select_n3A_1180 = arith.select %eq3A_1179, %add3A_1178, %broadcast_in_dim3A_1157 : vector<16xi1>, vector<16xi32>
    %min3A_1181 = arith.minsi %min3A_1169, %select_n3A_1180 : vector<16xi32>
    %add3A_1182 = arith.constant 32 : i32
    %add3A_1183 = arith.addi %mul3A_1155, %add3A_1182 : i32
    %get3A_1184 = arith.index_cast %add3A_1183 : i32 to index
    %get3A_1185 = tpu.vector_load %arg5[%get3A_1184] {strides = array<i32>} : memref<32768xf32, #tpu.memory_space<vmem>>, vector<16xf32>,
    %get3A_1186 = vector.shape_cast %get3A_1185 : vector<16xf32> to vector<16xf32>
    %add3A_1187 = arith.constant 32 : i32
    %add3A_1188 = arith.addi %mul3A_1155, %add3A_1187 : i32
    %add3A_1189 = vector.broadcast %add3A_1188 : i32 to vector<16xi32>
    %add3A_1190 = arith.addi %iota3A, %add3A_1189 : vector<16xi32>
    %eq3A_1191 = arith.cmpf oeq, %get3A_1186, %select_n3A_1150 : vector<16xf32>
    %select_n3A_1192 = arith.select %eq3A_1191, %add3A_1190, %broadcast_in_dim3A_1157 : vector<16xi1>, vector<16xi32>
    %min3A_1193 = arith.minsi %min3A_1181, %select_n3A_1192 : vector<16xi32>
    %add3A_1194 = arith.constant 48 : i32
    %add3A_1195 = arith.addi %mul3A_1155, %add3A_1194 : i32
    %get3A_1196 = arith.index_cast %add3A_1195 : i32 to index
    %get3A_1197 = tpu.vector_load %arg5[%get3A_1196] {strides = array<i32>} : memref<32768xf32, #tpu.memory_space<vmem>>, vector<16xf32>,
    %get3A_1198 = vector.shape_cast %get3A_1197 : vector<16xf32> to vector<16xf32>
    %add3A_1199 = arith.constant 48 : i32
    %add3A_1200 = arith.addi %mul3A_1155, %add3A_1199 : i32
    %add3A_1201 = vector.broadcast %add3A_1200 : i32 to vector<16xi32>
    %add3A_1202 = arith.addi %iota3A, %add3A_1201 : vector<16xi32>
    %eq3A_1203 = arith.cmpf oeq, %get3A_1198, %select_n3A_1150 : vector<16xf32>
    %select_n3A_1204 = arith.select %eq3A_1203, %add3A_1202, %broadcast_in_dim3A_1157 : vector<16xi1>, vector<16xi32>
    %min3A_1205 = arith.minsi %min3A_1193, %select_n3A_1204 : vector<16xi32>
    %add3A_1206 = arith.constant 64 : i32
    %add3A_1207 = arith.addi %mul3A_1155, %add3A_1206 : i32
    %get3A_1208 = arith.index_cast %add3A_1207 : i32 to index
    %get3A_1209 = tpu.vector_load %arg5[%get3A_1208] {strides = array<i32>} : memref<32768xf32, #tpu.memory_space<vmem>>, vector<16xf32>,
    %get3A_1210 = vector.shape_cast %get3A_1209 : vector<16xf32> to vector<16xf32>
    %add3A_1211 = arith.constant 64 : i32
    %add3A_1212 = arith.addi %mul3A_1155, %add3A_1211 : i32
    %add3A_1213 = vector.broadcast %add3A_1212 : i32 to vector<16xi32>
    %add3A_1214 = arith.addi %iota3A, %add3A_1213 : vector<16xi32>
    %eq3A_1215 = arith.cmpf oeq, %get3A_1210, %select_n3A_1150 : vector<16xf32>
    %select_n3A_1216 = arith.select %eq3A_1215, %add3A_1214, %broadcast_in_dim3A_1157 : vector<16xi1>, vector<16xi32>
    %min3A_1217 = arith.minsi %min3A_1205, %select_n3A_1216 : vector<16xi32>
    %add3A_1218 = arith.constant 80 : i32
    %add3A_1219 = arith.addi %mul3A_1155, %add3A_1218 : i32
    %get3A_1220 = arith.index_cast %add3A_1219 : i32 to index
    %get3A_1221 = tpu.vector_load %arg5[%get3A_1220] {strides = array<i32>} : memref<32768xf32, #tpu.memory_space<vmem>>, vector<16xf32>,
    %get3A_1222 = vector.shape_cast %get3A_1221 : vector<16xf32> to vector<16xf32>
    %add3A_1223 = arith.constant 80 : i32
    %add3A_1224 = arith.addi %mul3A_1155, %add3A_1223 : i32
    %add3A_1225 = vector.broadcast %add3A_1224 : i32 to vector<16xi32>
    %add3A_1226 = arith.addi %iota3A, %add3A_1225 : vector<16xi32>
    %eq3A_1227 = arith.cmpf oeq, %get3A_1222, %select_n3A_1150 : vector<16xf32>
    %select_n3A_1228 = arith.select %eq3A_1227, %add3A_1226, %broadcast_in_dim3A_1157 : vector<16xi1>, vector<16xi32>
    %min3A_1229 = arith.minsi %min3A_1217, %select_n3A_1228 : vector<16xi32>
    %add3A_1230 = arith.constant 96 : i32
    %add3A_1231 = arith.addi %mul3A_1155, %add3A_1230 : i32
    %get3A_1232 = arith.index_cast %add3A_1231 : i32 to index
    %get3A_1233 = tpu.vector_load %arg5[%get3A_1232] {strides = array<i32>} : memref<32768xf32, #tpu.memory_space<vmem>>, vector<16xf32>,
    %get3A_1234 = vector.shape_cast %get3A_1233 : vector<16xf32> to vector<16xf32>
    %add3A_1235 = arith.constant 96 : i32
    %add3A_1236 = arith.addi %mul3A_1155, %add3A_1235 : i32
    %add3A_1237 = vector.broadcast %add3A_1236 : i32 to vector<16xi32>
    %add3A_1238 = arith.addi %iota3A, %add3A_1237 : vector<16xi32>
    %eq3A_1239 = arith.cmpf oeq, %get3A_1234, %select_n3A_1150 : vector<16xf32>
    %select_n3A_1240 = arith.select %eq3A_1239, %add3A_1238, %broadcast_in_dim3A_1157 : vector<16xi1>, vector<16xi32>
    %min3A_1241 = arith.minsi %min3A_1229, %select_n3A_1240 : vector<16xi32>
    %add3A_1242 = arith.constant 112 : i32
    %add3A_1243 = arith.addi %mul3A_1155, %add3A_1242 : i32
    %get3A_1244 = arith.index_cast %add3A_1243 : i32 to index
    %get3A_1245 = tpu.vector_load %arg5[%get3A_1244] {strides = array<i32>} : memref<32768xf32, #tpu.memory_space<vmem>>, vector<16xf32>,
    %get3A_1246 = vector.shape_cast %get3A_1245 : vector<16xf32> to vector<16xf32>
    %add3A_1247 = arith.constant 112 : i32
    %add3A_1248 = arith.addi %mul3A_1155, %add3A_1247 : i32
    %add3A_1249 = vector.broadcast %add3A_1248 : i32 to vector<16xi32>
    %add3A_1250 = arith.addi %iota3A, %add3A_1249 : vector<16xi32>
    %eq3A_1251 = arith.cmpf oeq, %get3A_1246, %select_n3A_1150 : vector<16xf32>
    %select_n3A_1252 = arith.select %eq3A_1251, %add3A_1250, %broadcast_in_dim3A_1157 : vector<16xi1>, vector<16xi32>
    %min3A_1253 = arith.minsi %min3A_1241, %select_n3A_1252 : vector<16xi32>
    %add3A_1254 = arith.constant 128 : i32
    %add3A_1255 = arith.addi %mul3A_1155, %add3A_1254 : i32
    %get3A_1256 = arith.index_cast %add3A_1255 : i32 to index
    %get3A_1257 = tpu.vector_load %arg5[%get3A_1256] {strides = array<i32>} : memref<32768xf32, #tpu.memory_space<vmem>>, vector<16xf32>,
    %get3A_1258 = vector.shape_cast %get3A_1257 : vector<16xf32> to vector<16xf32>
    %add3A_1259 = arith.constant 128 : i32
    %add3A_1260 = arith.addi %mul3A_1155, %add3A_1259 : i32
    %add3A_1261 = vector.broadcast %add3A_1260 : i32 to vector<16xi32>
    %add3A_1262 = arith.addi %iota3A, %add3A_1261 : vector<16xi32>
    %eq3A_1263 = arith.cmpf oeq, %get3A_1258, %select_n3A_1150 : vector<16xf32>
    %select_n3A_1264 = arith.select %eq3A_1263, %add3A_1262, %broadcast_in_dim3A_1157 : vector<16xi1>, vector<16xi32>
    %min3A_1265 = arith.minsi %min3A_1253, %select_n3A_1264 : vector<16xi32>
    %add3A_1266 = arith.constant 144 : i32
    %add3A_1267 = arith.addi %mul3A_1155, %add3A_1266 : i32
    %get3A_1268 = arith.index_cast %add3A_1267 : i32 to index
    %get3A_1269 = tpu.vector_load %arg5[%get3A_1268] {strides = array<i32>} : memref<32768xf32, #tpu.memory_space<vmem>>, vector<16xf32>,
    %get3A_1270 = vector.shape_cast %get3A_1269 : vector<16xf32> to vector<16xf32>
    %add3A_1271 = arith.constant 144 : i32
    %add3A_1272 = arith.addi %mul3A_1155, %add3A_1271 : i32
    %add3A_1273 = vector.broadcast %add3A_1272 : i32 to vector<16xi32>
    %add3A_1274 = arith.addi %iota3A, %add3A_1273 : vector<16xi32>
    %eq3A_1275 = arith.cmpf oeq, %get3A_1270, %select_n3A_1150 : vector<16xf32>
    %select_n3A_1276 = arith.select %eq3A_1275, %add3A_1274, %broadcast_in_dim3A_1157 : vector<16xi1>, vector<16xi32>
    %min3A_1277 = arith.minsi %min3A_1265, %select_n3A_1276 : vector<16xi32>
    %add3A_1278 = arith.constant 160 : i32
    %add3A_1279 = arith.addi %mul3A_1155, %add3A_1278 : i32
    %get3A_1280 = arith.index_cast %add3A_1279 : i32 to index
    %get3A_1281 = tpu.vector_load %arg5[%get3A_1280] {strides = array<i32>} : memref<32768xf32, #tpu.memory_space<vmem>>, vector<16xf32>,
    %get3A_1282 = vector.shape_cast %get3A_1281 : vector<16xf32> to vector<16xf32>
    %add3A_1283 = arith.constant 160 : i32
    %add3A_1284 = arith.addi %mul3A_1155, %add3A_1283 : i32
    %add3A_1285 = vector.broadcast %add3A_1284 : i32 to vector<16xi32>
    %add3A_1286 = arith.addi %iota3A, %add3A_1285 : vector<16xi32>
    %eq3A_1287 = arith.cmpf oeq, %get3A_1282, %select_n3A_1150 : vector<16xf32>
    %select_n3A_1288 = arith.select %eq3A_1287, %add3A_1286, %broadcast_in_dim3A_1157 : vector<16xi1>, vector<16xi32>
    %min3A_1289 = arith.minsi %min3A_1277, %select_n3A_1288 : vector<16xi32>
    %add3A_1290 = arith.constant 176 : i32
    %add3A_1291 = arith.addi %mul3A_1155, %add3A_1290 : i32
    %get3A_1292 = arith.index_cast %add3A_1291 : i32 to index
    %get3A_1293 = tpu.vector_load %arg5[%get3A_1292] {strides = array<i32>} : memref<32768xf32, #tpu.memory_space<vmem>>, vector<16xf32>,
    %get3A_1294 = vector.shape_cast %get3A_1293 : vector<16xf32> to vector<16xf32>
    %add3A_1295 = arith.constant 176 : i32
    %add3A_1296 = arith.addi %mul3A_1155, %add3A_1295 : i32
    %add3A_1297 = vector.broadcast %add3A_1296 : i32 to vector<16xi32>
    %add3A_1298 = arith.addi %iota3A, %add3A_1297 : vector<16xi32>
    %eq3A_1299 = arith.cmpf oeq, %get3A_1294, %select_n3A_1150 : vector<16xf32>
    %select_n3A_1300 = arith.select %eq3A_1299, %add3A_1298, %broadcast_in_dim3A_1157 : vector<16xi1>, vector<16xi32>
    %min3A_1301 = arith.minsi %min3A_1289, %select_n3A_1300 : vector<16xi32>
    %add3A_1302 = arith.constant 192 : i32
    %add3A_1303 = arith.addi %mul3A_1155, %add3A_1302 : i32
    %get3A_1304 = arith.index_cast %add3A_1303 : i32 to index
    %get3A_1305 = tpu.vector_load %arg5[%get3A_1304] {strides = array<i32>} : memref<32768xf32, #tpu.memory_space<vmem>>, vector<16xf32>,
    %get3A_1306 = vector.shape_cast %get3A_1305 : vector<16xf32> to vector<16xf32>
    %add3A_1307 = arith.constant 192 : i32
    %add3A_1308 = arith.addi %mul3A_1155, %add3A_1307 : i32
    %add3A_1309 = vector.broadcast %add3A_1308 : i32 to vector<16xi32>
    %add3A_1310 = arith.addi %iota3A, %add3A_1309 : vector<16xi32>
    %eq3A_1311 = arith.cmpf oeq, %get3A_1306, %select_n3A_1150 : vector<16xf32>
    %select_n3A_1312 = arith.select %eq3A_1311, %add3A_1310, %broadcast_in_dim3A_1157 : vector<16xi1>, vector<16xi32>
    %min3A_1313 = arith.minsi %min3A_1301, %select_n3A_1312 : vector<16xi32>
    %add3A_1314 = arith.constant 208 : i32
    %add3A_1315 = arith.addi %mul3A_1155, %add3A_1314 : i32
    %get3A_1316 = arith.index_cast %add3A_1315 : i32 to index
    %get3A_1317 = tpu.vector_load %arg5[%get3A_1316] {strides = array<i32>} : memref<32768xf32, #tpu.memory_space<vmem>>, vector<16xf32>,
    %get3A_1318 = vector.shape_cast %get3A_1317 : vector<16xf32> to vector<16xf32>
    %add3A_1319 = arith.constant 208 : i32
    %add3A_1320 = arith.addi %mul3A_1155, %add3A_1319 : i32
    %add3A_1321 = vector.broadcast %add3A_1320 : i32 to vector<16xi32>
    %add3A_1322 = arith.addi %iota3A, %add3A_1321 : vector<16xi32>
    %eq3A_1323 = arith.cmpf oeq, %get3A_1318, %select_n3A_1150 : vector<16xf32>
    %select_n3A_1324 = arith.select %eq3A_1323, %add3A_1322, %broadcast_in_dim3A_1157 : vector<16xi1>, vector<16xi32>
    %min3A_1325 = arith.minsi %min3A_1313, %select_n3A_1324 : vector<16xi32>
    %add3A_1326 = arith.constant 224 : i32
    %add3A_1327 = arith.addi %mul3A_1155, %add3A_1326 : i32
    %get3A_1328 = arith.index_cast %add3A_1327 : i32 to index
    %get3A_1329 = tpu.vector_load %arg5[%get3A_1328] {strides = array<i32>} : memref<32768xf32, #tpu.memory_space<vmem>>, vector<16xf32>,
    %get3A_1330 = vector.shape_cast %get3A_1329 : vector<16xf32> to vector<16xf32>
    %add3A_1331 = arith.constant 224 : i32
    %add3A_1332 = arith.addi %mul3A_1155, %add3A_1331 : i32
    %add3A_1333 = vector.broadcast %add3A_1332 : i32 to vector<16xi32>
    %add3A_1334 = arith.addi %iota3A, %add3A_1333 : vector<16xi32>
    %eq3A_1335 = arith.cmpf oeq, %get3A_1330, %select_n3A_1150 : vector<16xf32>
    %select_n3A_1336 = arith.select %eq3A_1335, %add3A_1334, %broadcast_in_dim3A_1157 : vector<16xi1>, vector<16xi32>
    %min3A_1337 = arith.minsi %min3A_1325, %select_n3A_1336 : vector<16xi32>
    %add3A_1338 = arith.constant 240 : i32
    %add3A_1339 = arith.addi %mul3A_1155, %add3A_1338 : i32
    %get3A_1340 = arith.index_cast %add3A_1339 : i32 to index
    %get3A_1341 = tpu.vector_load %arg5[%get3A_1340] {strides = array<i32>} : memref<32768xf32, #tpu.memory_space<vmem>>, vector<16xf32>,
    %get3A_1342 = vector.shape_cast %get3A_1341 : vector<16xf32> to vector<16xf32>
    %add3A_1343 = arith.constant 240 : i32
    %add3A_1344 = arith.addi %mul3A_1155, %add3A_1343 : i32
    %add3A_1345 = vector.broadcast %add3A_1344 : i32 to vector<16xi32>
    %add3A_1346 = arith.addi %iota3A, %add3A_1345 : vector<16xi32>
    %eq3A_1347 = arith.cmpf oeq, %get3A_1342, %select_n3A_1150 : vector<16xf32>
    %select_n3A_1348 = arith.select %eq3A_1347, %add3A_1346, %broadcast_in_dim3A_1157 : vector<16xi1>, vector<16xi32>
    %min3A_1349 = arith.minsi %min3A_1337, %select_n3A_1348 : vector<16xi32>
    %xor3A_1350 = arith.constant 8 : i32
    %xor3A_1351 = vector.broadcast %xor3A_1350 : i32 to vector<16xi32>
    %xor3A_1352 = arith.xori %iota3A, %xor3A_1351 : vector<16xi32>
    %broadcast_in_dim3A_1353 = vector.shape_cast %xor3A_1352 : vector<16xi32> to vector<16x1xi32>
    %gather3A_1354 = vector.shape_cast %broadcast_in_dim3A_1353 : vector<16x1xi32> to vector<16xi32>
    %gather3A_1355 = tpu.dynamic_gather %min3A_1349[%gather3A_1354] in [0] : vector<16xi32>, vector<16xi32> -> vector<16xi32>
    %min3A_1356 = arith.minsi %min3A_1349, %gather3A_1355 : vector<16xi32>
    %xor3A_1357 = arith.constant 4 : i32
    %xor3A_1358 = vector.broadcast %xor3A_1357 : i32 to vector<16xi32>
    %xor3A_1359 = arith.xori %iota3A, %xor3A_1358 : vector<16xi32>
    %broadcast_in_dim3A_1360 = vector.shape_cast %xor3A_1359 : vector<16xi32> to vector<16x1xi32>
    %gather3A_1361 = vector.shape_cast %broadcast_in_dim3A_1360 : vector<16x1xi32> to vector<16xi32>
    %gather3A_1362 = tpu.dynamic_gather %min3A_1356[%gather3A_1361] in [0] : vector<16xi32>, vector<16xi32> -> vector<16xi32>
    %min3A_1363 = arith.minsi %min3A_1356, %gather3A_1362 : vector<16xi32>
    %xor3A_1364 = arith.constant 2 : i32
    %xor3A_1365 = vector.broadcast %xor3A_1364 : i32 to vector<16xi32>
    %xor3A_1366 = arith.xori %iota3A, %xor3A_1365 : vector<16xi32>
    %broadcast_in_dim3A_1367 = vector.shape_cast %xor3A_1366 : vector<16xi32> to vector<16x1xi32>
    %gather3A_1368 = vector.shape_cast %broadcast_in_dim3A_1367 : vector<16x1xi32> to vector<16xi32>
    %gather3A_1369 = tpu.dynamic_gather %min3A_1363[%gather3A_1368] in [0] : vector<16xi32>, vector<16xi32> -> vector<16xi32>
    %min3A_1370 = arith.minsi %min3A_1363, %gather3A_1369 : vector<16xi32>
    %xor3A_1371 = arith.constant 1 : i32
    %xor3A_1372 = vector.broadcast %xor3A_1371 : i32 to vector<16xi32>
    %xor3A_1373 = arith.xori %iota3A, %xor3A_1372 : vector<16xi32>
    %broadcast_in_dim3A_1374 = vector.shape_cast %xor3A_1373 : vector<16xi32> to vector<16x1xi32>
    %gather3A_1375 = vector.shape_cast %broadcast_in_dim3A_1374 : vector<16x1xi32> to vector<16xi32>
    %gather3A_1376 = tpu.dynamic_gather %min3A_1370[%gather3A_1375] in [0] : vector<16xi32>, vector<16xi32> -> vector<16xi32>
    %min3A_1377 = arith.minsi %min3A_1370, %gather3A_1376 : vector<16xi32>
    %slice3A_1378 = vector.extract_strided_slice %min3A_1377 {offsets = [0], sizes = [1], strides = [1]} : vector<16xi32> to vector<1xi32>
    %squeeze3A_1379 = vector.extract %slice3A_1378[0] : i32 from vector<1xi32>
    %jit3A_1380 = arith.constant 16 : i32
    %div3A_1381 = arith.divsi %squeeze3A_1379, %jit3A_1380 : i32
    %sign3A_1382 = arith.constant 0 : i32
    %sign3A_1383 = arith.cmpi sgt, %squeeze3A_1379, %sign3A_1382 : i32
    %sign3A_1384 = arith.extui %sign3A_1383 : i1 to i32
    %sign3A_1385 = arith.constant 0 : i32
    %sign3A_1386 = arith.cmpi slt, %squeeze3A_1379, %sign3A_1385 : i32
    %sign3A_1387 = arith.extui %sign3A_1386 : i1 to i32
    %sign3A_1388 = arith.subi %sign3A_1384, %sign3A_1387 : i32
    %sign3A_1389 = arith.constant 0 : i32
    %sign3A_1390 = arith.cmpi sgt, %jit3A_1380, %sign3A_1389 : i32
    %sign3A_1391 = arith.extui %sign3A_1390 : i1 to i32
    %sign3A_1392 = arith.constant 0 : i32
    %sign3A_1393 = arith.cmpi slt, %jit3A_1380, %sign3A_1392 : i32
    %sign3A_1394 = arith.extui %sign3A_1393 : i1 to i32
    %sign3A_1395 = arith.subi %sign3A_1391, %sign3A_1394 : i32
    %ne3A_1396 = arith.cmpi ne, %sign3A_1388, %sign3A_1395 : i32
    %rem3A_1397 = arith.remsi %squeeze3A_1379, %jit3A_1380 : i32
    %ne3A_1398 = arith.constant 0 : i32
    %ne3A_1399 = arith.cmpi ne, %rem3A_1397, %ne3A_1398 : i32
    %and3A_1400 = arith.andi %ne3A_1396, %ne3A_1399 : i1
    %sub3A_1401 = arith.constant 1 : i32
    %sub3A_1402 = arith.subi %div3A_1381, %sub3A_1401 : i32
    %select_n3A_1403 = arith.select %and3A_1400, %sub3A_1402, %div3A_1381 : i32
    %mul3A_1404 = arith.constant 16 : i32
    %mul3A_1405 = arith.muli %select_n3A_1403, %mul3A_1404 : i32
    %sub3A_1406 = arith.subi %squeeze3A_1379, %mul3A_1405 : i32
    %eq3A_1407 = vector.broadcast %sub3A_1406 : i32 to vector<16xi32>
    %eq3A_1408 = arith.cmpi eq, %iota3A, %eq3A_1407 : vector<16xi32>
    %select_n3A_1409 = arith.select %eq3A_1408, %broadcast_in_dim3A_5, %broadcast_in_dim3A_3 : vector<16xi1>, vector<16xf32>
    %swap3A_1410 = arith.constant 48 : index
    %swap3A_1411 = tpu.vector_load %arg7[%swap3A_1410] {strides = array<i32>} : memref<64xf32, #tpu.memory_space<vmem>>, vector<16xf32>,
    %swap3A_1412 = vector.shape_cast %swap3A_1411 : vector<16xf32> to vector<16xf32>
    %swap3A_1413 = vector.shape_cast %select_n3A_1409 : vector<16xf32> to vector<16xf32>
    tpu.vector_store %arg7[%swap3A_1410], %swap3A_1413 {strides = array<i32>} : memref<64xf32, #tpu.memory_space<vmem>>, vector<16xf32>,
    %dma_wait3A_1414 = arith.constant 0 : i32
    %dma_wait3A_1415 = tpu.memref_slice %arg3[%add3A_21, %dma_wait3A_1414] : memref<128x32768xf32, #tpu.memory_space<hbm>> -> memref<1x32768xf32, #tpu.memory_space<hbm>>
    %dma_wait3A_1416 = tpu.memref_squeeze %dma_wait3A_1415 : memref<1x32768xf32, #tpu.memory_space<hbm>> -> memref<32768xf32, #tpu.memory_space<hbm>>
    %dma_wait3A_1417 = arith.constant 0 : i32
    %dma_wait3A_1418 = tpu.memref_slice %arg3[%add3A_21, %dma_wait3A_1417] : memref<128x32768xf32, #tpu.memory_space<hbm>> -> memref<1x32768xf32, #tpu.memory_space<hbm>>
    %dma_wait3A_1419 = tpu.memref_squeeze %dma_wait3A_1418 : memref<1x32768xf32, #tpu.memory_space<hbm>> -> memref<32768xf32, #tpu.memory_space<hbm>>
    tpu.wait_dma2 semaphore(%arg9 : memref<!tpu.dma_semaphore, #tpu.memory_space<semaphore_mem>>) src(%arg6 : memref<32768xf32, #tpu.memory_space<vmem>>) dst(%dma_wait3A_1419 : memref<32768xf32, #tpu.memory_space<hbm>>)
    %dma_wait3A_1420 = arith.constant 0 : i32
    %dma_wait3A_1421 = tpu.memref_slice %arg3[%add3A_29, %dma_wait3A_1420] : memref<128x32768xf32, #tpu.memory_space<hbm>> -> memref<1x32768xf32, #tpu.memory_space<hbm>>
    %dma_wait3A_1422 = tpu.memref_squeeze %dma_wait3A_1421 : memref<1x32768xf32, #tpu.memory_space<hbm>> -> memref<32768xf32, #tpu.memory_space<hbm>>
    %dma_wait3A_1423 = arith.constant 0 : i32
    %dma_wait3A_1424 = tpu.memref_slice %arg3[%add3A_29, %dma_wait3A_1423] : memref<128x32768xf32, #tpu.memory_space<hbm>> -> memref<1x32768xf32, #tpu.memory_space<hbm>>
    %dma_wait3A_1425 = tpu.memref_squeeze %dma_wait3A_1424 : memref<1x32768xf32, #tpu.memory_space<hbm>> -> memref<32768xf32, #tpu.memory_space<hbm>>
    tpu.wait_dma2 semaphore(%arg9 : memref<!tpu.dma_semaphore, #tpu.memory_space<semaphore_mem>>) src(%arg6 : memref<32768xf32, #tpu.memory_space<vmem>>) dst(%dma_wait3A_1425 : memref<32768xf32, #tpu.memory_space<hbm>>)
    %dma_wait3A_1426 = arith.constant 0 : i32
    %dma_wait3A_1427 = tpu.memref_slice %arg3[%add3A_37, %dma_wait3A_1426] : memref<128x32768xf32, #tpu.memory_space<hbm>> -> memref<1x32768xf32, #tpu.memory_space<hbm>>
    %dma_wait3A_1428 = tpu.memref_squeeze %dma_wait3A_1427 : memref<1x32768xf32, #tpu.memory_space<hbm>> -> memref<32768xf32, #tpu.memory_space<hbm>>
    %dma_wait3A_1429 = arith.constant 0 : i32
    %dma_wait3A_1430 = tpu.memref_slice %arg3[%add3A_37, %dma_wait3A_1429] : memref<128x32768xf32, #tpu.memory_space<hbm>> -> memref<1x32768xf32, #tpu.memory_space<hbm>>
    %dma_wait3A_1431 = tpu.memref_squeeze %dma_wait3A_1430 : memref<1x32768xf32, #tpu.memory_space<hbm>> -> memref<32768xf32, #tpu.memory_space<hbm>>
    tpu.wait_dma2 semaphore(%arg9 : memref<!tpu.dma_semaphore, #tpu.memory_space<semaphore_mem>>) src(%arg6 : memref<32768xf32, #tpu.memory_space<vmem>>) dst(%dma_wait3A_1431 : memref<32768xf32, #tpu.memory_space<hbm>>)
    %dma_wait3A_1432 = arith.constant 0 : i32
    %dma_wait3A_1433 = tpu.memref_slice %arg3[%add3A_45, %dma_wait3A_1432] : memref<128x32768xf32, #tpu.memory_space<hbm>> -> memref<1x32768xf32, #tpu.memory_space<hbm>>
    %dma_wait3A_1434 = tpu.memref_squeeze %dma_wait3A_1433 : memref<1x32768xf32, #tpu.memory_space<hbm>> -> memref<32768xf32, #tpu.memory_space<hbm>>
    %dma_wait3A_1435 = arith.constant 0 : i32
    %dma_wait3A_1436 = tpu.memref_slice %arg3[%add3A_45, %dma_wait3A_1435] : memref<128x32768xf32, #tpu.memory_space<hbm>> -> memref<1x32768xf32, #tpu.memory_space<hbm>>
    %dma_wait3A_1437 = tpu.memref_squeeze %dma_wait3A_1436 : memref<1x32768xf32, #tpu.memory_space<hbm>> -> memref<32768xf32, #tpu.memory_space<hbm>>
    tpu.wait_dma2 semaphore(%arg9 : memref<!tpu.dma_semaphore, #tpu.memory_space<semaphore_mem>>) src(%arg6 : memref<32768xf32, #tpu.memory_space<vmem>>) dst(%dma_wait3A_1437 : memref<32768xf32, #tpu.memory_space<hbm>>)
    %add3A_1438 = arith.constant 0 : i32
    %add3A_1439 = arith.addi %mul3A_2, %add3A_1438 : i32
    %mul3A_1440 = arith.constant 16 : i32
    %mul3A_1441 = arith.muli %select_n3A_370, %mul3A_1440 : i32
    %dma_start3A_1442 = arith.constant 0 : i32
    %dma_start3A_1443 = tpu.memref_slice %arg7[%dma_start3A_1442] : memref<64xf32, #tpu.memory_space<vmem>> -> memref<16xf32, #tpu.memory_space<vmem>>
    %dma_start3A_1444 = tpu.memref_slice %arg3[%add3A_1439, %mul3A_1441] : memref<128x32768xf32, #tpu.memory_space<hbm>> -> memref<1x16xf32, #tpu.memory_space<hbm>>
    %dma_start3A_1445 = tpu.memref_squeeze %dma_start3A_1444 : memref<1x16xf32, #tpu.memory_space<hbm>> -> memref<16xf32, #tpu.memory_space<hbm>>
    %dma_start3A_1446 = tpu.memref_slice %arg3[%add3A_1439, %mul3A_1441] : memref<128x32768xf32, #tpu.memory_space<hbm>> -> memref<1x16xf32, #tpu.memory_space<hbm>>
    %dma_start3A_1447 = tpu.memref_squeeze %dma_start3A_1446 : memref<1x16xf32, #tpu.memory_space<hbm>> -> memref<16xf32, #tpu.memory_space<hbm>>
    %dma_start3A_1448 = arith.constant 0 : i32
    %dma_start3A_1449 = tpu.memref_slice %arg7[%dma_start3A_1448] : memref<64xf32, #tpu.memory_space<vmem>> -> memref<16xf32, #tpu.memory_space<vmem>>
    tpu.enqueue_dma source(%dma_start3A_1449 : memref<16xf32, #tpu.memory_space<vmem>>) target(%dma_start3A_1447 : memref<16xf32, #tpu.memory_space<hbm>>) target_semaphore(%arg10 : memref<!tpu.dma_semaphore, #tpu.memory_space<semaphore_mem>>)
    %add3A_1450 = arith.constant 1 : i32
    %add3A_1451 = arith.addi %mul3A_2, %add3A_1450 : i32
    %mul3A_1452 = arith.constant 16 : i32
    %mul3A_1453 = arith.muli %select_n3A_717, %mul3A_1452 : i32
    %dma_start3A_1454 = arith.constant 16 : i32
    %dma_start3A_1455 = tpu.memref_slice %arg7[%dma_start3A_1454] : memref<64xf32, #tpu.memory_space<vmem>> -> memref<16xf32, #tpu.memory_space<vmem>>
    %dma_start3A_1456 = tpu.memref_slice %arg3[%add3A_1451, %mul3A_1453] : memref<128x32768xf32, #tpu.memory_space<hbm>> -> memref<1x16xf32, #tpu.memory_space<hbm>>
    %dma_start3A_1457 = tpu.memref_squeeze %dma_start3A_1456 : memref<1x16xf32, #tpu.memory_space<hbm>> -> memref<16xf32, #tpu.memory_space<hbm>>
    %dma_start3A_1458 = tpu.memref_slice %arg3[%add3A_1451, %mul3A_1453] : memref<128x32768xf32, #tpu.memory_space<hbm>> -> memref<1x16xf32, #tpu.memory_space<hbm>>
    %dma_start3A_1459 = tpu.memref_squeeze %dma_start3A_1458 : memref<1x16xf32, #tpu.memory_space<hbm>> -> memref<16xf32, #tpu.memory_space<hbm>>
    %dma_start3A_1460 = arith.constant 16 : i32
    %dma_start3A_1461 = tpu.memref_slice %arg7[%dma_start3A_1460] : memref<64xf32, #tpu.memory_space<vmem>> -> memref<16xf32, #tpu.memory_space<vmem>>
    tpu.enqueue_dma source(%dma_start3A_1461 : memref<16xf32, #tpu.memory_space<vmem>>) target(%dma_start3A_1459 : memref<16xf32, #tpu.memory_space<hbm>>) target_semaphore(%arg10 : memref<!tpu.dma_semaphore, #tpu.memory_space<semaphore_mem>>)
    %add3A_1462 = arith.constant 2 : i32
    %add3A_1463 = arith.addi %mul3A_2, %add3A_1462 : i32
    %mul3A_1464 = arith.constant 16 : i32
    %mul3A_1465 = arith.muli %select_n3A_1065, %mul3A_1464 : i32
    %dma_start3A_1466 = arith.constant 32 : i32
    %dma_start3A_1467 = tpu.memref_slice %arg7[%dma_start3A_1466] : memref<64xf32, #tpu.memory_space<vmem>> -> memref<16xf32, #tpu.memory_space<vmem>>
    %dma_start3A_1468 = tpu.memref_slice %arg3[%add3A_1463, %mul3A_1465] : memref<128x32768xf32, #tpu.memory_space<hbm>> -> memref<1x16xf32, #tpu.memory_space<hbm>>
    %dma_start3A_1469 = tpu.memref_squeeze %dma_start3A_1468 : memref<1x16xf32, #tpu.memory_space<hbm>> -> memref<16xf32, #tpu.memory_space<hbm>>
    %dma_start3A_1470 = tpu.memref_slice %arg3[%add3A_1463, %mul3A_1465] : memref<128x32768xf32, #tpu.memory_space<hbm>> -> memref<1x16xf32, #tpu.memory_space<hbm>>
    %dma_start3A_1471 = tpu.memref_squeeze %dma_start3A_1470 : memref<1x16xf32, #tpu.memory_space<hbm>> -> memref<16xf32, #tpu.memory_space<hbm>>
    %dma_start3A_1472 = arith.constant 32 : i32
    %dma_start3A_1473 = tpu.memref_slice %arg7[%dma_start3A_1472] : memref<64xf32, #tpu.memory_space<vmem>> -> memref<16xf32, #tpu.memory_space<vmem>>
    tpu.enqueue_dma source(%dma_start3A_1473 : memref<16xf32, #tpu.memory_space<vmem>>) target(%dma_start3A_1471 : memref<16xf32, #tpu.memory_space<hbm>>) target_semaphore(%arg10 : memref<!tpu.dma_semaphore, #tpu.memory_space<semaphore_mem>>)
    %add3A_1474 = arith.constant 3 : i32
    %add3A_1475 = arith.addi %mul3A_2, %add3A_1474 : i32
    %mul3A_1476 = arith.constant 16 : i32
    %mul3A_1477 = arith.muli %select_n3A_1403, %mul3A_1476 : i32
    %dma_start3A_1478 = arith.constant 48 : i32
    %dma_start3A_1479 = tpu.memref_slice %arg7[%dma_start3A_1478] : memref<64xf32, #tpu.memory_space<vmem>> -> memref<16xf32, #tpu.memory_space<vmem>>
    %dma_start3A_1480 = tpu.memref_slice %arg3[%add3A_1475, %mul3A_1477] : memref<128x32768xf32, #tpu.memory_space<hbm>> -> memref<1x16xf32, #tpu.memory_space<hbm>>
    %dma_start3A_1481 = tpu.memref_squeeze %dma_start3A_1480 : memref<1x16xf32, #tpu.memory_space<hbm>> -> memref<16xf32, #tpu.memory_space<hbm>>
    %dma_start3A_1482 = tpu.memref_slice %arg3[%add3A_1475, %mul3A_1477] : memref<128x32768xf32, #tpu.memory_space<hbm>> -> memref<1x16xf32, #tpu.memory_space<hbm>>
    %dma_start3A_1483 = tpu.memref_squeeze %dma_start3A_1482 : memref<1x16xf32, #tpu.memory_space<hbm>> -> memref<16xf32, #tpu.memory_space<hbm>>
    %dma_start3A_1484 = arith.constant 48 : i32
    %dma_start3A_1485 = tpu.memref_slice %arg7[%dma_start3A_1484] : memref<64xf32, #tpu.memory_space<vmem>> -> memref<16xf32, #tpu.memory_space<vmem>>
    tpu.enqueue_dma source(%dma_start3A_1485 : memref<16xf32, #tpu.memory_space<vmem>>) target(%dma_start3A_1483 : memref<16xf32, #tpu.memory_space<hbm>>) target_semaphore(%arg10 : memref<!tpu.dma_semaphore, #tpu.memory_space<semaphore_mem>>)
    %dma_wait3A_1486 = arith.constant 0 : i32
    %dma_wait3A_1487 = tpu.memref_slice %arg7[%dma_wait3A_1486] : memref<64xf32, #tpu.memory_space<vmem>> -> memref<16xf32, #tpu.memory_space<vmem>>
    %dma_wait3A_1488 = tpu.memref_slice %arg3[%add3A_1439, %mul3A_1441] : memref<128x32768xf32, #tpu.memory_space<hbm>> -> memref<1x16xf32, #tpu.memory_space<hbm>>
    %dma_wait3A_1489 = tpu.memref_squeeze %dma_wait3A_1488 : memref<1x16xf32, #tpu.memory_space<hbm>> -> memref<16xf32, #tpu.memory_space<hbm>>
    %dma_wait3A_1490 = tpu.memref_slice %arg3[%add3A_1439, %mul3A_1441] : memref<128x32768xf32, #tpu.memory_space<hbm>> -> memref<1x16xf32, #tpu.memory_space<hbm>>
    %dma_wait3A_1491 = tpu.memref_squeeze %dma_wait3A_1490 : memref<1x16xf32, #tpu.memory_space<hbm>> -> memref<16xf32, #tpu.memory_space<hbm>>
    %dma_wait3A_1492 = arith.constant 0 : i32
    %dma_wait3A_1493 = tpu.memref_slice %arg7[%dma_wait3A_1492] : memref<64xf32, #tpu.memory_space<vmem>> -> memref<16xf32, #tpu.memory_space<vmem>>
    tpu.wait_dma2 semaphore(%arg10 : memref<!tpu.dma_semaphore, #tpu.memory_space<semaphore_mem>>) src(%dma_wait3A_1493 : memref<16xf32, #tpu.memory_space<vmem>>) dst(%dma_wait3A_1491 : memref<16xf32, #tpu.memory_space<hbm>>)
    %dma_wait3A_1494 = arith.constant 16 : i32
    %dma_wait3A_1495 = tpu.memref_slice %arg7[%dma_wait3A_1494] : memref<64xf32, #tpu.memory_space<vmem>> -> memref<16xf32, #tpu.memory_space<vmem>>
    %dma_wait3A_1496 = tpu.memref_slice %arg3[%add3A_1451, %mul3A_1453] : memref<128x32768xf32, #tpu.memory_space<hbm>> -> memref<1x16xf32, #tpu.memory_space<hbm>>
    %dma_wait3A_1497 = tpu.memref_squeeze %dma_wait3A_1496 : memref<1x16xf32, #tpu.memory_space<hbm>> -> memref<16xf32, #tpu.memory_space<hbm>>
    %dma_wait3A_1498 = tpu.memref_slice %arg3[%add3A_1451, %mul3A_1453] : memref<128x32768xf32, #tpu.memory_space<hbm>> -> memref<1x16xf32, #tpu.memory_space<hbm>>
    %dma_wait3A_1499 = tpu.memref_squeeze %dma_wait3A_1498 : memref<1x16xf32, #tpu.memory_space<hbm>> -> memref<16xf32, #tpu.memory_space<hbm>>
    %dma_wait3A_1500 = arith.constant 16 : i32
    %dma_wait3A_1501 = tpu.memref_slice %arg7[%dma_wait3A_1500] : memref<64xf32, #tpu.memory_space<vmem>> -> memref<16xf32, #tpu.memory_space<vmem>>
    tpu.wait_dma2 semaphore(%arg10 : memref<!tpu.dma_semaphore, #tpu.memory_space<semaphore_mem>>) src(%dma_wait3A_1501 : memref<16xf32, #tpu.memory_space<vmem>>) dst(%dma_wait3A_1499 : memref<16xf32, #tpu.memory_space<hbm>>)
    %dma_wait3A_1502 = arith.constant 32 : i32
    %dma_wait3A_1503 = tpu.memref_slice %arg7[%dma_wait3A_1502] : memref<64xf32, #tpu.memory_space<vmem>> -> memref<16xf32, #tpu.memory_space<vmem>>
    %dma_wait3A_1504 = tpu.memref_slice %arg3[%add3A_1463, %mul3A_1465] : memref<128x32768xf32, #tpu.memory_space<hbm>> -> memref<1x16xf32, #tpu.memory_space<hbm>>
    %dma_wait3A_1505 = tpu.memref_squeeze %dma_wait3A_1504 : memref<1x16xf32, #tpu.memory_space<hbm>> -> memref<16xf32, #tpu.memory_space<hbm>>
    %dma_wait3A_1506 = tpu.memref_slice %arg3[%add3A_1463, %mul3A_1465] : memref<128x32768xf32, #tpu.memory_space<hbm>> -> memref<1x16xf32, #tpu.memory_space<hbm>>
    %dma_wait3A_1507 = tpu.memref_squeeze %dma_wait3A_1506 : memref<1x16xf32, #tpu.memory_space<hbm>> -> memref<16xf32, #tpu.memory_space<hbm>>
    %dma_wait3A_1508 = arith.constant 32 : i32
    %dma_wait3A_1509 = tpu.memref_slice %arg7[%dma_wait3A_1508] : memref<64xf32, #tpu.memory_space<vmem>> -> memref<16xf32, #tpu.memory_space<vmem>>
    tpu.wait_dma2 semaphore(%arg10 : memref<!tpu.dma_semaphore, #tpu.memory_space<semaphore_mem>>) src(%dma_wait3A_1509 : memref<16xf32, #tpu.memory_space<vmem>>) dst(%dma_wait3A_1507 : memref<16xf32, #tpu.memory_space<hbm>>)
    %dma_wait3A_1510 = arith.constant 48 : i32
    %dma_wait3A_1511 = tpu.memref_slice %arg7[%dma_wait3A_1510] : memref<64xf32, #tpu.memory_space<vmem>> -> memref<16xf32, #tpu.memory_space<vmem>>
    %dma_wait3A_1512 = tpu.memref_slice %arg3[%add3A_1475, %mul3A_1477] : memref<128x32768xf32, #tpu.memory_space<hbm>> -> memref<1x16xf32, #tpu.memory_space<hbm>>
    %dma_wait3A_1513 = tpu.memref_squeeze %dma_wait3A_1512 : memref<1x16xf32, #tpu.memory_space<hbm>> -> memref<16xf32, #tpu.memory_space<hbm>>
    %dma_wait3A_1514 = tpu.memref_slice %arg3[%add3A_1475, %mul3A_1477] : memref<128x32768xf32, #tpu.memory_space<hbm>> -> memref<1x16xf32, #tpu.memory_space<hbm>>
    %dma_wait3A_1515 = tpu.memref_squeeze %dma_wait3A_1514 : memref<1x16xf32, #tpu.memory_space<hbm>> -> memref<16xf32, #tpu.memory_space<hbm>>
    %dma_wait3A_1516 = arith.constant 48 : i32
    %dma_wait3A_1517 = tpu.memref_slice %arg7[%dma_wait3A_1516] : memref<64xf32, #tpu.memory_space<vmem>> -> memref<16xf32, #tpu.memory_space<vmem>>
    tpu.wait_dma2 semaphore(%arg10 : memref<!tpu.dma_semaphore, #tpu.memory_space<semaphore_mem>>) src(%dma_wait3A_1517 : memref<16xf32, #tpu.memory_space<vmem>>) dst(%dma_wait3A_1515 : memref<16xf32, #tpu.memory_space<hbm>>)
    return
  }
}

</mosaic_0001>

<sc_bundles>
// kernel: kernel.3.cloned.1.call-start
scs
__scs_entry_jumppad:
0x0: {  	(pc) =	sbr.rel $0x88, $3  }
0x1: {  	(tag) =	ssettag $0x0;
	lr =	simm.s32 $0x1  }
0x2: {  	[smem:$0x3FA0] =	sst lr;
	_ =	strace $0xD0000000  }
0x3: {  	_ = 	snop  }
0x4: {  	_ = 	snop  }
0x5: {  	_ = 	snop  }
0x6: {  	_ = 	snop  }
0x7: {  	_ = 	snop  }
__scs_overlays_trampoline_lowered:
0x8: {  	[smem:$0x3FAF] =	sst s0  }
0x9: {  	[smem:$0x3FB0] =	sst s1  }
0xa: {  	[smem:$0x3FB1] =	sst s2  }
0xb: {  	[smem:$0x3FB2] =	sst s3  }
0xc: {  	[smem:$0x3FB3] =	sst s4  }
0xd: {  	[smem:$0x3FB4] =	sst s5  }
0xe: {  	[smem:$0x3FB5] =	sst s6  }
0xf: {  	[smem:$0x3FB6] =	sst s7  }
0x10: {  	[smem:$0x3FB7] =	sst s8  }
0x11: {  	[smem:$0x3FB8] =	sst s9;
	s0 =	simm.s32 @!p0 $0x0  }
0x12: {  	s1 =	sld [smem:$0x3F9E];
	s0 =	simm.s32 @p0 $0x1  }
0x13: {  	[smem:$0x3FB9] =	sst s0;
	s0 =	simm.s32 @!p1 $0x0  }
0x14: {  	s2 =	sld [smem:$0x3F9D];
	s0 =	simm.s32 @p1 $0x1  }
0x15: {  	[smem:$0x3FBA] =	sst s0;
	s0 =	simm.s32 @!p2 $0x0  }
0x16: {  	s3 =	sld [smem:$0x3FDB];
	s0 =	simm.s32 @p2 $0x1  }
0x17: {  	s4 =	simm.s32 $0x1BF5;
	[smem:$0x3FBC] =	sst s0  }
0x18: {  	s0 =	sld [smem:$0x3F9F];
	_ =	swait.ge [sflag:s4], $0x0  }
0x19: {  	s7 =	sld [smem:$0x3FA0]  }
0x1a: {  	s8 =	sadd.s32 $0xFFFFE003, lr  }
0x1b: {  	s9 =	sadd.s32 $0xFFFFFEF7, lr;
	s5 =	simm.s32 $0xFFFFFFFF;
	p2 =	slt.u32 s8, $0xFFFFF086  }
0x1c: {  	p1 =	slt.u32 s9, $0xF7A;
	s5 =	simm.s32 @!p2 $0x0  }
0x1d: {  	s5 =	simm.s32 @p1 $0x1;
	p0 =	seq.s32 s7, s2  }
0x1e: {  	s7 =	smul.u32 @!p0 $0xF7A, s2;
	p2 =	seq.s32 @!p0 s5, $0x0  }
0x1f: {  	s9 =	smul.u32 $0xF7A, s1;
	s8 =	simm.s32 @!p0 $0x1BF5;
	p2 =	por !p2, p0  }
0x20: {  	[sflag:s8] =	ssyncset.s32 @!p0 $0xFFFFF086;
	s6 =	sadd.s32 @!p0 s3, s7;
	s7 =	simm.s32 @!p0 $0x108  }
0x21: {  	s3 =	sadd.s32 s3, s9;
	s6 =	sadd.s32 @!p0 $0x88, s6;
	s7 =	simm.s32 @p2 $0x1082  }
0x22: {  	[simem:s7], [sflag:s8] =	dma.local @!p0 [hbm:s6], $0xF7A  }
0x23: {  	s9 =	sor.u32 $0xD0000000, s2;
	s6 =	simm.s32 $0x108;
	_ =	swait.ge @!p0 [sflag:s8], $0x0  }
0x24: {  	s3 =	sadd.s32 $0x88, s3;
	s6 =	simm.s32 @!p1 $0x1082;
	[sflag:s4] =	ssyncset.s32 $0xFFFFF086  }
0x25: {  	[simem:s6], [sflag:s4] =	dma.local [hbm:s3], $0xF7A  }
0x26: {  	[smem:$0x3FA0] =	sst s1;
	(tag) =	ssettag s2;
	_ =	strace s9  }
0x27: {  	s1 =	sld [smem:$0x3FB0]  }
0x28: {  	s2 =	sld [smem:$0x3FB1]  }
0x29: {  	s4 =	sld [smem:$0x3FB3]  }
0x2a: {  	p0 =	seq.s32 s5, $0x0;
	s5 =	sld [smem:$0x3FB4]  }
0x2b: {  	s6 =	sld [smem:$0x3FB5]  }
0x2c: {  	s7 =	sld [smem:$0x3FB6]  }
0x2d: {  	s3 =	simm.s32 $0x108;
	s8 =	sld [smem:$0x3FB7]  }
0x2e: {  	s3 =	simm.s32 @!p0 $0x1082;
	s9 =	sld [smem:$0x3FB8]  }
0x2f: {  	lr =	sadd.s32 s0, s3;
	s0 =	sld [smem:$0x3FAF]  }
0x30: {  	s3 =	sld [smem:$0x3FB2]  }
0x31: {  	[smem:$0x3FBB] =	sst s10  }
0x32: {  	s10 =	sld [smem:$0x3FB9];
	_ =	sdelay $0x3  }
0x33: {  	p0 =	seq.s32 s10, $0x1;
	s10 =	sld [smem:$0x3FBB];
	_ =	sdelay $0x3  }
0x34: {  	[smem:$0x3FBB] =	sst s10  }
0x35: {  	s10 =	sld [smem:$0x3FBA];
	_ =	sdelay $0x3  }
0x36: {  	p1 =	seq.s32 s10, $0x1;
	s10 =	sld [smem:$0x3FBB];
	_ =	sdelay $0x3  }
0x37: {  	[smem:$0x3FBB] =	sst s10  }
0x38: {  	s10 =	sld [smem:$0x3FBC]  }
0x39: {  	_ = 	snop;
	(pc) =	sbr.ind lr, $3  }
0x3a: {  	_ = 	snop  }
0x3b: {  	_ = 	snop  }
0x3c: {  	p2 =	seq.s32 s10, $0x1;
	s10 =	sld [smem:$0x3FBB]  }
0x3d: {  	_ =	shalt  }
0x3e: {  	_ =	shalt  }
0x3f: {  	_ =	shalt  }
0x40: {  	_ =	shalt  }
0x41: {  	_ =	shalt  }
0x42: {  	_ =	shalt  }
0x43: {  	_ =	shalt  }
0x44: {  	_ =	shalt  }
0x45: {  	_ =	shalt  }
0x46: {  	_ =	shalt  }
0x47: {  	_ =	shalt  }
0x48: {  	_ =	shalt  }
0x49: {  	_ =	shalt  }
0x4a: {  	_ =	shalt  }
0x4b: {  	_ =	shalt  }
0x4c: {  	_ =	shalt  }
0x4d: {  	_ =	shalt  }
0x4e: {  	_ =	shalt  }
0x4f: {  	_ =	shalt  }
0x50: {  	_ =	shalt  }
0x51: {  	_ =	shalt  }
0x52: {  	_ =	shalt  }
0x53: {  	_ =	shalt  }
0x54: {  	_ =	shalt  }
0x55: {  	_ =	shalt  }
0x56: {  	_ =	shalt  }
0x57: {  	_ =	shalt  }
0x58: {  	_ =	shalt  }
0x59: {  	_ =	shalt  }
0x5a: {  	_ =	shalt  }
0x5b: {  	_ =	shalt  }
0x5c: {  	_ =	shalt  }
0x5d: {  	_ =	shalt  }
0x5e: {  	_ =	shalt  }
0x5f: {  	_ =	shalt  }
0x60: {  	_ =	shalt  }
0x61: {  	_ =	shalt  }
0x62: {  	_ =	shalt  }
0x63: {  	_ =	shalt  }
0x64: {  	_ =	shalt  }
0x65: {  	_ =	shalt  }
0x66: {  	_ =	shalt  }
0x67: {  	_ =	shalt  }
0x68: {  	_ =	shalt  }
0x69: {  	_ =	shalt  }
0x6a: {  	_ =	shalt  }
0x6b: {  	_ =	shalt  }
0x6c: {  	_ =	shalt  }
0x6d: {  	_ =	shalt  }
0x6e: {  	_ =	shalt  }
0x6f: {  	_ =	shalt  }
0x70: {  	_ =	shalt  }
0x71: {  	_ =	shalt  }
0x72: {  	_ =	shalt  }
0x73: {  	_ =	shalt  }
0x74: {  	_ =	shalt  }
0x75: {  	_ =	shalt  }
0x76: {  	_ =	shalt  }
0x77: {  	_ =	shalt  }
0x78: {  	_ =	shalt  }
0x79: {  	_ =	shalt  }
0x7a: {  	_ =	shalt  }
0x7b: {  	_ =	shalt  }
0x7c: {  	_ =	shalt  }
0x7d: {  	_ =	shalt  }
0x7e: {  	_ =	shalt  }
0x7f: {  	_ =	shalt  }
0x80: {  	_ =	shalt  }
0x81: {  	_ =	shalt  }
0x82: {  	_ =	shalt  }
0x83: {  	_ =	shalt  }
0x84: {  	_ =	shalt  }
0x85: {  	_ =	shalt  }
0x86: {  	_ =	shalt  }
0x87: {  	_ =	shalt  }
.Lfunc_end0:
.L_simem_size_0:
called_computation_lowered:
.L_overlay_start_0:
0x88: {  	s2 =	sld [smem:$0x3FD9]  }
0x89: {  	s3 =	sld [smem:$0x3FFE];
	_ =	sdelay $0x1  }
0x8a: {  	s1 =	srdreg.scid  }
0x8b: {  	s0 =	sand.u32 $0x1, s1  }
0x8c: {  	s18 =	sshll.u32 s0, $0xA;
	s2 =	sadd.s32 s3, s2  }
0x8d: {  	s2 =	sadd.s32 s2, s18  }
0x8e: {  	[smem:$0x3FC7] =	sst s2  }
0x8f: {  	_ = 	snop  }
0x90: {  	s2 =	sld [smem:$0x3FC9]  }
0x91: {  	s19 =	sld [smem:$0x3FD0];
	(tm) =	ssettm $0x1  }
0x92: {  	s4 =	sld [smem:$0x3FFB];
	_ =	sdelay $0x3  }
0x93: {  	_ =	strace s4  }
0x94: {  	s4 =	sld [smem:$0x3FFC];
	_ =	sdelay $0x3  }
0x95: {  	_ =	strace s4  }
0x96: {  	s4 =	sld [smem:$0x3FFD];
	_ =	sdelay $0x3  }
0x97: {  	_ =	strace s4  }
0x98: {  	_ =	strace $0x8FFFFFFF  }
0x99: {  	s20 =	sld [smem:$0x3FDB];
	_ =	sdelay $0x1  }
0x9a: {  	s5 =	simm.s32 $_scs_section_size  }
0x9b: {  	s6 =	simm.s32 $_size__tile_overlayer_lowered;
	s7 =	simm.s32 $_tile_overlayer_lowered  }
0x9c: {  	s23 =	simm.s32 $0x1BFF;
	s22 =	sshll.u32 s7, $0x1;
	s4 =	sadd.s32 s5, s20  }
0x9d: {  	s8 =	simm.s32 $0x0;
	s21 =	sshll.u32 s6, $0x1;
	s6 =	sadd.s32 s22, s4  }
0x9e: {  	[timem:s8], [sflag:s23] =	dma.local [hbm:s6], s21  }
0x9f: {  	_ =	swait.ge [sflag:s23], s21  }
0xa0: {  	s5 =	ssub.s32 $0x0, s21;
	[sflag:s23] =	ssyncset.done $0x0  }
0xa1: {  	[sflag:s23] =	ssyncadd.s32 s5;
	_ =	sdelay $0x1  }
0xa2: {  	s24 =	simm.s32 $0x1B8B  }
0xa3: {  	_ =	swait.ge [sflag:s24], $0x1  }
0xa4: {  	[sflag:s24] =	ssyncset.done $0x0  }
0xa5: {  	s25 =	simm.s32 $0x1B8E;
	[sflag:s24] =	ssyncadd.s32 $0xFFFFFFFF  }
0xa6: {  	s26 =	simm.s32 $execute0_lowered;
	[smem:$0x3FD2] =	sst s25  }
0xa7: {  	s5 =	sshll.u32 s26, $0x1;
	_ =	strace $0x80000046;
	[dreg:$0x1] =	wrdreg $0xFFFFFFFF  }
0xa8: {  	s28 =	simm.s32 $_size_execute0_lowered;
	s4 =	sadd.s32 s4, s5;
	[dreg:$0x0] =	wrdreg $0x0  }
0xa9: {  	s5 =	sshll.u32 s28, $0x1;
	[dreg:$0x2] =	wrdreg s4  }
0xaa: {  	[dreg:$0x3] =	wrdreg s5  }
0xab: {  	[dreg:$0x4] =	wrdreg $0xC0  }
0xac: {  	_ =	task [dreg:s8], $0x5FFFF  }
0xad: {  	[dreg:$0x1] =	wrdreg $0xFFFFFFFF  }
0xae: {  	[dreg:$0x0] =	wrdreg $0x60  }
0xaf: {  	[dreg:$0x2] =	wrdreg s2  }
0xb0: {  	[dreg:$0x3] =	wrdreg s19  }
0xb1: {  	[dreg:$0x4] =	wrdreg $0x9  }
0xb2: {  	_ =	task.clear_ibuf [dreg:s8], $0x5FFFF;
	_ =	strace $0x90000046  }
0xb3: {  	s29 =	simm.s32 $0x9;
	_ =	strace $0x80000048  }
0xb4: {  	_ =	swait.ge [sflag:s29], $0x1  }
0xb5: {  	[sflag:s29] =	ssyncadd.s32 $0xFFFFFFFF  }
0xb6: {  	_ =	strace $0x90000048  }
0xb7: {  	_ =	sfence  }
0xb8: {  	s30 =	sld [smem:$0x0];
	_ =	sdelay $0x2  }
0xb9: {  	s31 =	sshll.u32 s1, $0xD;
	s1 =	sshrl.u32 s1, $0x2  }
0xba: {  	s3 =	sand.u32 $0x4000, s31;
	s1 =	sadd.s32 s1, s30  }
0xbb: {  	s0 =	sor.u32 s3, s0;
	s1 =	sshll.u32 s1, $0x11  }
0xbc: {  	s0 =	sor.u32 s1, s0  }
0xbd: {  	s0 =	sadd.s32 $0x8F2B, s0  }
0xbe: {  	[sflag:s0] =	ssyncadd.remote.s32 $0x1  }
0xbf: {  	_ =	sfence.sel $0xFFFF  }
0xc0: {  	[dreg:$0x0] =	wrdreg $0xFFFFFFFF;
	(pc) =	sbr.abs _section_cstart, $3  }
0xc1: {  	[dreg:$0x1] =	wrdreg $0xFFFFFFFF  }
0xc2: {  	_ =	task.clear_ibuf [dreg:s8], $0x2FFFF;
	_ =	strace $0x9FFFFFFF  }
0xc3: {  	(tm) =	ssettm $0x7FFFFFFF  }
tec
execute0_lowered:
.L_overlay_start_1:
0x0: {  	(tag) =	ssettag $0x1  }
0x1: {  	s0 =	rddreg [dreg:$0x0]  }
0x2: {  	s2 =	rddreg [dreg:$0x1];
	s1 =	srdreg.scid;
	s3 =	simm.s32 $0x0  }
0x3: {  	s4 =	stileid.u32;
	v0 =	vimm.s32 $0xFEDCBA98;
	s18 =	simm.s32 $0x80;
	s19 =	simm.s32 $0x400  }
0x4: {  	v1 =	vimm.s32 $0x76543210;
	v2 =	vimm.s32 $0xBA98FEDC;
	s20 =	simm.s32 $0x10000;
	s21 =	simm.s32 $0x1;
	s22 =	simm.s32 $0x8000  }
0x5: {  	v3 =	vimm.s32 $0x32107654;
	v4 =	vimm.s32 $0xDCFE98BA;
	v5 =	vimm.s32 $0x54761032;
	s23 =	simm.s32 $0x2;
	s29 =	simm.s32 $0x3;
	s30 =	simm.s32 $0x0  }
0x6: {  	v6 =	vimm.s32 $0xEFCDAB89;
	v7 =	vimm.s32 $0x67452301;
	s1 =	sand.u32 $0x1, s1;
	s4 =	sshll.u32 s4, $0x12;
	[smem:$0x7FF] =	sst s3  }
0x7: {  	v0 =	vunpack.c.l.s4.s8 v0;
	v1 =	vunpack.c.l.s4.s8 v1;
	v2 =	vunpack.c.l.s4.s8 v2;
	s6 =	ssub.s32 $0x2, s1;
	s5 =	sshll.u32 s1, $0x9;
	_ =	strace $0x80000047  }
0x8: {  	v3 =	vunpack.c.l.s4.s8 v3;
	v4 =	vunpack.c.l.s4.s8 v4;
	v5 =	vunpack.c.l.s4.s8 v5;
	s25 =	sshrl.u32 s6, $0x1;
	s7 =	sor.u32 s5, s4;
	s8 =	sor.u32 $0x80, s5  }
0x9: {  	v6 =	vunpack.c.l.s4.s8 v6;
	v7 =	vunpack.c.l.s4.s8 v7;
	v0 =	vunpack.c.0.s8.s32 v0;
	s9 =	sor.u32 $0x100, s5;
	s10 =	sor.u32 $0x180, s5;
	s1 =	ssub.s32 s6, s25  }
0xa: {  	v2 =	vunpack.c.0.s8.s32 v2;
	v3 =	vunpack.c.0.s8.s32 v3;
	v4 =	vunpack.c.0.s8.s32 v4;
	s26 =	sshrl.u32 s7, $0x3;
	s28 =	sor.u32 s4, s8;
	s31 =	sor.u32 s4, s9  }
0xb: {  	v5 =	vunpack.c.0.s8.s32 v5;
	v6 =	vunpack.c.0.s8.s32 v6;
	v7 =	vunpack.c.0.s8.s32 v7;
	s12 =	sor.u32 s4, s10;
	s7 =	sadd.s32 s0, s26;
	s6 =	sadd.s32 s2, s26  }
0xc: {  	v1 =	vunpack.c.0.s8.s32 v1;
	s16 =	sshrl.u32 s12, $0x3;
	s17 =	smax.u32 s1, $0x1;
	v2 =	vcombine.low v3, v2;
	[dreg:$0x3] =	wrdreg s7  }
0xd: {  	v3 =	vcombine.low v5, v4;
	v4 =	vand.u32 $0xF, v0;
	v5 =	vcombine.low v7, v6;
	[dreg:$0x4] =	wrdreg s6;
	s6 =	sshrl.u32 s28, $0x3;
	s7 =	sshrl.u32 s31, $0x3  }
0xe: {  	v0 =	vimm.f32 $0.0e+00;
	s13 =	sadd.s32 s2, s16;
	s16 =	sadd.s32 s0, s16;
	v1 =	vcombine.low v4, v1;
	s11 =	sadd.s32 s2, s6;
	v2 =	vand.u32 $0xF, v2  }
0xf: {  	s12 =	sadd.s32 s2, s7;
	s14 =	sadd.s32 s0, s6;
	s15 =	sadd.s32 s0, s7;
	v3 =	vand.u32 $0xF, v3;
	v4 =	vand.u32 $0xF, v5;
	v5 =	vlaneseq.u32  }
.LBB2_1:
0x10: {  	s0 =	rddreg [dreg:$0x3]  }
0x11: {  	[tilespmem:s3], [sflag:$0x1] =	stream.strided.gather [hbm4b:s0+s18], $0x8000, s19, s18, $0x38;
	[tilespmem:$0x18080] =	vst v63  }
0x12: {  	s0 =	simm.s32 $0x10040  }
0x13: {  	[tilespmem:s0+$0xFFFFFFC0] =	vst v0  }
0x14: {  	[tilespmem:s0+$0x30] =	vst v0  }
0x15: {  	[tilespmem:s0+$0x20] =	vst v0  }
0x16: {  	[tilespmem:s0+$0x10] =	vst v0  }
0x17: {  	[tilespmem:s0+$0x0] =	vst v0  }
0x18: {  	[tilespmem:s0+$0xFFFFFFF0] =	vst v0  }
0x19: {  	s1 =	simm.s32 $0x0;
	[tilespmem:s0+$0xFFFFFFE0] =	vst v0  }
.LBB2_2:
0x1a: {  	s1 =	sadd.s32 $0x8, s1;
	[tilespmem:s0+$0xFFFFFFD0] =	vst v0;
	s0 =	sadd.s32 $0x80, s0  }
0x1b: {  	[tilespmem:s0+$0xFFFFFFC0] =	vst v0;
	p0 =	slt.u32 s1, $0x7F8  }
0x1c: {  	[tilespmem:s0+$0x30] =	vst v0  }
.Ltmp0:
0x1d: {  	[tilespmem:s0+$0x20] =	vst v0;
	(pc) =	sbr.rel @p0 .LBB2_2-.Ltmp0, $4  }
0x1e: {  	[tilespmem:s0+$0x10] =	vst v0  }
0x1f: {  	[tilespmem:s0+$0x0] =	vst v0  }
0x20: {  	[tilespmem:s0+$0xFFFFFFF0] =	vst v0  }
0x21: {  	[tilespmem:s0+$0xFFFFFFE0] =	vst v0  }
0x22: {  	[tilespmem:s0+$0xFFFFFFD0] =	vst v0;
	s31 =	rddreg [dreg:$0x4]  }
0x23: {  	[hbm4b:s31+s18] =	stream.strided.scatter [tilespmem:s20], [sflag:$0x2], $0x8000, s19, s18, $0x38;
	[tilespmem:$0x18080] =	vst v63  }
0x24: {  	_ = 	snop  }
0x25: {  	[hbm4b:s11+s18] =	stream.strided.scatter [tilespmem:s20], [sflag:$0x2], $0x8000, s19, s18, $0x38;
	[tilespmem:$0x18080] =	vst v63  }
0x26: {  	_ = 	snop  }
0x27: {  	[hbm4b:s12+s18] =	stream.strided.scatter [tilespmem:s20], [sflag:$0x2], $0x8000, s19, s18, $0x38;
	[tilespmem:$0x18080] =	vst v63  }
0x28: {  	_ = 	snop  }
0x29: {  	[hbm4b:s13+s18] =	stream.strided.scatter [tilespmem:s20], [sflag:$0x2], $0x8000, s19, s18, $0x38;
	[tilespmem:$0x18080] =	vst v63  }
0x2a: {  	_ =	swait.ge [sflag:s21], $0x8000  }
0x2b: {  	[sflag:s21] =	ssyncset.done $0x0  }
0x2c: {  	s0 =	simm.s32 $0x100;
	[sflag:s21] =	ssyncadd.s32 $0xFFFF8000  }
0x2d: {  	[tilespmem:s22], [sflag:$0x1] =	stream.strided.gather [hbm4b:s14+s18], $0x8000, s19, s18, $0x38;
	[tilespmem:$0x18080] =	vst v63  }
0x2e: {  	v7 =	vld [tilespmem:s0+$0xC0]  }
0x2f: {  	v6 =	vld [tilespmem:s0+$0xD0]  }
0x30: {  	v11 =	vld [tilespmem:s0+$0x80]  }
0x31: {  	v13 =	vld [tilespmem:s0+$0x90]  }
0x32: {  	v15 =	vld [tilespmem:s0+$0xA0]  }
0x33: {  	v16 =	vld [tilespmem:s0+$0xB0]  }
0x34: {  	v10 =	vld [tilespmem:s0+$0xFFFFFFC0]  }
0x35: {  	v12 =	vld [tilespmem:s0+$0xFFFFFFD0]  }
0x36: {  	v14 =	vld [tilespmem:s0+$0xFFFFFFE0]  }
0x37: {  	v19 =	vld [tilespmem:s0+$0x0]  }
0x38: {  	v20 =	vld [tilespmem:s0+$0x10]  }
0x39: {  	v21 =	vld [tilespmem:s0+$0x20]  }
0x3a: {  	v18 =	vld [tilespmem:s0+$0x30]  }
0x3b: {  	v23 =	vld [tilespmem:s0+$0x40]  }
0x3c: {  	v24 =	vld [tilespmem:s0+$0x50]  }
0x3d: {  	v26 =	vld [tilespmem:s0+$0x60]  }
0x3e: {  	v22 =	vld [tilespmem:s0+$0x70]  }
0x3f: {  	v17 =	vld [tilespmem:s0+$0xFFFFFF80]  }
0x40: {  	v30 =	vld [tilespmem:s0+$0xFFFFFF00]  }
0x41: {  	v31 =	vld [tilespmem:s0+$0xFFFFFF10]  }
0x42: {  	v27 =	vld [tilespmem:s0+$0xFFFFFF20]  }
0x43: {  	v29 =	vld [tilespmem:s0+$0xFFFFFF30]  }
0x44: {  	v34 =	vld [tilespmem:s0+$0xFFFFFF40]  }
0x45: {  	v35 =	vld [tilespmem:s0+$0xFFFFFF50]  }
0x46: {  	v32 =	vld [tilespmem:s0+$0xFFFFFF60]  }
0x47: {  	v33 =	vld [tilespmem:s0+$0xFFFFFF70]  }
0x48: {  	v25 =	vld [tilespmem:s0+$0xFFFFFF90]  }
0x49: {  	s1 =	simm.s32 $0x0;
	v9 =	vimm.f32 $-Inf;
	v8 =	vimm.s32 $0x0;
	s6 =	simm.s32 $0x2;
	v28 =	vld [tilespmem:s0+$0xFFFFFFA0]  }
.LBB2_4:
0x4a: {  	p0 =	slt.u32 s6, $0x7E;
	v36 =	vld [tilespmem:s0+$0xFFFFFFB0];
	v19 =	vmax.f32 v19, v23;
	v20 =	vmax.f32 v20, v24;
	v21 =	vmax.f32 v21, v26  }
0x4b: {  	v23 =	vmax.f32 v30, v34;
	v24 =	vmax.f32 v31, v35;
	v18 =	vmax.f32 v18, v22;
	v26 =	vld [tilespmem:s0+$0xFFFFFFF0]  }
0x4c: {  	v22 =	vmax.f32 v27, v32;
	v11 =	vmax.f32 v19, v11;
	v27 =	vmax.f32 v29, v33;
	v19 =	vld [tilespmem:s0+$0xE0]  }
0x4d: {  	v20 =	vmax.f32 v20, v13;
	v21 =	vmax.f32 v21, v15;
	v16 =	vmax.f32 v18, v16;
	v18 =	vld [tilespmem:s0+$0xF0];
	s0 =	sadd.s32 $0x200, s0  }
0x4e: {  	v13 =	vmax.f32 v23, v17;
	v15 =	vmax.f32 v24, v25;
	v29 =	vld [tilespmem:s0+$0xC0];
	v17 =	vmax.f32 v22, v28  }
0x4f: {  	v10 =	vmax.f32 v13, v10;
	v7 =	vmax.f32 v11, v7;
	v22 =	vld [tilespmem:s0+$0xD0];
	v23 =	vmax.f32 v27, v36  }
0x50: {  	v12 =	vmax.f32 v15, v12;
	v14 =	vmax.f32 v17, v14;
	v11 =	vld [tilespmem:s0+$0x80];
	v15 =	vmax.f32 v23, v26  }
0x51: {  	v6 =	vmax.f32 v20, v6;
	v10 =	vmax.f32 v10, v12;
	v13 =	vld [tilespmem:s0+$0x90];
	v12 =	vmax.f32 v14, v15  }
0x52: {  	v15 =	vld [tilespmem:s0+$0xA0];
	v12 =	vmax.f32 v10, v12;
	v10 =	vmax.f32 v21, v19;
	v14 =	vmax.f32 v16, v18  }
0x53: {  	v18 =	vmax.f32 v7, v6;
	v16 =	vld [tilespmem:s0+$0xB0];
	vm0 =	vgt.f32 v12, v9;
	v14 =	vmax.f32 v10, v14;
	v7 =	vmovc v29  }
0x54: {  	v10 =	vld [tilespmem:s0+$0xFFFFFFC0];
	v9 =	vsel vm0, v12, v9;
	v8 =	vsel vm0, s1, v8;
	v17 =	vmax.f32 v18, v14;
	v6 =	vmovc v22  }
0x55: {  	s7 =	sadd.s32 $0x1, s1;
	s1 =	smov.u32 s6;
	v12 =	vld [tilespmem:s0+$0xFFFFFFD0];
	vm0 =	vgt.f32 v17, v9  }
0x56: {  	v14 =	vld [tilespmem:s0+$0xFFFFFFE0];
	v9 =	vsel vm0, v17, v9;
	v8 =	vsel vm0, s7, v8  }
0x57: {  	v19 =	vld [tilespmem:s0+$0x0]  }
0x58: {  	v20 =	vld [tilespmem:s0+$0x10]  }
0x59: {  	v21 =	vld [tilespmem:s0+$0x20]  }
0x5a: {  	v18 =	vld [tilespmem:s0+$0x30]  }
0x5b: {  	v23 =	vld [tilespmem:s0+$0x40]  }
0x5c: {  	v24 =	vld [tilespmem:s0+$0x50]  }
0x5d: {  	v26 =	vld [tilespmem:s0+$0x60]  }
0x5e: {  	v22 =	vld [tilespmem:s0+$0x70]  }
0x5f: {  	v17 =	vld [tilespmem:s0+$0xFFFFFF80]  }
0x60: {  	v30 =	vld [tilespmem:s0+$0xFFFFFF00]  }
0x61: {  	v31 =	vld [tilespmem:s0+$0xFFFFFF10]  }
0x62: {  	v27 =	vld [tilespmem:s0+$0xFFFFFF20]  }
0x63: {  	v29 =	vld [tilespmem:s0+$0xFFFFFF30]  }
0x64: {  	v34 =	vld [tilespmem:s0+$0xFFFFFF40]  }
.Ltmp1:
0x65: {  	v35 =	vld [tilespmem:s0+$0xFFFFFF50];
	(pc) =	sbr.rel @p0 .LBB2_4-.Ltmp1, $4  }
0x66: {  	v32 =	vld [tilespmem:s0+$0xFFFFFF60]  }
0x67: {  	v33 =	vld [tilespmem:s0+$0xFFFFFF70]  }
0x68: {  	v25 =	vld [tilespmem:s0+$0xFFFFFF90]  }
0x69: {  	s6 =	sadd.s32 $0x2, s6;
	v28 =	vld [tilespmem:s0+$0xFFFFFFA0]  }
0x6a: {  	v36 =	vld [tilespmem:s0+$0xFFFFFFB0];
	v19 =	vmax.f32 v19, v23;
	v20 =	vmax.f32 v20, v24;
	v21 =	vmax.f32 v21, v26  }
0x6b: {  	v23 =	vmax.f32 v30, v34;
	v24 =	vmax.f32 v31, v35;
	v26 =	vld [tilespmem:s0+$0xFFFFFFF0];
	v18 =	vmax.f32 v18, v22  }
0x6c: {  	v22 =	vmax.f32 v27, v32;
	v11 =	vmax.f32 v19, v11;
	v19 =	vld [tilespmem:s0+$0xE0];
	v13 =	vmax.f32 v20, v13  }
0x6d: {  	v15 =	vmax.f32 v21, v15;
	v16 =	vmax.f32 v18, v16;
	v18 =	vld [tilespmem:s0+$0xF0];
	v17 =	vmax.f32 v23, v17  }
0x6e: {  	v27 =	vmax.f32 v29, v33;
	v10 =	vmax.f32 v17, v10;
	v7 =	vmax.f32 v11, v7  }
0x6f: {  	v20 =	vmax.f32 v24, v25;
	v21 =	vmax.f32 v22, v28;
	v22 =	vmax.f32 v27, v36  }
0x70: {  	v11 =	vmax.f32 v20, v12;
	v12 =	vmax.f32 v21, v14;
	v14 =	vmax.f32 v22, v26  }
0x71: {  	v6 =	vmax.f32 v13, v6;
	v10 =	vmax.f32 v10, v11;
	v11 =	vmax.f32 v12, v14  }
0x72: {  	v12 =	vmax.f32 v16, v18;
	v10 =	vmax.f32 v10, v11;
	v11 =	vmax.f32 v15, v19  }
0x73: {  	v6 =	vmax.f32 v7, v6;
	vm0 =	vgt.f32 v10, v9;
	v7 =	vmax.f32 v11, v12  }
0x74: {  	v9 =	vsel vm0, v10, v9;
	v6 =	vmax.f32 v6, v7  }
0x75: {  	v7 =	vsel vm0, s1, v8;
	s1 =	sadd.s32 $0x1, s1;
	vm11 =	vgt.f32 v6, v9  }
0x76: {  	v6 =	vsel vm11, v6, v9;
	v7 =	vsel vm11, s1, v7  }
0x77: {  	v8 =	vperm.xlane v6, v1;
	v9 =	vperm.xlane v7, v1;
	_ =	sdelay $0x1  }
0x78: {  	vm12 =	veq.f32 v8, v6;
	vm1 =	vlt.s32 v9, v7  }
0x79: {  	vm2 =	vgt.f32 v8, v6;
	vm0 =	vmand vm12, vm1  }
0x7a: {  	vm0 =	vmor vm2, vm0  }
0x7b: {  	v6 =	vsel vm0, v8, v6;
	v7 =	vsel vm0, v9, v7  }
0x7c: {  	v8 =	vperm.xlane v6, v2;
	v9 =	vperm.xlane v7, v2;
	_ =	sdelay $0x1  }
0x7d: {  	vm13 =	veq.f32 v8, v6;
	vm14 =	vlt.s32 v9, v7  }
0x7e: {  	vm15 =	vgt.f32 v8, v6;
	vm0 =	vmand vm13, vm14  }
0x7f: {  	vm0 =	vmor vm15, vm0  }
0x80: {  	v6 =	vsel vm0, v8, v6;
	v7 =	vsel vm0, v9, v7  }
0x81: {  	v8 =	vperm.xlane v6, v3;
	v9 =	vperm.xlane v7, v3;
	_ =	sdelay $0x1  }
0x82: {  	vm4 =	veq.f32 v8, v6;
	vm5 =	vlt.s32 v9, v7  }
0x83: {  	vm6 =	vgt.f32 v8, v6;
	vm0 =	vmand vm4, vm5  }
0x84: {  	vm0 =	vmor vm6, vm0  }
0x85: {  	v6 =	vsel vm0, v8, v6;
	v7 =	vsel vm0, v9, v7  }
0x86: {  	v8 =	vperm.xlane v6, v4;
	v9 =	vperm.xlane v7, v4;
	_ =	sdelay $0x1  }
0x87: {  	vm7 =	veq.f32 v8, v6;
	vm8 =	vlt.s32 v9, v7  }
0x88: {  	vm9 =	vgt.f32 v8, v6;
	vm0 =	vmand vm7, vm8  }
0x89: {  	vm0 =	vmor vm9, vm0  }
0x8a: {  	v7 =	vsel vm0, v9, v7  }
0x8b: {  	(v2sf) =	vpush v7, $0x0;
	_ =	sdelay $0xe  }
0x8c: {  	s6 =	spop (v2sf)  }
0x8d: {  	s0 =	sshll.u32 s6, $0x8  }
0x8e: {  	v7 =	vld [tilespmem:s0+$0x0];
	_ =	sdelay $0x1  }
0x8f: {  	v9 =	vld [tilespmem:s0+$0x10]  }
0x90: {  	v10 =	vor.u32 s0, v5;
	v11 =	vld [tilespmem:s0+$0x20]  }
0x91: {  	v6 =	vsel vm0, v8, v6;
	vm10 =	vlt.s32 v10, $0x40000000  }
0x92: {  	s7 =	sor.u32 $0x10, s0;
	v8 =	vld [tilespmem:s0+$0x30];
	vm11 =	veq.f32 v7, v6;
	v7 =	vnsel vm10, $0x40000000, v10  }
0x93: {  	v10 =	vor.u32 s7, v5;
	v7 =	vnsel vm11, $0x40000000, v7  }
0x94: {  	s24 =	sor.u32 $0x20, s0;
	vm12 =	veq.f32 v9, v6;
	v9 =	vld [tilespmem:s0+$0x40];
	vm1 =	vlt.s32 v7, v10  }
0x95: {  	v12 =	vor.u32 s24, v5;
	vm13 =	veq.f32 v11, v6;
	v10 =	vsel vm1, v7, v10  }
0x96: {  	s25 =	sor.u32 $0x30, s0;
	v11 =	vld [tilespmem:s0+$0x50];
	v7 =	vsel vm12, v10, v7;
	v10 =	vnsel vm13, $0x40000000, v12  }
0x97: {  	vm14 =	veq.f32 v8, v6;
	v12 =	vor.u32 s25, v5;
	vm0 =	vlt.s32 v7, v10  }
0x98: {  	s26 =	sor.u32 $0x40, s0;
	v8 =	vnsel vm14, $0x40000000, v12;
	v7 =	vsel vm0, v7, v10;
	v10 =	vld [tilespmem:s0+$0x60]  }
0x99: {  	v12 =	vor.u32 s26, v5;
	vm15 =	veq.f32 v9, v6;
	vm0 =	vlt.s32 v7, v8  }
0x9a: {  	s28 =	sor.u32 $0x50, s0;
	v9 =	vld [tilespmem:s0+$0x70];
	v7 =	vsel vm0, v7, v8;
	v8 =	vnsel vm15, $0x40000000, v12  }
0x9b: {  	vm4 =	veq.f32 v11, v6;
	v12 =	vor.u32 s28, v5;
	vm0 =	vlt.s32 v7, v8  }
0x9c: {  	s6 =	sor.u32 $0x60, s0;
	v11 =	vld [tilespmem:s0+$0x80];
	v7 =	vsel vm0, v7, v8;
	v8 =	vnsel vm4, $0x40000000, v12  }
0x9d: {  	v12 =	vor.u32 s6, v5;
	vm0 =	vlt.s32 v7, v8;
	vm5 =	veq.f32 v10, v6  }
0x9e: {  	s7 =	sor.u32 $0x70, s0;
	v10 =	vld [tilespmem:s0+$0x90];
	v7 =	vsel vm0, v7, v8;
	v8 =	vnsel vm5, $0x40000000, v12  }
0x9f: {  	vm6 =	veq.f32 v9, v6;
	v12 =	vor.u32 s7, v5;
	vm0 =	vlt.s32 v7, v8  }
0xa0: {  	s24 =	sor.u32 $0x80, s0;
	v9 =	vld [tilespmem:s0+$0xA0];
	v7 =	vsel vm0, v7, v8;
	v8 =	vnsel vm6, $0x40000000, v12  }
0xa1: {  	vm7 =	veq.f32 v11, v6;
	v12 =	vor.u32 s24, v5;
	vm0 =	vlt.s32 v7, v8  }
0xa2: {  	s25 =	sor.u32 $0x90, s0;
	v11 =	vld [tilespmem:s0+$0xB0];
	v7 =	vsel vm0, v7, v8;
	v8 =	vnsel vm7, $0x40000000, v12  }
0xa3: {  	v12 =	vor.u32 s25, v5;
	vm8 =	veq.f32 v10, v6;
	vm0 =	vlt.s32 v7, v8  }
0xa4: {  	s26 =	sor.u32 $0xA0, s0;
	v10 =	vld [tilespmem:s0+$0xC0];
	v7 =	vsel vm0, v7, v8;
	v8 =	vnsel vm8, $0x40000000, v12  }
0xa5: {  	vm9 =	veq.f32 v9, v6;
	v12 =	vor.u32 s26, v5;
	vm0 =	vlt.s32 v7, v8  }
0xa6: {  	s28 =	sor.u32 $0xB0, s0;
	v9 =	vld [tilespmem:s0+$0xD0];
	v7 =	vsel vm0, v7, v8;
	v8 =	vnsel vm9, $0x40000000, v12  }
0xa7: {  	vm10 =	veq.f32 v11, v6;
	v12 =	vor.u32 s28, v5;
	vm0 =	vlt.s32 v7, v8  }
0xa8: {  	s6 =	sor.u32 $0xC0, s0;
	v11 =	vld [tilespmem:s0+$0xE0];
	v7 =	vsel vm0, v7, v8;
	v8 =	vnsel vm10, $0x40000000, v12  }
0xa9: {  	vm11 =	veq.f32 v10, v6;
	v12 =	vor.u32 s6, v5;
	vm0 =	vlt.s32 v7, v8  }
0xaa: {  	s7 =	sor.u32 $0xD0, s0;
	v10 =	vld [tilespmem:s0+$0xF0];
	v7 =	vsel vm0, v7, v8;
	v8 =	vnsel vm11, $0x40000000, v12  }
0xab: {  	vm12 =	veq.f32 v9, v6;
	v12 =	vor.u32 s7, v5;
	vm0 =	vlt.s32 v7, v8  }
0xac: {  	s24 =	sor.u32 $0xE0, s0;
	v7 =	vsel vm0, v7, v8;
	v8 =	vnsel vm12, $0x40000000, v12  }
0xad: {  	v9 =	vor.u32 s24, v5;
	vm13 =	veq.f32 v11, v6;
	vm0 =	vlt.s32 v7, v8  }
0xae: {  	s0 =	sor.u32 $0xF0, s0;
	v7 =	vsel vm0, v7, v8;
	v8 =	vnsel vm13, $0x40000000, v9  }
0xaf: {  	vm14 =	veq.f32 v10, v6;
	v9 =	vor.u32 s0, v5;
	vm0 =	vlt.s32 v7, v8  }
0xb0: {  	v6 =	vsel vm0, v7, v8;
	v7 =	vnsel vm14, $0x40000000, v9  }
0xb1: {  	vm0 =	vlt.s32 v6, v7  }
0xb2: {  	v6 =	vsel vm0, v6, v7  }
0xb3: {  	v7 =	vperm.xlane v6, v1;
	_ =	sdelay $0x1  }
0xb4: {  	vm0 =	vlt.s32 v6, v7  }
0xb5: {  	v6 =	vsel vm0, v6, v7  }
0xb6: {  	v7 =	vperm.xlane v6, v2;
	_ =	sdelay $0x1  }
0xb7: {  	vm0 =	vlt.s32 v6, v7  }
0xb8: {  	v6 =	vsel vm0, v6, v7  }
0xb9: {  	v7 =	vperm.xlane v6, v3;
	_ =	sdelay $0x1  }
0xba: {  	vm0 =	vlt.s32 v6, v7  }
0xbb: {  	v6 =	vsel vm0, v6, v7  }
0xbc: {  	v7 =	vperm.xlane v6, v4;
	_ =	sdelay $0x1  }
0xbd: {  	vm0 =	vlt.s32 v6, v7  }
0xbe: {  	v6 =	vsel vm0, v6, v7  }
0xbf: {  	(v2sf) =	vpush v6, $0x0;
	_ =	sdelay $0xe  }
0xc0: {  	s25 =	spop (v2sf)  }
0xc1: {  	s26 =	sand.u32 $0xF, s25  }
0xc2: {  	s6 =	sshra.s32 s25, $0x1F;
	p0 =	slt.s32 s25, $0x1;
	p1 =	sne.s32 s26, $0x0  }
0xc3: {  	s28 =	sshrl.u32 s6, $0x1C;
	p0 =	por !p0, !p1  }
0xc4: {  	s6 =	simm.s32 $0x1;
	s0 =	sadd.s32 s28, s25;
	p0 =	por !p0, !p0  }
0xc5: {  	s0 =	sshra.s32 s0, $0x4;
	s6 =	simm.s32 @!p0 $0x0  }
0xc6: {  	s0 =	ssub.s32 s0, s6  }
0xc7: {  	s31 =	sshll.u32 s0, $0x4  }
0xc8: {  	s1 =	ssub.s32 s25, s31  }
0xc9: {  	v6 =	vmov s1  }
0xca: {  	vm15 =	veq.s32 v6, v5  }
0xcb: {  	v6 =	vsel vm15, $0x3F800000, v0  }
0xcc: {  	[tilespmem:$0x18000] =	vst v6  }
0xcd: {  	_ =	swait.ge [sflag:s21], $0x8000  }
0xce: {  	[sflag:s21] =	ssyncset.done $0x0  }
0xcf: {  	s24 =	simm.s32 $0x8100;
	s1 =	simm.s32 $0x0;
	[sflag:s21] =	ssyncadd.s32 $0xFFFF8000  }
0xd0: {  	[tilespmem:s1], [sflag:$0x1] =	stream.strided.gather [hbm4b:s15+s18], $0x8000, s19, s18, $0x38;
	[tilespmem:$0x18080] =	vst v63  }
0xd1: {  	v7 =	vld [tilespmem:s24+$0xC0]  }
0xd2: {  	v6 =	vld [tilespmem:s24+$0xD0]  }
0xd3: {  	v11 =	vld [tilespmem:s24+$0x80]  }
0xd4: {  	v13 =	vld [tilespmem:s24+$0x90]  }
0xd5: {  	v15 =	vld [tilespmem:s24+$0xA0]  }
0xd6: {  	v16 =	vld [tilespmem:s24+$0xB0]  }
0xd7: {  	v10 =	vld [tilespmem:s24+$0xFFFFFFC0]  }
0xd8: {  	v12 =	vld [tilespmem:s24+$0xFFFFFFD0]  }
0xd9: {  	v14 =	vld [tilespmem:s24+$0xFFFFFFE0]  }
0xda: {  	v19 =	vld [tilespmem:s24+$0x0]  }
0xdb: {  	v20 =	vld [tilespmem:s24+$0x10]  }
0xdc: {  	v21 =	vld [tilespmem:s24+$0x20]  }
0xdd: {  	v18 =	vld [tilespmem:s24+$0x30]  }
0xde: {  	v23 =	vld [tilespmem:s24+$0x40]  }
0xdf: {  	v24 =	vld [tilespmem:s24+$0x50]  }
0xe0: {  	v26 =	vld [tilespmem:s24+$0x60]  }
0xe1: {  	v22 =	vld [tilespmem:s24+$0x70]  }
0xe2: {  	v17 =	vld [tilespmem:s24+$0xFFFFFF80]  }
0xe3: {  	v30 =	vld [tilespmem:s24+$0xFFFFFF00]  }
0xe4: {  	v31 =	vld [tilespmem:s24+$0xFFFFFF10]  }
0xe5: {  	v28 =	vld [tilespmem:s24+$0xFFFFFF20]  }
0xe6: {  	v29 =	vld [tilespmem:s24+$0xFFFFFF30]  }
0xe7: {  	v34 =	vld [tilespmem:s24+$0xFFFFFF40]  }
0xe8: {  	v35 =	vld [tilespmem:s24+$0xFFFFFF50]  }
0xe9: {  	v32 =	vld [tilespmem:s24+$0xFFFFFF60]  }
0xea: {  	v33 =	vld [tilespmem:s24+$0xFFFFFF70]  }
0xeb: {  	v25 =	vld [tilespmem:s24+$0xFFFFFF90]  }
0xec: {  	v9 =	vimm.f32 $-Inf;
	v8 =	vimm.s32 $0x0;
	s6 =	simm.s32 $0x2;
	v27 =	vld [tilespmem:s24+$0xFFFFFFA0]  }
.LBB2_6:
0xed: {  	p0 =	slt.u32 s6, $0x7E;
	v36 =	vld [tilespmem:s24+$0xFFFFFFB0];
	v19 =	vmax.f32 v19, v23;
	v20 =	vmax.f32 v20, v24;
	v21 =	vmax.f32 v21, v26  }
0xee: {  	v23 =	vmax.f32 v30, v34;
	v24 =	vmax.f32 v31, v35;
	v18 =	vmax.f32 v18, v22;
	v26 =	vld [tilespmem:s24+$0xFFFFFFF0]  }
0xef: {  	v22 =	vmax.f32 v28, v32;
	v11 =	vmax.f32 v19, v11;
	v28 =	vmax.f32 v29, v33;
	v19 =	vld [tilespmem:s24+$0xE0]  }
0xf0: {  	v20 =	vmax.f32 v20, v13;
	v21 =	vmax.f32 v21, v15;
	v16 =	vmax.f32 v18, v16;
	v18 =	vld [tilespmem:s24+$0xF0];
	s24 =	sadd.s32 $0x200, s24  }
0xf1: {  	v13 =	vmax.f32 v23, v17;
	v15 =	vmax.f32 v24, v25;
	v29 =	vld [tilespmem:s24+$0xC0];
	v17 =	vmax.f32 v22, v27  }
0xf2: {  	v10 =	vmax.f32 v13, v10;
	v7 =	vmax.f32 v11, v7;
	v22 =	vld [tilespmem:s24+$0xD0];
	v23 =	vmax.f32 v28, v36  }
0xf3: {  	v12 =	vmax.f32 v15, v12;
	v14 =	vmax.f32 v17, v14;
	v11 =	vld [tilespmem:s24+$0x80];
	v15 =	vmax.f32 v23, v26  }
0xf4: {  	v6 =	vmax.f32 v20, v6;
	v10 =	vmax.f32 v10, v12;
	v13 =	vld [tilespmem:s24+$0x90];
	v12 =	vmax.f32 v14, v15  }
0xf5: {  	v15 =	vld [tilespmem:s24+$0xA0];
	v12 =	vmax.f32 v10, v12;
	v10 =	vmax.f32 v21, v19;
	v14 =	vmax.f32 v16, v18  }
0xf6: {  	v18 =	vmax.f32 v7, v6;
	v16 =	vld [tilespmem:s24+$0xB0];
	vm0 =	vgt.f32 v12, v9;
	v14 =	vmax.f32 v10, v14;
	v7 =	vmovc v29  }
0xf7: {  	v10 =	vld [tilespmem:s24+$0xFFFFFFC0];
	v9 =	vsel vm0, v12, v9;
	v8 =	vsel vm0, s1, v8;
	v17 =	vmax.f32 v18, v14;
	v6 =	vmovc v22  }
0xf8: {  	s7 =	sadd.s32 $0x1, s1;
	s1 =	smov.u32 s6;
	v12 =	vld [tilespmem:s24+$0xFFFFFFD0];
	vm0 =	vgt.f32 v17, v9  }
0xf9: {  	v14 =	vld [tilespmem:s24+$0xFFFFFFE0];
	v9 =	vsel vm0, v17, v9;
	v8 =	vsel vm0, s7, v8  }
0xfa: {  	v19 =	vld [tilespmem:s24+$0x0]  }
0xfb: {  	v20 =	vld [tilespmem:s24+$0x10]  }
0xfc: {  	v21 =	vld [tilespmem:s24+$0x20]  }
0xfd: {  	v18 =	vld [tilespmem:s24+$0x30]  }
0xfe: {  	v23 =	vld [tilespmem:s24+$0x40]  }
0xff: {  	v24 =	vld [tilespmem:s24+$0x50]  }
0x100: {  	v26 =	vld [tilespmem:s24+$0x60]  }
0x101: {  	v22 =	vld [tilespmem:s24+$0x70]  }
0x102: {  	v17 =	vld [tilespmem:s24+$0xFFFFFF80]  }
0x103: {  	v30 =	vld [tilespmem:s24+$0xFFFFFF00]  }
0x104: {  	v31 =	vld [tilespmem:s24+$0xFFFFFF10]  }
0x105: {  	v28 =	vld [tilespmem:s24+$0xFFFFFF20]  }
0x106: {  	v29 =	vld [tilespmem:s24+$0xFFFFFF30]  }
0x107: {  	v34 =	vld [tilespmem:s24+$0xFFFFFF40]  }
.Ltmp2:
0x108: {  	v35 =	vld [tilespmem:s24+$0xFFFFFF50];
	(pc) =	sbr.rel @p0 .LBB2_6-.Ltmp2, $4  }
0x109: {  	v32 =	vld [tilespmem:s24+$0xFFFFFF60]  }
0x10a: {  	v33 =	vld [tilespmem:s24+$0xFFFFFF70]  }
0x10b: {  	v25 =	vld [tilespmem:s24+$0xFFFFFF90]  }
0x10c: {  	s6 =	sadd.s32 $0x2, s6;
	v27 =	vld [tilespmem:s24+$0xFFFFFFA0]  }
0x10d: {  	v36 =	vld [tilespmem:s24+$0xFFFFFFB0];
	v19 =	vmax.f32 v19, v23;
	v20 =	vmax.f32 v20, v24;
	v21 =	vmax.f32 v21, v26  }
0x10e: {  	v23 =	vmax.f32 v30, v34;
	v24 =	vmax.f32 v31, v35;
	v26 =	vld [tilespmem:s24+$0xFFFFFFF0];
	v18 =	vmax.f32 v18, v22  }
0x10f: {  	v22 =	vmax.f32 v28, v32;
	v11 =	vmax.f32 v19, v11;
	v19 =	vld [tilespmem:s24+$0xE0];
	v13 =	vmax.f32 v20, v13  }
0x110: {  	v15 =	vmax.f32 v21, v15;
	v16 =	vmax.f32 v18, v16;
	v18 =	vld [tilespmem:s24+$0xF0];
	v17 =	vmax.f32 v23, v17  }
0x111: {  	v28 =	vmax.f32 v29, v33;
	v10 =	vmax.f32 v17, v10;
	v7 =	vmax.f32 v11, v7  }
0x112: {  	v20 =	vmax.f32 v24, v25;
	v21 =	vmax.f32 v22, v27;
	v22 =	vmax.f32 v28, v36  }
0x113: {  	v11 =	vmax.f32 v20, v12;
	v12 =	vmax.f32 v21, v14;
	v14 =	vmax.f32 v22, v26  }
0x114: {  	v6 =	vmax.f32 v13, v6;
	v10 =	vmax.f32 v10, v11;
	v11 =	vmax.f32 v12, v14  }
0x115: {  	v12 =	vmax.f32 v16, v18;
	v10 =	vmax.f32 v10, v11;
	v11 =	vmax.f32 v15, v19  }
0x116: {  	v6 =	vmax.f32 v7, v6;
	vm0 =	vgt.f32 v10, v9;
	v7 =	vmax.f32 v11, v12  }
0x117: {  	v9 =	vsel vm0, v10, v9;
	v6 =	vmax.f32 v6, v7  }
0x118: {  	s25 =	sadd.s32 $0x1, s1;
	v7 =	vsel vm0, s1, v8;
	vm11 =	vgt.f32 v6, v9  }
0x119: {  	v6 =	vsel vm11, v6, v9;
	v7 =	vsel vm11, s25, v7  }
0x11a: {  	v8 =	vperm.xlane v6, v1;
	v9 =	vperm.xlane v7, v1;
	_ =	sdelay $0x1  }
0x11b: {  	vm12 =	veq.f32 v8, v6;
	vm1 =	vlt.s32 v9, v7  }
0x11c: {  	vm2 =	vgt.f32 v8, v6;
	vm0 =	vmand vm12, vm1  }
0x11d: {  	vm0 =	vmor vm2, vm0  }
0x11e: {  	v6 =	vsel vm0, v8, v6;
	v7 =	vsel vm0, v9, v7  }
0x11f: {  	v8 =	vperm.xlane v6, v2;
	v9 =	vperm.xlane v7, v2;
	_ =	sdelay $0x1  }
0x120: {  	vm13 =	veq.f32 v8, v6;
	vm14 =	vlt.s32 v9, v7  }
0x121: {  	vm15 =	vgt.f32 v8, v6;
	vm0 =	vmand vm13, vm14  }
0x122: {  	vm0 =	vmor vm15, vm0  }
0x123: {  	v6 =	vsel vm0, v8, v6;
	v7 =	vsel vm0, v9, v7  }
0x124: {  	v8 =	vperm.xlane v6, v3;
	v9 =	vperm.xlane v7, v3;
	_ =	sdelay $0x1  }
0x125: {  	vm4 =	veq.f32 v8, v6;
	vm5 =	vlt.s32 v9, v7  }
0x126: {  	vm6 =	vgt.f32 v8, v6;
	vm0 =	vmand vm4, vm5  }
0x127: {  	vm0 =	vmor vm6, vm0  }
0x128: {  	v6 =	vsel vm0, v8, v6;
	v7 =	vsel vm0, v9, v7  }
0x129: {  	v8 =	vperm.xlane v6, v4;
	v9 =	vperm.xlane v7, v4;
	_ =	sdelay $0x1  }
0x12a: {  	vm7 =	veq.f32 v8, v6;
	vm8 =	vlt.s32 v9, v7  }
0x12b: {  	vm9 =	vgt.f32 v8, v6;
	vm0 =	vmand vm7, vm8  }
0x12c: {  	vm0 =	vmor vm9, vm0  }
0x12d: {  	v7 =	vsel vm0, v9, v7  }
0x12e: {  	(v2sf) =	vpush v7, $0x0;
	_ =	sdelay $0xe  }
0x12f: {  	s26 =	spop (v2sf)  }
0x130: {  	s1 =	sshll.u32 s26, $0x8  }
0x131: {  	v7 =	vld [tilespmem:s1+$0x8000];
	_ =	sdelay $0x1  }
0x132: {  	v9 =	vld [tilespmem:s1+$0x8010]  }
0x133: {  	v10 =	vor.u32 s1, v5;
	v11 =	vld [tilespmem:s1+$0x8020]  }
0x134: {  	v6 =	vsel vm0, v8, v6;
	vm10 =	vlt.s32 v10, $0x40000000  }
0x135: {  	s6 =	sor.u32 $0x10, s1;
	v8 =	vld [tilespmem:s1+$0x8030];
	vm11 =	veq.f32 v7, v6;
	v7 =	vnsel vm10, $0x40000000, v10  }
0x136: {  	v10 =	vor.u32 s6, v5;
	v7 =	vnsel vm11, $0x40000000, v7  }
0x137: {  	s28 =	sor.u32 $0x20, s1;
	vm12 =	veq.f32 v9, v6;
	v9 =	vld [tilespmem:s1+$0x8040];
	vm1 =	vlt.s32 v7, v10  }
0x138: {  	v12 =	vor.u32 s28, v5;
	vm13 =	veq.f32 v11, v6;
	v10 =	vsel vm1, v7, v10  }
0x139: {  	s7 =	sor.u32 $0x30, s1;
	v11 =	vld [tilespmem:s1+$0x8050];
	v7 =	vsel vm12, v10, v7;
	v10 =	vnsel vm13, $0x40000000, v12  }
0x13a: {  	vm14 =	veq.f32 v8, v6;
	v12 =	vor.u32 s7, v5;
	vm0 =	vlt.s32 v7, v10  }
0x13b: {  	s24 =	sor.u32 $0x40, s1;
	v8 =	vnsel vm14, $0x40000000, v12;
	v7 =	vsel vm0, v7, v10;
	v10 =	vld [tilespmem:s1+$0x8060]  }
0x13c: {  	v12 =	vor.u32 s24, v5;
	vm15 =	veq.f32 v9, v6;
	vm0 =	vlt.s32 v7, v8  }
0x13d: {  	s25 =	sor.u32 $0x50, s1;
	v9 =	vld [tilespmem:s1+$0x8070];
	v7 =	vsel vm0, v7, v8;
	v8 =	vnsel vm15, $0x40000000, v12  }
0x13e: {  	vm4 =	veq.f32 v11, v6;
	v12 =	vor.u32 s25, v5;
	vm0 =	vlt.s32 v7, v8  }
0x13f: {  	s26 =	sor.u32 $0x60, s1;
	v11 =	vld [tilespmem:s1+$0x8080];
	v7 =	vsel vm0, v7, v8;
	v8 =	vnsel vm4, $0x40000000, v12  }
0x140: {  	v12 =	vor.u32 s26, v5;
	vm0 =	vlt.s32 v7, v8;
	vm5 =	veq.f32 v10, v6  }
0x141: {  	s28 =	sor.u32 $0x70, s1;
	v10 =	vld [tilespmem:s1+$0x8090];
	v7 =	vsel vm0, v7, v8;
	v8 =	vnsel vm5, $0x40000000, v12  }
0x142: {  	vm6 =	veq.f32 v9, v6;
	v12 =	vor.u32 s28, v5;
	vm0 =	vlt.s32 v7, v8  }
0x143: {  	s7 =	sor.u32 $0x80, s1;
	v9 =	vld [tilespmem:s1+$0x80A0];
	v7 =	vsel vm0, v7, v8;
	v8 =	vnsel vm6, $0x40000000, v12  }
0x144: {  	vm7 =	veq.f32 v11, v6;
	v12 =	vor.u32 s7, v5;
	vm0 =	vlt.s32 v7, v8  }
0x145: {  	s24 =	sor.u32 $0x90, s1;
	v11 =	vld [tilespmem:s1+$0x80B0];
	v7 =	vsel vm0, v7, v8;
	v8 =	vnsel vm7, $0x40000000, v12  }
0x146: {  	v12 =	vor.u32 s24, v5;
	vm8 =	veq.f32 v10, v6;
	vm0 =	vlt.s32 v7, v8  }
0x147: {  	s25 =	sor.u32 $0xA0, s1;
	v10 =	vld [tilespmem:s1+$0x80C0];
	v7 =	vsel vm0, v7, v8;
	v8 =	vnsel vm8, $0x40000000, v12  }
0x148: {  	vm9 =	veq.f32 v9, v6;
	v12 =	vor.u32 s25, v5;
	vm0 =	vlt.s32 v7, v8  }
0x149: {  	s26 =	sor.u32 $0xB0, s1;
	v9 =	vld [tilespmem:s1+$0x80D0];
	v7 =	vsel vm0, v7, v8;
	v8 =	vnsel vm9, $0x40000000, v12  }
0x14a: {  	vm10 =	veq.f32 v11, v6;
	v12 =	vor.u32 s26, v5;
	vm0 =	vlt.s32 v7, v8  }
0x14b: {  	s28 =	sor.u32 $0xC0, s1;
	v11 =	vld [tilespmem:s1+$0x80E0];
	v7 =	vsel vm0, v7, v8;
	v8 =	vnsel vm10, $0x40000000, v12  }
0x14c: {  	vm11 =	veq.f32 v10, v6;
	v12 =	vor.u32 s28, v5;
	vm0 =	vlt.s32 v7, v8  }
0x14d: {  	s7 =	sor.u32 $0xD0, s1;
	v10 =	vld [tilespmem:s1+$0x80F0];
	v7 =	vsel vm0, v7, v8;
	v8 =	vnsel vm11, $0x40000000, v12  }
0x14e: {  	vm12 =	veq.f32 v9, v6;
	v12 =	vor.u32 s7, v5;
	vm0 =	vlt.s32 v7, v8  }
0x14f: {  	s24 =	sor.u32 $0xE0, s1;
	v7 =	vsel vm0, v7, v8;
	v8 =	vnsel vm12, $0x40000000, v12  }
0x150: {  	v9 =	vor.u32 s24, v5;
	vm13 =	veq.f32 v11, v6;
	vm0 =	vlt.s32 v7, v8  }
0x151: {  	s1 =	sor.u32 $0xF0, s1;
	v7 =	vsel vm0, v7, v8;
	v8 =	vnsel vm13, $0x40000000, v9  }
0x152: {  	vm14 =	veq.f32 v10, v6;
	v9 =	vor.u32 s1, v5;
	vm0 =	vlt.s32 v7, v8  }
0x153: {  	v6 =	vsel vm0, v7, v8;
	v7 =	vnsel vm14, $0x40000000, v9  }
0x154: {  	vm0 =	vlt.s32 v6, v7  }
0x155: {  	v6 =	vsel vm0, v6, v7  }
0x156: {  	v7 =	vperm.xlane v6, v1;
	_ =	sdelay $0x1  }
0x157: {  	vm0 =	vlt.s32 v6, v7  }
0x158: {  	v6 =	vsel vm0, v6, v7  }
0x159: {  	v7 =	vperm.xlane v6, v2;
	_ =	sdelay $0x1  }
0x15a: {  	vm0 =	vlt.s32 v6, v7  }
0x15b: {  	v6 =	vsel vm0, v6, v7  }
0x15c: {  	v7 =	vperm.xlane v6, v3;
	_ =	sdelay $0x1  }
0x15d: {  	vm0 =	vlt.s32 v6, v7  }
0x15e: {  	v6 =	vsel vm0, v6, v7  }
0x15f: {  	v7 =	vperm.xlane v6, v4;
	_ =	sdelay $0x1  }
0x160: {  	vm0 =	vlt.s32 v6, v7  }
0x161: {  	v6 =	vsel vm0, v6, v7  }
0x162: {  	(v2sf) =	vpush v6, $0x0;
	_ =	sdelay $0xe  }
0x163: {  	s25 =	spop (v2sf)  }
0x164: {  	s26 =	sand.u32 $0xF, s25  }
0x165: {  	s7 =	sshra.s32 s25, $0x1F;
	p0 =	slt.s32 s25, $0x1;
	p1 =	sne.s32 s26, $0x0  }
0x166: {  	s28 =	sshrl.u32 s7, $0x1C;
	p0 =	por !p0, !p1  }
0x167: {  	s7 =	simm.s32 $0x1;
	s1 =	sadd.s32 s28, s25;
	p0 =	por !p0, !p0  }
0x168: {  	s1 =	sshra.s32 s1, $0x4;
	s7 =	simm.s32 @!p0 $0x0  }
0x169: {  	s24 =	ssub.s32 s1, s7  }
0x16a: {  	s1 =	sshll.u32 s24, $0x4  }
0x16b: {  	s6 =	ssub.s32 s25, s1  }
0x16c: {  	v6 =	vmov s6  }
0x16d: {  	vm15 =	veq.s32 v6, v5  }
0x16e: {  	v6 =	vsel vm15, $0x3F800000, v0  }
0x16f: {  	[tilespmem:$0x18010] =	vst v6  }
0x170: {  	_ =	swait.ge [sflag:s21], $0x8000  }
0x171: {  	[sflag:s21] =	ssyncset.done $0x0  }
0x172: {  	s25 =	simm.s32 $0x100;
	[sflag:s21] =	ssyncadd.s32 $0xFFFF8000  }
0x173: {  	[tilespmem:s22], [sflag:$0x1] =	stream.strided.gather [hbm4b:s16+s18], $0x8000, s19, s18, $0x38;
	[tilespmem:$0x18080] =	vst v63  }
0x174: {  	v7 =	vld [tilespmem:s25+$0xC0]  }
0x175: {  	v6 =	vld [tilespmem:s25+$0xD0]  }
0x176: {  	v11 =	vld [tilespmem:s25+$0x80]  }
0x177: {  	v13 =	vld [tilespmem:s25+$0x90]  }
0x178: {  	v15 =	vld [tilespmem:s25+$0xA0]  }
0x179: {  	v16 =	vld [tilespmem:s25+$0xB0]  }
0x17a: {  	v10 =	vld [tilespmem:s25+$0xFFFFFFC0]  }
0x17b: {  	v12 =	vld [tilespmem:s25+$0xFFFFFFD0]  }
0x17c: {  	v14 =	vld [tilespmem:s25+$0xFFFFFFE0]  }
0x17d: {  	v19 =	vld [tilespmem:s25+$0x0]  }
0x17e: {  	v20 =	vld [tilespmem:s25+$0x10]  }
0x17f: {  	v21 =	vld [tilespmem:s25+$0x20]  }
0x180: {  	v18 =	vld [tilespmem:s25+$0x30]  }
0x181: {  	v23 =	vld [tilespmem:s25+$0x40]  }
0x182: {  	v24 =	vld [tilespmem:s25+$0x50]  }
0x183: {  	v26 =	vld [tilespmem:s25+$0x60]  }
0x184: {  	v22 =	vld [tilespmem:s25+$0x70]  }
0x185: {  	v17 =	vld [tilespmem:s25+$0xFFFFFF80]  }
0x186: {  	v30 =	vld [tilespmem:s25+$0xFFFFFF00]  }
0x187: {  	v31 =	vld [tilespmem:s25+$0xFFFFFF10]  }
0x188: {  	v27 =	vld [tilespmem:s25+$0xFFFFFF20]  }
0x189: {  	v29 =	vld [tilespmem:s25+$0xFFFFFF30]  }
0x18a: {  	v34 =	vld [tilespmem:s25+$0xFFFFFF40]  }
0x18b: {  	v35 =	vld [tilespmem:s25+$0xFFFFFF50]  }
0x18c: {  	v32 =	vld [tilespmem:s25+$0xFFFFFF60]  }
0x18d: {  	v33 =	vld [tilespmem:s25+$0xFFFFFF70]  }
0x18e: {  	v25 =	vld [tilespmem:s25+$0xFFFFFF90]  }
0x18f: {  	v9 =	vimm.f32 $-Inf;
	v8 =	vimm.s32 $0x0;
	s26 =	simm.s32 $0x0;
	s6 =	simm.s32 $0x2;
	v28 =	vld [tilespmem:s25+$0xFFFFFFA0]  }
.LBB2_8:
0x190: {  	p0 =	slt.u32 s6, $0x7E;
	v36 =	vld [tilespmem:s25+$0xFFFFFFB0];
	v19 =	vmax.f32 v19, v23;
	v20 =	vmax.f32 v20, v24;
	v21 =	vmax.f32 v21, v26  }
0x191: {  	v23 =	vmax.f32 v30, v34;
	v24 =	vmax.f32 v31, v35;
	v18 =	vmax.f32 v18, v22;
	v26 =	vld [tilespmem:s25+$0xFFFFFFF0]  }
0x192: {  	v22 =	vmax.f32 v27, v32;
	v11 =	vmax.f32 v19, v11;
	v27 =	vmax.f32 v29, v33;
	v19 =	vld [tilespmem:s25+$0xE0]  }
0x193: {  	v20 =	vmax.f32 v20, v13;
	v21 =	vmax.f32 v21, v15;
	v16 =	vmax.f32 v18, v16;
	v18 =	vld [tilespmem:s25+$0xF0];
	s25 =	sadd.s32 $0x200, s25  }
0x194: {  	v13 =	vmax.f32 v23, v17;
	v15 =	vmax.f32 v24, v25;
	v29 =	vld [tilespmem:s25+$0xC0];
	v17 =	vmax.f32 v22, v28  }
0x195: {  	v10 =	vmax.f32 v13, v10;
	v7 =	vmax.f32 v11, v7;
	v22 =	vld [tilespmem:s25+$0xD0];
	v23 =	vmax.f32 v27, v36  }
0x196: {  	v12 =	vmax.f32 v15, v12;
	v14 =	vmax.f32 v17, v14;
	v11 =	vld [tilespmem:s25+$0x80];
	v15 =	vmax.f32 v23, v26  }
0x197: {  	v6 =	vmax.f32 v20, v6;
	v10 =	vmax.f32 v10, v12;
	v13 =	vld [tilespmem:s25+$0x90];
	v12 =	vmax.f32 v14, v15  }
0x198: {  	v15 =	vld [tilespmem:s25+$0xA0];
	v12 =	vmax.f32 v10, v12;
	v10 =	vmax.f32 v21, v19;
	v14 =	vmax.f32 v16, v18  }
0x199: {  	v18 =	vmax.f32 v7, v6;
	v16 =	vld [tilespmem:s25+$0xB0];
	vm0 =	vgt.f32 v12, v9;
	v14 =	vmax.f32 v10, v14;
	v7 =	vmovc v29  }
0x19a: {  	v10 =	vld [tilespmem:s25+$0xFFFFFFC0];
	v9 =	vsel vm0, v12, v9;
	v8 =	vsel vm0, s26, v8;
	v17 =	vmax.f32 v18, v14;
	v6 =	vmovc v22  }
0x19b: {  	s7 =	sadd.s32 $0x1, s26;
	s26 =	smov.u32 s6;
	v12 =	vld [tilespmem:s25+$0xFFFFFFD0];
	vm0 =	vgt.f32 v17, v9  }
0x19c: {  	v14 =	vld [tilespmem:s25+$0xFFFFFFE0];
	v9 =	vsel vm0, v17, v9;
	v8 =	vsel vm0, s7, v8  }
0x19d: {  	v19 =	vld [tilespmem:s25+$0x0]  }
0x19e: {  	v20 =	vld [tilespmem:s25+$0x10]  }
0x19f: {  	v21 =	vld [tilespmem:s25+$0x20]  }
0x1a0: {  	v18 =	vld [tilespmem:s25+$0x30]  }
0x1a1: {  	v23 =	vld [tilespmem:s25+$0x40]  }
0x1a2: {  	v24 =	vld [tilespmem:s25+$0x50]  }
0x1a3: {  	v26 =	vld [tilespmem:s25+$0x60]  }
0x1a4: {  	v22 =	vld [tilespmem:s25+$0x70]  }
0x1a5: {  	v17 =	vld [tilespmem:s25+$0xFFFFFF80]  }
0x1a6: {  	v30 =	vld [tilespmem:s25+$0xFFFFFF00]  }
0x1a7: {  	v31 =	vld [tilespmem:s25+$0xFFFFFF10]  }
0x1a8: {  	v27 =	vld [tilespmem:s25+$0xFFFFFF20]  }
0x1a9: {  	v29 =	vld [tilespmem:s25+$0xFFFFFF30]  }
0x1aa: {  	v34 =	vld [tilespmem:s25+$0xFFFFFF40]  }
.Ltmp3:
0x1ab: {  	v35 =	vld [tilespmem:s25+$0xFFFFFF50];
	(pc) =	sbr.rel @p0 .LBB2_8-.Ltmp3, $4  }
0x1ac: {  	v32 =	vld [tilespmem:s25+$0xFFFFFF60]  }
0x1ad: {  	v33 =	vld [tilespmem:s25+$0xFFFFFF70]  }
0x1ae: {  	v25 =	vld [tilespmem:s25+$0xFFFFFF90]  }
0x1af: {  	s6 =	sadd.s32 $0x2, s6;
	v28 =	vld [tilespmem:s25+$0xFFFFFFA0]  }
0x1b0: {  	v36 =	vld [tilespmem:s25+$0xFFFFFFB0];
	v19 =	vmax.f32 v19, v23;
	v20 =	vmax.f32 v20, v24;
	v21 =	vmax.f32 v21, v26  }
0x1b1: {  	v23 =	vmax.f32 v30, v34;
	v24 =	vmax.f32 v31, v35;
	v26 =	vld [tilespmem:s25+$0xFFFFFFF0];
	v18 =	vmax.f32 v18, v22  }
0x1b2: {  	v22 =	vmax.f32 v27, v32;
	v11 =	vmax.f32 v19, v11;
	v19 =	vld [tilespmem:s25+$0xE0];
	v13 =	vmax.f32 v20, v13  }
0x1b3: {  	v15 =	vmax.f32 v21, v15;
	v16 =	vmax.f32 v18, v16;
	v18 =	vld [tilespmem:s25+$0xF0];
	v17 =	vmax.f32 v23, v17  }
0x1b4: {  	v27 =	vmax.f32 v29, v33;
	v10 =	vmax.f32 v17, v10;
	v7 =	vmax.f32 v11, v7  }
0x1b5: {  	v20 =	vmax.f32 v24, v25;
	v21 =	vmax.f32 v22, v28;
	v22 =	vmax.f32 v27, v36  }
0x1b6: {  	v11 =	vmax.f32 v20, v12;
	v12 =	vmax.f32 v21, v14;
	v14 =	vmax.f32 v22, v26  }
0x1b7: {  	v6 =	vmax.f32 v13, v6;
	v10 =	vmax.f32 v10, v11;
	v11 =	vmax.f32 v12, v14  }
0x1b8: {  	v12 =	vmax.f32 v16, v18;
	v10 =	vmax.f32 v10, v11;
	v11 =	vmax.f32 v15, v19  }
0x1b9: {  	v6 =	vmax.f32 v7, v6;
	vm0 =	vgt.f32 v10, v9;
	v7 =	vmax.f32 v11, v12  }
0x1ba: {  	v9 =	vsel vm0, v10, v9;
	v6 =	vmax.f32 v6, v7  }
0x1bb: {  	s6 =	sadd.s32 $0x1, s26;
	v7 =	vsel vm0, s26, v8;
	vm11 =	vgt.f32 v6, v9  }
0x1bc: {  	v6 =	vsel vm11, v6, v9;
	v7 =	vsel vm11, s6, v7  }
0x1bd: {  	v8 =	vperm.xlane v6, v1;
	v9 =	vperm.xlane v7, v1;
	_ =	sdelay $0x1  }
0x1be: {  	vm12 =	veq.f32 v8, v6;
	vm1 =	vlt.s32 v9, v7  }
0x1bf: {  	vm2 =	vgt.f32 v8, v6;
	vm0 =	vmand vm12, vm1  }
0x1c0: {  	vm0 =	vmor vm2, vm0  }
0x1c1: {  	v6 =	vsel vm0, v8, v6;
	v7 =	vsel vm0, v9, v7  }
0x1c2: {  	v8 =	vperm.xlane v6, v2;
	v9 =	vperm.xlane v7, v2;
	_ =	sdelay $0x1  }
0x1c3: {  	vm13 =	veq.f32 v8, v6;
	vm14 =	vlt.s32 v9, v7  }
0x1c4: {  	vm15 =	vgt.f32 v8, v6;
	vm0 =	vmand vm13, vm14  }
0x1c5: {  	vm0 =	vmor vm15, vm0  }
0x1c6: {  	v6 =	vsel vm0, v8, v6;
	v7 =	vsel vm0, v9, v7  }
0x1c7: {  	v8 =	vperm.xlane v6, v3;
	v9 =	vperm.xlane v7, v3;
	_ =	sdelay $0x1  }
0x1c8: {  	vm4 =	veq.f32 v8, v6;
	vm5 =	vlt.s32 v9, v7  }
0x1c9: {  	vm6 =	vgt.f32 v8, v6;
	vm0 =	vmand vm4, vm5  }
0x1ca: {  	vm0 =	vmor vm6, vm0  }
0x1cb: {  	v6 =	vsel vm0, v8, v6;
	v7 =	vsel vm0, v9, v7  }
0x1cc: {  	v8 =	vperm.xlane v6, v4;
	v9 =	vperm.xlane v7, v4;
	_ =	sdelay $0x1  }
0x1cd: {  	vm7 =	veq.f32 v8, v6;
	vm8 =	vlt.s32 v9, v7  }
0x1ce: {  	vm9 =	vgt.f32 v8, v6;
	vm0 =	vmand vm7, vm8  }
0x1cf: {  	vm0 =	vmor vm9, vm0  }
0x1d0: {  	v7 =	vsel vm0, v9, v7  }
0x1d1: {  	(v2sf) =	vpush v7, $0x0;
	_ =	sdelay $0xe  }
0x1d2: {  	s22 =	spop (v2sf)  }
0x1d3: {  	s6 =	sshll.u32 s22, $0x8  }
0x1d4: {  	v7 =	vld [tilespmem:s6+$0x0];
	_ =	sdelay $0x1  }
0x1d5: {  	v9 =	vld [tilespmem:s6+$0x10]  }
0x1d6: {  	v10 =	vor.u32 s6, v5;
	v11 =	vld [tilespmem:s6+$0x20]  }
0x1d7: {  	v6 =	vsel vm0, v8, v6;
	vm10 =	vlt.s32 v10, $0x40000000  }
0x1d8: {  	s7 =	sor.u32 $0x10, s6;
	v8 =	vld [tilespmem:s6+$0x30];
	vm11 =	veq.f32 v7, v6;
	v7 =	vnsel vm10, $0x40000000, v10  }
0x1d9: {  	v10 =	vor.u32 s7, v5;
	v7 =	vnsel vm11, $0x40000000, v7  }
0x1da: {  	s25 =	sor.u32 $0x20, s6;
	vm12 =	veq.f32 v9, v6;
	v9 =	vld [tilespmem:s6+$0x40];
	vm1 =	vlt.s32 v7, v10  }
0x1db: {  	v12 =	vor.u32 s25, v5;
	vm13 =	veq.f32 v11, v6;
	v10 =	vsel vm1, v7, v10  }
0x1dc: {  	s26 =	sor.u32 $0x30, s6;
	v11 =	vld [tilespmem:s6+$0x50];
	v7 =	vsel vm12, v10, v7;
	v10 =	vnsel vm13, $0x40000000, v12  }
0x1dd: {  	vm14 =	veq.f32 v8, v6;
	v12 =	vor.u32 s26, v5;
	vm0 =	vlt.s32 v7, v10  }
0x1de: {  	s22 =	sor.u32 $0x40, s6;
	v8 =	vnsel vm14, $0x40000000, v12;
	v7 =	vsel vm0, v7, v10;
	v10 =	vld [tilespmem:s6+$0x60]  }
0x1df: {  	v12 =	vor.u32 s22, v5;
	vm15 =	veq.f32 v9, v6;
	vm0 =	vlt.s32 v7, v8  }
0x1e0: {  	s25 =	sor.u32 $0x50, s6;
	v9 =	vld [tilespmem:s6+$0x70];
	v7 =	vsel vm0, v7, v8;
	v8 =	vnsel vm15, $0x40000000, v12  }
0x1e1: {  	vm4 =	veq.f32 v11, v6;
	v12 =	vor.u32 s25, v5;
	vm0 =	vlt.s32 v7, v8  }
0x1e2: {  	s26 =	sor.u32 $0x60, s6;
	v11 =	vld [tilespmem:s6+$0x80];
	v7 =	vsel vm0, v7, v8;
	v8 =	vnsel vm4, $0x40000000, v12  }
0x1e3: {  	v12 =	vor.u32 s26, v5;
	vm0 =	vlt.s32 v7, v8;
	vm5 =	veq.f32 v10, v6  }
0x1e4: {  	s22 =	sor.u32 $0x70, s6;
	v10 =	vld [tilespmem:s6+$0x90];
	v7 =	vsel vm0, v7, v8;
	v8 =	vnsel vm5, $0x40000000, v12  }
0x1e5: {  	vm6 =	veq.f32 v9, v6;
	v12 =	vor.u32 s22, v5;
	vm0 =	vlt.s32 v7, v8  }
0x1e6: {  	s25 =	sor.u32 $0x80, s6;
	v9 =	vld [tilespmem:s6+$0xA0];
	v7 =	vsel vm0, v7, v8;
	v8 =	vnsel vm6, $0x40000000, v12  }
0x1e7: {  	vm7 =	veq.f32 v11, v6;
	v12 =	vor.u32 s25, v5;
	vm0 =	vlt.s32 v7, v8  }
0x1e8: {  	s26 =	sor.u32 $0x90, s6;
	v11 =	vld [tilespmem:s6+$0xB0];
	v7 =	vsel vm0, v7, v8;
	v8 =	vnsel vm7, $0x40000000, v12  }
0x1e9: {  	v12 =	vor.u32 s26, v5;
	vm8 =	veq.f32 v10, v6;
	vm0 =	vlt.s32 v7, v8  }
0x1ea: {  	s22 =	sor.u32 $0xA0, s6;
	v10 =	vld [tilespmem:s6+$0xC0];
	v7 =	vsel vm0, v7, v8;
	v8 =	vnsel vm8, $0x40000000, v12  }
0x1eb: {  	vm9 =	veq.f32 v9, v6;
	v12 =	vor.u32 s22, v5;
	vm0 =	vlt.s32 v7, v8  }
0x1ec: {  	s25 =	sor.u32 $0xB0, s6;
	v9 =	vld [tilespmem:s6+$0xD0];
	v7 =	vsel vm0, v7, v8;
	v8 =	vnsel vm9, $0x40000000, v12  }
0x1ed: {  	vm10 =	veq.f32 v11, v6;
	v12 =	vor.u32 s25, v5;
	vm0 =	vlt.s32 v7, v8  }
0x1ee: {  	v11 =	vld [tilespmem:s6+$0xE0];
	s26 =	sor.u32 $0xC0, s6;
	v7 =	vsel vm0, v7, v8;
	v8 =	vnsel vm10, $0x40000000, v12  }
0x1ef: {  	vm11 =	veq.f32 v10, v6;
	v12 =	vor.u32 s26, v5;
	vm0 =	vlt.s32 v7, v8  }
0x1f0: {  	s22 =	sor.u32 $0xD0, s6;
	v10 =	vld [tilespmem:s6+$0xF0];
	v7 =	vsel vm0, v7, v8;
	v8 =	vnsel vm11, $0x40000000, v12  }
0x1f1: {  	vm12 =	veq.f32 v9, v6;
	v12 =	vor.u32 s22, v5;
	vm0 =	vlt.s32 v7, v8  }
0x1f2: {  	s25 =	sor.u32 $0xE0, s6;
	v7 =	vsel vm0, v7, v8;
	v8 =	vnsel vm12, $0x40000000, v12  }
0x1f3: {  	vm13 =	veq.f32 v11, v6;
	v9 =	vor.u32 s25, v5;
	vm0 =	vlt.s32 v7, v8  }
0x1f4: {  	s6 =	sor.u32 $0xF0, s6;
	v7 =	vsel vm0, v7, v8;
	v8 =	vnsel vm13, $0x40000000, v9  }
0x1f5: {  	vm14 =	veq.f32 v10, v6;
	v9 =	vor.u32 s6, v5;
	vm0 =	vlt.s32 v7, v8  }
0x1f6: {  	v6 =	vsel vm0, v7, v8;
	v7 =	vnsel vm14, $0x40000000, v9  }
0x1f7: {  	vm0 =	vlt.s32 v6, v7  }
0x1f8: {  	v6 =	vsel vm0, v6, v7  }
0x1f9: {  	v7 =	vperm.xlane v6, v1;
	_ =	sdelay $0x1  }
0x1fa: {  	vm0 =	vlt.s32 v6, v7  }
0x1fb: {  	v6 =	vsel vm0, v6, v7  }
0x1fc: {  	v7 =	vperm.xlane v6, v2;
	_ =	sdelay $0x1  }
0x1fd: {  	vm0 =	vlt.s32 v6, v7  }
0x1fe: {  	v6 =	vsel vm0, v6, v7  }
0x1ff: {  	v7 =	vperm.xlane v6, v3;
	_ =	sdelay $0x1  }
0x200: {  	vm0 =	vlt.s32 v6, v7  }
0x201: {  	v6 =	vsel vm0, v6, v7  }
0x202: {  	v7 =	vperm.xlane v6, v4;
	_ =	sdelay $0x1  }
0x203: {  	vm0 =	vlt.s32 v6, v7  }
0x204: {  	v6 =	vsel vm0, v6, v7  }
0x205: {  	(v2sf) =	vpush v6, $0x0;
	_ =	sdelay $0xe  }
0x206: {  	s6 =	spop (v2sf)  }
0x207: {  	s26 =	sand.u32 $0xF, s6  }
0x208: {  	s22 =	sshra.s32 s6, $0x1F;
	p0 =	slt.s32 s6, $0x1;
	p1 =	sne.s32 s26, $0x0  }
0x209: {  	s26 =	sshrl.u32 s22, $0x1C;
	p0 =	por !p0, !p1  }
0x20a: {  	s25 =	simm.s32 $0x1;
	s7 =	sadd.s32 s26, s6;
	p0 =	por !p0, !p0  }
0x20b: {  	s7 =	sshra.s32 s7, $0x4;
	s25 =	simm.s32 @!p0 $0x0  }
0x20c: {  	s26 =	ssub.s32 s7, s25  }
0x20d: {  	s25 =	sshll.u32 s26, $0x4  }
0x20e: {  	s6 =	ssub.s32 s6, s25  }
0x20f: {  	v6 =	vmov s6  }
0x210: {  	vm15 =	veq.s32 v6, v5  }
0x211: {  	v6 =	vsel vm15, $0x3F800000, v0  }
0x212: {  	[tilespmem:$0x18020] =	vst v6  }
0x213: {  	_ =	swait.ge [sflag:s21], $0x8000  }
0x214: {  	[sflag:s21] =	ssyncset.done $0x0  }
0x215: {  	s28 =	simm.s32 $0x8100;
	[sflag:s21] =	ssyncadd.s32 $0xFFFF8000  }
0x216: {  	v7 =	vld [tilespmem:s28+$0xC0]  }
0x217: {  	v6 =	vld [tilespmem:s28+$0xD0]  }
0x218: {  	v11 =	vld [tilespmem:s28+$0x80]  }
0x219: {  	v13 =	vld [tilespmem:s28+$0x90]  }
0x21a: {  	v15 =	vld [tilespmem:s28+$0xA0]  }
0x21b: {  	v16 =	vld [tilespmem:s28+$0xB0]  }
0x21c: {  	v10 =	vld [tilespmem:s28+$0xFFFFFFC0]  }
0x21d: {  	v12 =	vld [tilespmem:s28+$0xFFFFFFD0]  }
0x21e: {  	v14 =	vld [tilespmem:s28+$0xFFFFFFE0]  }
0x21f: {  	v19 =	vld [tilespmem:s28+$0x0]  }
0x220: {  	v20 =	vld [tilespmem:s28+$0x10]  }
0x221: {  	v21 =	vld [tilespmem:s28+$0x20]  }
0x222: {  	v18 =	vld [tilespmem:s28+$0x30]  }
0x223: {  	v23 =	vld [tilespmem:s28+$0x40]  }
0x224: {  	v24 =	vld [tilespmem:s28+$0x50]  }
0x225: {  	v26 =	vld [tilespmem:s28+$0x60]  }
0x226: {  	v22 =	vld [tilespmem:s28+$0x70]  }
0x227: {  	v17 =	vld [tilespmem:s28+$0xFFFFFF80]  }
0x228: {  	v30 =	vld [tilespmem:s28+$0xFFFFFF00]  }
0x229: {  	v31 =	vld [tilespmem:s28+$0xFFFFFF10]  }
0x22a: {  	v27 =	vld [tilespmem:s28+$0xFFFFFF20]  }
0x22b: {  	v29 =	vld [tilespmem:s28+$0xFFFFFF30]  }
0x22c: {  	v34 =	vld [tilespmem:s28+$0xFFFFFF40]  }
0x22d: {  	v35 =	vld [tilespmem:s28+$0xFFFFFF50]  }
0x22e: {  	v32 =	vld [tilespmem:s28+$0xFFFFFF60]  }
0x22f: {  	v33 =	vld [tilespmem:s28+$0xFFFFFF70]  }
0x230: {  	v25 =	vld [tilespmem:s28+$0xFFFFFF90]  }
0x231: {  	v9 =	vimm.f32 $-Inf;
	v8 =	vimm.s32 $0x0;
	s7 =	simm.s32 $0x2;
	s6 =	simm.s32 $0x0;
	v28 =	vld [tilespmem:s28+$0xFFFFFFA0]  }
.LBB2_10:
0x232: {  	p0 =	slt.u32 s7, $0x7E;
	v36 =	vld [tilespmem:s28+$0xFFFFFFB0];
	v19 =	vmax.f32 v19, v23;
	v20 =	vmax.f32 v20, v24;
	v21 =	vmax.f32 v21, v26  }
0x233: {  	v23 =	vmax.f32 v30, v34;
	v24 =	vmax.f32 v31, v35;
	v18 =	vmax.f32 v18, v22;
	v26 =	vld [tilespmem:s28+$0xFFFFFFF0]  }
0x234: {  	v22 =	vmax.f32 v27, v32;
	v11 =	vmax.f32 v19, v11;
	v27 =	vmax.f32 v29, v33;
	v19 =	vld [tilespmem:s28+$0xE0]  }
0x235: {  	v20 =	vmax.f32 v20, v13;
	v21 =	vmax.f32 v21, v15;
	v16 =	vmax.f32 v18, v16;
	v18 =	vld [tilespmem:s28+$0xF0];
	s28 =	sadd.s32 $0x200, s28  }
0x236: {  	v13 =	vmax.f32 v23, v17;
	v15 =	vmax.f32 v24, v25;
	v29 =	vld [tilespmem:s28+$0xC0];
	v17 =	vmax.f32 v22, v28  }
0x237: {  	v10 =	vmax.f32 v13, v10;
	v7 =	vmax.f32 v11, v7;
	v22 =	vld [tilespmem:s28+$0xD0];
	v23 =	vmax.f32 v27, v36  }
0x238: {  	v12 =	vmax.f32 v15, v12;
	v14 =	vmax.f32 v17, v14;
	v11 =	vld [tilespmem:s28+$0x80];
	v15 =	vmax.f32 v23, v26  }
0x239: {  	v6 =	vmax.f32 v20, v6;
	v10 =	vmax.f32 v10, v12;
	v13 =	vld [tilespmem:s28+$0x90];
	v12 =	vmax.f32 v14, v15  }
0x23a: {  	v15 =	vld [tilespmem:s28+$0xA0];
	v12 =	vmax.f32 v10, v12;
	v10 =	vmax.f32 v21, v19;
	v14 =	vmax.f32 v16, v18  }
0x23b: {  	v18 =	vmax.f32 v7, v6;
	v16 =	vld [tilespmem:s28+$0xB0];
	vm0 =	vgt.f32 v12, v9;
	v14 =	vmax.f32 v10, v14;
	v7 =	vmovc v29  }
0x23c: {  	v10 =	vld [tilespmem:s28+$0xFFFFFFC0];
	v9 =	vsel vm0, v12, v9;
	v8 =	vsel vm0, s6, v8;
	v17 =	vmax.f32 v18, v14;
	v6 =	vmovc v22  }
0x23d: {  	s22 =	sadd.s32 $0x1, s6;
	s6 =	smov.u32 s7;
	v12 =	vld [tilespmem:s28+$0xFFFFFFD0];
	vm0 =	vgt.f32 v17, v9  }
0x23e: {  	v14 =	vld [tilespmem:s28+$0xFFFFFFE0];
	v9 =	vsel vm0, v17, v9;
	v8 =	vsel vm0, s22, v8  }
0x23f: {  	v19 =	vld [tilespmem:s28+$0x0]  }
0x240: {  	v20 =	vld [tilespmem:s28+$0x10]  }
0x241: {  	v21 =	vld [tilespmem:s28+$0x20]  }
0x242: {  	v18 =	vld [tilespmem:s28+$0x30]  }
0x243: {  	v23 =	vld [tilespmem:s28+$0x40]  }
0x244: {  	v24 =	vld [tilespmem:s28+$0x50]  }
0x245: {  	v26 =	vld [tilespmem:s28+$0x60]  }
0x246: {  	v22 =	vld [tilespmem:s28+$0x70]  }
0x247: {  	v17 =	vld [tilespmem:s28+$0xFFFFFF80]  }
0x248: {  	v30 =	vld [tilespmem:s28+$0xFFFFFF00]  }
0x249: {  	v31 =	vld [tilespmem:s28+$0xFFFFFF10]  }
0x24a: {  	v27 =	vld [tilespmem:s28+$0xFFFFFF20]  }
0x24b: {  	v29 =	vld [tilespmem:s28+$0xFFFFFF30]  }
0x24c: {  	v34 =	vld [tilespmem:s28+$0xFFFFFF40]  }
.Ltmp4:
0x24d: {  	v35 =	vld [tilespmem:s28+$0xFFFFFF50];
	(pc) =	sbr.rel @p0 .LBB2_10-.Ltmp4, $4  }
0x24e: {  	v32 =	vld [tilespmem:s28+$0xFFFFFF60]  }
0x24f: {  	v33 =	vld [tilespmem:s28+$0xFFFFFF70]  }
0x250: {  	v25 =	vld [tilespmem:s28+$0xFFFFFF90]  }
0x251: {  	s7 =	sadd.s32 $0x2, s7;
	v28 =	vld [tilespmem:s28+$0xFFFFFFA0]  }
0x252: {  	v36 =	vld [tilespmem:s28+$0xFFFFFFB0];
	v19 =	vmax.f32 v19, v23;
	v20 =	vmax.f32 v20, v24;
	v21 =	vmax.f32 v21, v26  }
0x253: {  	v51 =	vmax.f32 v30, v34;
	v52 =	vmax.f32 v31, v35;
	v53 =	vld [tilespmem:s28+$0xFFFFFFF0];
	v18 =	vmax.f32 v18, v22  }
0x254: {  	v56 =	vld [tilespmem:s28+$0xE0];
	v54 =	vmax.f32 v27, v32;
	v11 =	vmax.f32 v19, v11;
	v13 =	vmax.f32 v20, v13  }
0x255: {  	v57 =	vld [tilespmem:s28+$0xF0];
	v15 =	vmax.f32 v21, v15;
	v16 =	vmax.f32 v18, v16;
	v17 =	vmax.f32 v51, v17  }
0x256: {  	v55 =	vmax.f32 v29, v33;
	v10 =	vmax.f32 v17, v10;
	v7 =	vmax.f32 v11, v7  }
0x257: {  	v58 =	vmax.f32 v52, v25;
	v59 =	vmax.f32 v54, v28;
	v60 =	vmax.f32 v55, v36  }
0x258: {  	v61 =	vmax.f32 v58, v12;
	v62 =	vmax.f32 v59, v14;
	v63 =	vmax.f32 v60, v53  }
0x259: {  	v6 =	vmax.f32 v13, v6;
	v10 =	vmax.f32 v10, v61;
	v14 =	vmax.f32 v62, v63  }
0x25a: {  	v17 =	vmax.f32 v15, v56;
	v18 =	vmax.f32 v16, v57;
	v10 =	vmax.f32 v10, v14  }
0x25b: {  	v6 =	vmax.f32 v7, v6;
	v7 =	vmax.f32 v17, v18;
	vm0 =	vgt.f32 v10, v9  }
0x25c: {  	v6 =	vmax.f32 v6, v7;
	v9 =	vsel vm0, v10, v9  }
0x25d: {  	s28 =	sadd.s32 $0x1, s6;
	v7 =	vsel vm0, s6, v8;
	vm11 =	vgt.f32 v6, v9  }
0x25e: {  	v6 =	vsel vm11, v6, v9;
	v7 =	vsel vm11, s28, v7  }
0x25f: {  	v19 =	vperm.xlane v6, v1;
	v20 =	vperm.xlane v7, v1;
	_ =	sdelay $0x1  }
0x260: {  	vm12 =	veq.f32 v19, v6;
	vm1 =	vlt.s32 v20, v7  }
0x261: {  	vm2 =	vgt.f32 v19, v6;
	vm0 =	vmand vm12, vm1  }
0x262: {  	vm0 =	vmor vm2, vm0  }
0x263: {  	v6 =	vsel vm0, v19, v6;
	v7 =	vsel vm0, v20, v7  }
0x264: {  	v8 =	vperm.xlane v6, v2;
	v9 =	vperm.xlane v7, v2;
	_ =	sdelay $0x1  }
0x265: {  	vm13 =	veq.f32 v8, v6;
	vm14 =	vlt.s32 v9, v7  }
0x266: {  	vm15 =	vgt.f32 v8, v6;
	vm0 =	vmand vm13, vm14  }
0x267: {  	vm0 =	vmor vm15, vm0  }
0x268: {  	v6 =	vsel vm0, v8, v6;
	v7 =	vsel vm0, v9, v7  }
0x269: {  	v8 =	vperm.xlane v6, v3;
	v9 =	vperm.xlane v7, v3;
	_ =	sdelay $0x1  }
0x26a: {  	vm4 =	veq.f32 v8, v6;
	vm5 =	vlt.s32 v9, v7  }
0x26b: {  	vm6 =	vgt.f32 v8, v6;
	vm0 =	vmand vm4, vm5  }
0x26c: {  	vm0 =	vmor vm6, vm0  }
0x26d: {  	v6 =	vsel vm0, v8, v6;
	v7 =	vsel vm0, v9, v7  }
0x26e: {  	v8 =	vperm.xlane v6, v4;
	v9 =	vperm.xlane v7, v4;
	_ =	sdelay $0x1  }
0x26f: {  	vm7 =	veq.f32 v8, v6;
	vm8 =	vlt.s32 v9, v7  }
0x270: {  	vm9 =	vgt.f32 v8, v6;
	vm0 =	vmand vm7, vm8  }
0x271: {  	vm0 =	vmor vm9, vm0  }
0x272: {  	v7 =	vsel vm0, v9, v7  }
0x273: {  	(v2sf) =	vpush v7, $0x0;
	_ =	sdelay $0xe  }
0x274: {  	s7 =	spop (v2sf)  }
0x275: {  	s6 =	sshll.u32 s7, $0x8  }
0x276: {  	v7 =	vld [tilespmem:s6+$0x8000];
	_ =	sdelay $0x1  }
0x277: {  	v21 =	vld [tilespmem:s6+$0x8010]  }
0x278: {  	v22 =	vor.u32 s6, v5;
	v23 =	vld [tilespmem:s6+$0x8020]  }
0x279: {  	v6 =	vsel vm0, v8, v6;
	vm10 =	vlt.s32 v22, $0x40000000  }
0x27a: {  	s7 =	sor.u32 $0x10, s6;
	v24 =	vld [tilespmem:s6+$0x8030];
	vm11 =	veq.f32 v7, v6;
	v7 =	vnsel vm10, $0x40000000, v22  }
0x27b: {  	s22 =	sor.u32 $0x20, s6;
	v25 =	vor.u32 s7, v5;
	v7 =	vnsel vm11, $0x40000000, v7  }
0x27c: {  	v26 =	vld [tilespmem:s6+$0x8040];
	v27 =	vor.u32 s22, v5;
	vm1 =	vlt.s32 v7, v25  }
0x27d: {  	vm12 =	veq.f32 v21, v6;
	vm13 =	veq.f32 v23, v6;
	v10 =	vsel vm1, v7, v25  }
0x27e: {  	s28 =	sor.u32 $0x30, s6;
	v29 =	vld [tilespmem:s6+$0x8050];
	v28 =	vnsel vm13, $0x40000000, v27;
	v7 =	vsel vm12, v10, v7  }
0x27f: {  	v30 =	vor.u32 s28, v5;
	vm14 =	veq.f32 v24, v6;
	vm0 =	vlt.s32 v7, v28  }
0x280: {  	v31 =	vld [tilespmem:s6+$0x8060];
	s22 =	sor.u32 $0x40, s6;
	v8 =	vnsel vm14, $0x40000000, v30;
	v7 =	vsel vm0, v7, v28  }
0x281: {  	v32 =	vor.u32 s22, v5;
	vm15 =	veq.f32 v26, v6;
	vm0 =	vlt.s32 v7, v8  }
0x282: {  	v34 =	vld [tilespmem:s6+$0x8070];
	s28 =	sor.u32 $0x50, s6;
	v33 =	vnsel vm15, $0x40000000, v32;
	v7 =	vsel vm0, v7, v8  }
0x283: {  	v35 =	vor.u32 s28, v5;
	vm4 =	veq.f32 v29, v6;
	vm0 =	vlt.s32 v7, v33  }
0x284: {  	v37 =	vld [tilespmem:s6+$0x8080];
	s22 =	sor.u32 $0x60, s6;
	v36 =	vnsel vm4, $0x40000000, v35;
	v7 =	vsel vm0, v7, v33  }
0x285: {  	v38 =	vor.u32 s22, v5;
	vm5 =	veq.f32 v31, v6;
	vm0 =	vlt.s32 v7, v36  }
0x286: {  	v40 =	vld [tilespmem:s6+$0x8090];
	s28 =	sor.u32 $0x70, s6;
	v39 =	vnsel vm5, $0x40000000, v38;
	v7 =	vsel vm0, v7, v36  }
0x287: {  	v41 =	vor.u32 s28, v5;
	vm6 =	veq.f32 v34, v6;
	vm0 =	vlt.s32 v7, v39  }
0x288: {  	v43 =	vld [tilespmem:s6+$0x80A0];
	s22 =	sor.u32 $0x80, s6;
	v42 =	vnsel vm6, $0x40000000, v41;
	v7 =	vsel vm0, v7, v39  }
0x289: {  	v44 =	vor.u32 s22, v5;
	vm7 =	veq.f32 v37, v6;
	vm0 =	vlt.s32 v7, v42  }
0x28a: {  	v46 =	vld [tilespmem:s6+$0x80B0];
	s28 =	sor.u32 $0x90, s6;
	v45 =	vnsel vm7, $0x40000000, v44;
	v7 =	vsel vm0, v7, v42  }
0x28b: {  	v47 =	vor.u32 s28, v5;
	vm8 =	veq.f32 v40, v6;
	vm0 =	vlt.s32 v7, v45  }
0x28c: {  	v49 =	vld [tilespmem:s6+$0x80C0];
	s22 =	sor.u32 $0xA0, s6;
	v48 =	vnsel vm8, $0x40000000, v47;
	v7 =	vsel vm0, v7, v45  }
0x28d: {  	v50 =	vor.u32 s22, v5;
	vm9 =	veq.f32 v43, v6;
	vm0 =	vlt.s32 v7, v48  }
0x28e: {  	v52 =	vld [tilespmem:s6+$0x80D0];
	s28 =	sor.u32 $0xB0, s6;
	v51 =	vnsel vm9, $0x40000000, v50;
	v7 =	vsel vm0, v7, v48  }
0x28f: {  	v53 =	vor.u32 s28, v5;
	vm10 =	veq.f32 v46, v6;
	vm0 =	vlt.s32 v7, v51  }
0x290: {  	v55 =	vld [tilespmem:s6+$0x80E0];
	s22 =	sor.u32 $0xC0, s6;
	v54 =	vnsel vm10, $0x40000000, v53;
	v7 =	vsel vm0, v7, v51  }
0x291: {  	v56 =	vor.u32 s22, v5;
	vm11 =	veq.f32 v49, v6;
	vm0 =	vlt.s32 v7, v54  }
0x292: {  	v58 =	vld [tilespmem:s6+$0x80F0];
	s28 =	sor.u32 $0xD0, s6;
	v57 =	vnsel vm11, $0x40000000, v56;
	v7 =	vsel vm0, v7, v54  }
0x293: {  	v59 =	vor.u32 s28, v5;
	vm12 =	veq.f32 v52, v6;
	vm0 =	vlt.s32 v7, v57  }
0x294: {  	s22 =	sor.u32 $0xE0, s6;
	v60 =	vnsel vm12, $0x40000000, v59;
	v7 =	vsel vm0, v7, v57  }
0x295: {  	vm13 =	veq.f32 v55, v6;
	v61 =	vor.u32 s22, v5;
	vm0 =	vlt.s32 v7, v60  }
0x296: {  	s6 =	sor.u32 $0xF0, s6;
	v62 =	vnsel vm13, $0x40000000, v61;
	v7 =	vsel vm0, v7, v60  }
0x297: {  	vm14 =	veq.f32 v58, v6;
	v63 =	vor.u32 s6, v5;
	vm0 =	vlt.s32 v7, v62  }
0x298: {  	v6 =	vsel vm0, v7, v62;
	v7 =	vnsel vm14, $0x40000000, v63  }
0x299: {  	vm0 =	vlt.s32 v6, v7  }
0x29a: {  	v6 =	vsel vm0, v6, v7  }
0x29b: {  	v7 =	vperm.xlane v6, v1;
	_ =	sdelay $0x1  }
0x29c: {  	vm0 =	vlt.s32 v6, v7  }
0x29d: {  	v6 =	vsel vm0, v6, v7  }
0x29e: {  	v7 =	vperm.xlane v6, v2;
	_ =	sdelay $0x1  }
0x29f: {  	vm0 =	vlt.s32 v6, v7  }
0x2a0: {  	v6 =	vsel vm0, v6, v7  }
0x2a1: {  	v7 =	vperm.xlane v6, v3;
	_ =	sdelay $0x1  }
0x2a2: {  	vm0 =	vlt.s32 v6, v7  }
0x2a3: {  	v6 =	vsel vm0, v6, v7  }
0x2a4: {  	v7 =	vperm.xlane v6, v4;
	_ =	sdelay $0x1  }
0x2a5: {  	vm0 =	vlt.s32 v6, v7  }
0x2a6: {  	v6 =	vsel vm0, v6, v7  }
0x2a7: {  	(v2sf) =	vpush v6, $0x0;
	_ =	sdelay $0xe  }
0x2a8: {  	s6 =	spop (v2sf)  }
0x2a9: {  	s28 =	sand.u32 $0xF, s6  }
0x2aa: {  	s22 =	sshra.s32 s6, $0x1F;
	p0 =	slt.s32 s6, $0x1;
	p1 =	sne.s32 s28, $0x0  }
0x2ab: {  	s22 =	sshrl.u32 s22, $0x1C;
	p0 =	por !p0, !p1  }
0x2ac: {  	s7 =	sadd.s32 s22, s6;
	s22 =	simm.s32 $0x1;
	p0 =	por !p0, !p0  }
0x2ad: {  	s7 =	sshra.s32 s7, $0x4;
	s22 =	simm.s32 @!p0 $0x0  }
0x2ae: {  	s7 =	ssub.s32 s7, s22  }
0x2af: {  	s22 =	sshll.u32 s7, $0x4  }
0x2b0: {  	s6 =	ssub.s32 s6, s22  }
0x2b1: {  	v6 =	vmov s6  }
0x2b2: {  	vm15 =	veq.s32 v6, v5  }
0x2b3: {  	v6 =	vsel vm15, $0x3F800000, v0  }
0x2b4: {  	[tilespmem:$0x18030] =	vst v6  }
0x2b5: {  	_ =	swait.ge [sflag:s23], $0x8000  }
0x2b6: {  	[sflag:s23] =	ssyncset.done $0x0  }
0x2b7: {  	[sflag:s23] =	ssyncadd.s32 $0xFFFF8000  }
0x2b8: {  	_ =	swait.ge [sflag:s23], $0x8000  }
0x2b9: {  	[sflag:s23] =	ssyncset.done $0x0  }
0x2ba: {  	s0 =	sshll.u32 s0, $0x7;
	[sflag:s23] =	ssyncadd.s32 $0xFFFF8000  }
0x2bb: {  	s0 =	sand.u32 $0xFFFFFC00, s0;
	_ =	swait.ge [sflag:s23], $0x8000  }
0x2bc: {  	s0 =	sadd.s32 s4, s0;
	s28 =	sand.u32 $0x70, s31;
	[sflag:s23] =	ssyncset.done $0x0  }
0x2bd: {  	s0 =	sor.u32 s28, s0;
	[sflag:s23] =	ssyncadd.s32 $0xFFFF8000  }
0x2be: {  	s0 =	sor.u32 s5, s0;
	_ =	swait.ge [sflag:s23], $0x8000  }
0x2bf: {  	s31 =	simm.s32 $0x18000;
	s0 =	sshrl.u32 s0, $0x3;
	[sflag:s23] =	ssyncset.done $0x0  }
0x2c0: {  	s28 =	sshll.u32 s24, $0x7;
	s0 =	sadd.s32 s2, s0;
	[sflag:s23] =	ssyncadd.s32 $0xFFFF8000  }
0x2c1: {  	[hbm4b:s0+s3] =	stream.linear.scatter [tilespmem:s31], [sflag:$0x3], $0x10, $0x38;
	[tilespmem:$0x18080] =	vst v63  }
0x2c2: {  	s0 =	sand.u32 $0xFFFFFC00, s28  }
0x2c3: {  	s1 =	sand.u32 $0x70, s1;
	s0 =	sadd.s32 s4, s0  }
0x2c4: {  	s0 =	sor.u32 s1, s0  }
0x2c5: {  	s0 =	sor.u32 s8, s0  }
0x2c6: {  	s0 =	sshrl.u32 s0, $0x3  }
0x2c7: {  	s6 =	sshll.u32 s26, $0x7;
	s31 =	simm.s32 $0x18010;
	s0 =	sadd.s32 s2, s0  }
0x2c8: {  	[hbm4b:s0+s3] =	stream.linear.scatter [tilespmem:s31], [sflag:$0x3], $0x10, $0x38;
	[tilespmem:$0x18080] =	vst v63  }
0x2c9: {  	s0 =	sand.u32 $0xFFFFFC00, s6  }
0x2ca: {  	s24 =	sand.u32 $0x70, s25;
	s0 =	sadd.s32 s4, s0  }
0x2cb: {  	s0 =	sor.u32 s24, s0  }
0x2cc: {  	s0 =	sor.u32 s9, s0  }
0x2cd: {  	s0 =	sshrl.u32 s0, $0x3  }
0x2ce: {  	s25 =	simm.s32 $0x18020;
	s26 =	sshll.u32 s7, $0x7;
	s0 =	sadd.s32 s2, s0  }
0x2cf: {  	[hbm4b:s0+s3] =	stream.linear.scatter [tilespmem:s25], [sflag:$0x3], $0x10, $0x38;
	[tilespmem:$0x18080] =	vst v63  }
0x2d0: {  	s0 =	sand.u32 $0xFFFFFC00, s26  }
0x2d1: {  	s28 =	sand.u32 $0x70, s22;
	s0 =	sadd.s32 s4, s0  }
0x2d2: {  	s0 =	sor.u32 s28, s0  }
0x2d3: {  	s0 =	sor.u32 s10, s0  }
0x2d4: {  	s0 =	sshrl.u32 s0, $0x3  }
0x2d5: {  	s31 =	simm.s32 $0x18030;
	s0 =	sadd.s32 s2, s0  }
0x2d6: {  	[hbm4b:s0+s3] =	stream.linear.scatter [tilespmem:s31], [sflag:$0x3], $0x10, $0x38;
	[tilespmem:$0x18080] =	vst v63  }
0x2d7: {  	_ =	swait.ge [sflag:s29], $0x10  }
0x2d8: {  	[sflag:s29] =	ssyncset.done $0x0  }
0x2d9: {  	[sflag:s29] =	ssyncadd.s32 $0xFFFFFFF0  }
0x2da: {  	_ =	swait.ge [sflag:s29], $0x10  }
0x2db: {  	[sflag:s29] =	ssyncset.done $0x0  }
0x2dc: {  	s30 =	sadd.s32 $0x1, s30;
	[sflag:s29] =	ssyncadd.s32 $0xFFFFFFF0  }
0x2dd: {  	p0 =	sne.s32 s30, s17;
	_ =	swait.ge [sflag:s29], $0x10  }
.Ltmp5:
0x2de: {  	[sflag:s29] =	ssyncset.done $0x0;
	(pc) =	sbr.rel @p0 .LBB2_1-.Ltmp5, $4  }
0x2df: {  	[sflag:s29] =	ssyncadd.s32 $0xFFFFFFF0  }
0x2e0: {  	_ =	swait.ge [sflag:s29], $0x10  }
0x2e1: {  	[sflag:s29] =	ssyncset.done $0x0  }
0x2e2: {  	s22 =	simm.s32 $0x8000;
	[sflag:s29] =	ssyncadd.s32 $0xFFFFFFF0  }
0x2e3: {  	_ =	sfence.sel $0x180000  }
0x2e4: {  	[bflag:$0x0] =	sbarrier.arrive $0xFFFF  }
0x2e5: {  	_ =	strace $0x90000047  }
0x2e6: {  	s0 =	stileid.u32;
	[bflag:$0x2] =	sbarrier.arrive $0xFFFF  }
0x2e7: {  	p0 =	sne.s32 s0, $0x0;
	s0 =	rddreg [dreg:$0x2]  }
0x2e8: {  	s0 =	sadd.s32 @!p0 $0x100000, s0  }
0x2e9: {  	[sflag:s0] =	ssyncadd.tile.s32 @!p0 $0x1;
	_ =	shalt  }
.Lfunc_end2:
_tile_overlayer_lowered:
.L_overlay_start_2:
0x2ea: {  	(tag) =	ssettag $0x2  }
0x2eb: {  	s0 =	rddreg [dreg:$0x0];
	s2 =	stileid.u32  }
0x2ec: {  	s1 =	rddreg [dreg:$0x1];
	p0 =	sne.s32 s2, $0x0  }
0x2ed: {  	s3 =	rddreg [dreg:$0x2];
	[bflag:$0x3] =	sbarrier.arrive $0xFFFF;
	s2 =	simm.s32 @!p0 $0x1C04  }
0x2ee: {  	[timem:s3], [sflag:s2] =	dma.local @!p0 [hbm:s0], s1  }
0x2ef: {  	s0 =	simm.s32 @!p0 $0x4  }
0x2f0: {  	_ =	swait.ge @!p0 [sflag:s0], s1  }
0x2f1: {  	s1 =	ssub.s32 @!p0 $0x0, s1;
	[sflag:s0] =	ssyncset.done @!p0 $0x0  }
0x2f2: {  	[sflag:s0] =	ssyncadd.s32 @!p0 s1  }
0x2f3: {  	[bflag:$0x3] =	sbarrier.arrive $0xFFFF  }
0x2f4: {  	_ =	shalt  }

</sc_bundles>
